<compile_context>
chip_gen: v7x
topology: tpu7x:2x2x1
jax: 0.10.2.dev20260603
libtpu: 0.0.44.dev20260713+nightly
codegen_flags: <defaults>
</compile_context>

<pallas_src>
import functools

import jax
import jax.numpy as jnp
from jax import lax
from jax.experimental import pallas as pl
from jax.experimental.pallas import tpu as pltpu
from jax.experimental.pallas import tpu_sc as plsc

N = 10000
NP = 10240
G = 16
E = 320000
EP = 327680
EB = 128
NW = 32
RPW = EP // EB // NW
RPT = NP // 16


def _make_agg(w):
    mesh = plsc.VectorSubcoreMesh(core_axis_name="c", subcore_axis_name="s")

    @functools.partial(
        pl.kernel,
        mesh=mesh,
        out_type=jax.ShapeDtypeStruct((2 * NP, w), jnp.float32),
        compiler_params=pltpu.CompilerParams(use_tc_tiling_on_sc=False),
        scratch_types=[
            pltpu.VMEM((RPW, EB), jnp.int32),
            pltpu.VMEM((RPW, EB), jnp.int32),
            pltpu.VMEM((EB, w), jnp.float32),
            pltpu.VMEM_SHARED((NP, w), jnp.float32),
            pltpu.SemaphoreType.DMA,
        ],
    )
    def agg(g_hbm, src_hbm, dst_hbm, out_hbm, src_v, dst_v, rows_v, acc, sem):
        cid = lax.axis_index("c")
        sid = lax.axis_index("s")
        wid = cid * 16 + sid
        r0 = sid * RPT
        pltpu.sync_copy(g_hbm.at[pl.ds(r0, RPT)], acc.at[pl.ds(r0, RPT)])
        base = wid * RPW
        pltpu.sync_copy(src_hbm.at[pl.ds(base, RPW)], src_v)
        pltpu.sync_copy(dst_hbm.at[pl.ds(base, RPW)], dst_v)
        plsc.subcore_barrier()

        def body(j, carry):
            pltpu.async_copy(g_hbm.at[src_v.at[j]], rows_v, sem).wait()
            pltpu.sync_copy(rows_v, acc.at[dst_v.at[j]], add=True)
            return carry

        lax.fori_loop(0, RPW, body, 0)
        plsc.subcore_barrier()
        pltpu.sync_copy(acc.at[pl.ds(r0, RPT)],
                        out_hbm.at[pl.ds(cid * NP + r0, RPT)])

    return agg


def _tc(body, out_shapes, *args):
    return pl.pallas_call(body, out_shape=out_shapes)(*args)


def _first_body(degp_ref, x_ref, w1_ref, g1_ref, dinv_ref):
    deg = degp_ref[0:NP, 0:1] + degp_ref[NP:2 * NP, 0:1] - 1.0
    dinv = lax.rsqrt(jnp.maximum(deg, 1.0))
    dinv_ref[...] = dinv
    g1_ref[...] = jnp.dot(x_ref[...], w1_ref[...],
                          preferred_element_type=jnp.float32) * dinv


def _make_mid(prev_pre, next_pre):
    def body(*refs):
        it = iter(refs)
        p_ref = next(it)
        g_ref = next(it)
        dinv_ref = next(it)
        wp_ref = next(it) if prev_pre else None
        bp_ref = next(it)
        wn_ref = None if next_pre else next(it)
        out_ref = next(it)
        s = p_ref[0:NP, :] + p_ref[NP:2 * NP, :] - g_ref[...]
        dinv = dinv_ref[...]
        t = dinv * s
        if prev_pre:
            t = jnp.dot(t, wp_ref[...], preferred_element_type=jnp.float32)
        h = jnp.maximum(t + bp_ref[...], 0.0)
        if next_pre:
            out_ref[...] = dinv * h
        else:
            out_ref[...] = dinv * jnp.dot(
                h, wn_ref[...], preferred_element_type=jnp.float32)
    return body


def _final_body(p_ref, g_ref, dinv_ref, b7_ref, batch_ref, wo_ref, bo_ref,
                out_ref):
    s = p_ref[0:NP, :] + p_ref[NP:2 * NP, :] - g_ref[...]
    h = jnp.maximum(dinv_ref[...] * s + b7_ref[...], 0.0)
    onehot = (batch_ref[...] ==
              lax.broadcasted_iota(jnp.int32, (1, G), 1)).astype(jnp.float32)
    dnums = (((0,), (0,)), ((), ()))
    counts = lax.dot_general(onehot, jnp.ones((NP, 1), jnp.float32), dnums,
                             preferred_element_type=jnp.float32)
    pooled = lax.dot_general(onehot, h, dnums,
                             preferred_element_type=jnp.float32)
    pooled = pooled / jnp.maximum(counts, 1.0)
    out_ref[...] = jnp.dot(pooled, wo_ref[...],
                           preferred_element_type=jnp.float32) + bo_ref[...]


def kernel(x, edge_index, batch, W1, b1, W2, b2, W3, b3, W4, b4, W5, b5,
           W6, b6, W7, b7, Wo, bo):
    f32 = jnp.float32
    xp = jnp.pad(x, ((0, NP - N), (0, 0)))
    src = jnp.concatenate(
        [edge_index[0], jnp.zeros((EP - E,), jnp.int32)]).reshape(NW * RPW, EB)
    dst = jnp.concatenate(
        [edge_index[1], jnp.full((EP - E,), N, jnp.int32)]).reshape(NW * RPW, EB)
    batch_p = jnp.pad(batch, (0, NP - N), constant_values=G).reshape(NP, 1)
    ones16 = jnp.ones((NP, 16), f32)

    agg16 = _make_agg(16)
    agg32 = _make_agg(32)
    agg64 = _make_agg(64)

    degp = agg16(ones16, src, dst)

    g1, dinv = _tc(
        _first_body,
        (jax.ShapeDtypeStruct((NP, 16), f32),
         jax.ShapeDtypeStruct((NP, 1), f32)),
        degp, xp, W1)

    p = agg16(g1, src, dst)
    g2 = _tc(_make_mid(False, True), jax.ShapeDtypeStruct((NP, 16), f32),
             p, g1, dinv, b1.reshape(1, -1))
    p = agg16(g2, src, dst)
    g3 = _tc(_make_mid(True, True), jax.ShapeDtypeStruct((NP, 32), f32),
             p, g2, dinv, W2, b2.reshape(1, -1))
    p = agg32(g3, src, dst)
    g4 = _tc(_make_mid(True, True), jax.ShapeDtypeStruct((NP, 64), f32),
             p, g3, dinv, W3, b3.reshape(1, -1))
    p = agg64(g4, src, dst)
    g5 = _tc(_make_mid(True, False), jax.ShapeDtypeStruct((NP, 64), f32),
             p, g4, dinv, W4, b4.reshape(1, -1), W5)
    p = agg64(g5, src, dst)
    g6 = _tc(_make_mid(False, False), jax.ShapeDtypeStruct((NP, 32), f32),
             p, g5, dinv, b5.reshape(1, -1), W6)
    p = agg32(g6, src, dst)
    g7 = _tc(_make_mid(False, False), jax.ShapeDtypeStruct((NP, 16), f32),
             p, g6, dinv, b6.reshape(1, -1), W7)
    p = agg16(g7, src, dst)
    out = _tc(_final_body, jax.ShapeDtypeStruct((G, 1), f32),
              p, g7, dinv, b7.reshape(1, -1), batch_p, Wo,
              bo.reshape(1, 1))
    return jnp.squeeze(out)

# --- scband reference (transcript-rebuilt; emitter-appended) ---
"""Pipeline reference for scband-gcn-73684458930861 (READ-ONLY COPY).

The authoritative reference and input builder live on the scoring server;
editing this copy changes nothing except your own understanding.
"""

import jax, jax.numpy as jnp
import numpy as np

N = 10000
E = 320000
F_IN = 128
H = 16
G = 16

DIMS = [(F_IN, H), (H, 2*H), (2*H, 4*H), (4*H, 8*H), (8*H, 4*H), (4*H, 2*H), (2*H, H)]


def setup_inputs(seed: int = 0) -> dict:
    key = jax.random.key(seed)
    ks = jax.random.split(key, 32)
    inp = {}
    inp['x'] = jax.random.normal(ks[0], (N, F_IN), dtype=jnp.float32)
    inp['edge_index'] = jax.random.randint(ks[1], (2, E), 0, N, dtype=jnp.int32)
    inp['batch'] = jnp.sort(jax.random.randint(ks[2], (N,), 0, G, dtype=jnp.int32))
    for i, (din, dout) in enumerate(DIMS):
        inp['W%d' % (i + 1)] = jax.random.normal(ks[3 + 2 * i], (din, dout), dtype=jnp.float32) * (1.0 / np.sqrt(din))
        inp['b%d' % (i + 1)] = jnp.zeros((dout,), dtype=jnp.float32)
    inp['Wo'] = jax.random.normal(ks[20], (H, 1), dtype=jnp.float32) * (1.0 / np.sqrt(H))
    inp['bo'] = jnp.zeros((1,), dtype=jnp.float32)
    return inp


def _gcn_conv(x, src, dst, W, b):
    n = x.shape[0]
    deg = jax.ops.segment_sum(jnp.ones_like(dst, dtype=x.dtype), dst, num_segments=n)
    dinv = jax.lax.rsqrt(jnp.maximum(deg, 1.0))
    h = x @ W
    norm = dinv[src] * dinv[dst]
    msg = h[src] * norm[:, None]
    out = jax.ops.segment_sum(msg, dst, num_segments=n)
    return out + b


def reference(x, edge_index, batch, W1, b1, W2, b2, W3, b3, W4, b4, W5, b5, W6, b6, W7, b7, Wo, bo):
    n = x.shape[0]
    loop = jnp.arange(n, dtype=edge_index.dtype)
    src = jnp.concatenate([edge_index[0], loop])
    dst = jnp.concatenate([edge_index[1], loop])
    h = x
    params = [(W1, b1), (W2, b2), (W3, b3), (W4, b4), (W5, b5), (W6, b6), (W7, b7)]
    for (W, b) in params:
        h = _gcn_conv(h, src, dst, W, b)
        h = jax.nn.relu(h)
    counts = jax.ops.segment_sum(jnp.ones((n,), dtype=h.dtype), batch, num_segments=G)
    pooled = jax.ops.segment_sum(h, batch, num_segments=G) / jnp.maximum(counts, 1.0)[:, None]
    out = pooled @ Wo + bo
    return jnp.squeeze(out)

if __name__ == "__main__":
    import jax
    _d = setup_inputs()
    print(jax.jit(kernel)(*tuple(_d.values())))

</pallas_src>

<mosaic_0001>
#map = affine_map<(d0, d1) -> (0, 0)>
module attributes {stable_mosaic.version = 14 : i64} {
  func.func @agg(%arg0: i32, %arg1: i32, %arg2: memref<10240x16xf32, #tpu.memory_space<hbm>>, %arg3: memref<2560x128xi32, #tpu.memory_space<hbm>>, %arg4: memref<2560x128xi32, #tpu.memory_space<hbm>>, %arg5: memref<20480x16xf32, #tpu.memory_space<hbm>>, %arg6: memref<80x128xi32, #tpu.memory_space<vmem>>, %arg7: memref<80x128xi32, #tpu.memory_space<vmem>>, %arg8: memref<128x16xf32, #tpu.memory_space<vmem>>, %arg9: memref<10240x16xf32, #tpu.memory_space<vmem_shared>>, %arg10: memref<!tpu.dma_semaphore, #tpu.memory_space<semaphore_mem>>) attributes {dimension_semantics = [#tpu.dimension_semantics<core_parallel>, #tpu.dimension_semantics<subcore_parallel>], iteration_bounds = array<i64: 2, 16>, scalar_prefetch = 0 : i64, scratch_operands = 5 : i64, tpu.core_type = #tpu.core_type<sc_vector_subcore>, window_params = [{transform_indices = #map}, {transform_indices = #map}, {transform_indices = #map}, {transform_indices = #map}]} {
    %mul3A = arith.constant 16 : i32
    %mul3A_0 = arith.muli %arg0, %mul3A : i32
    %add3A = arith.addi %mul3A_0, %arg1 : i32
    %mul3A_1 = arith.constant 640 : i32
    %mul3A_2 = arith.muli %arg1, %mul3A_1 : i32
    "tpu.region"() ({
      %run_scoped3A = tpu.sem_alloc : memref<!tpu.dma_semaphore, #tpu.memory_space<semaphore_mem>>
      %dma_start3A = arith.constant 0 : i32
      %dma_start3A_14 = tpu.memref_slice %arg9[%mul3A_2, %dma_start3A] : memref<10240x16xf32, #tpu.memory_space<vmem_shared>> -> memref<640x16xf32, #tpu.memory_space<vmem_shared>>
      %dma_start3A_15 = arith.constant 0 : i32
      %dma_start3A_16 = tpu.memref_slice %arg2[%mul3A_2, %dma_start3A_15] : memref<10240x16xf32, #tpu.memory_space<hbm>> -> memref<640x16xf32, #tpu.memory_space<hbm>>
      tpu.enqueue_dma source(%dma_start3A_16 : memref<640x16xf32, #tpu.memory_space<hbm>>) target(%dma_start3A_14 : memref<640x16xf32, #tpu.memory_space<vmem_shared>>) target_semaphore(%run_scoped3A : memref<!tpu.dma_semaphore, #tpu.memory_space<semaphore_mem>>)
      %dma_wait3A = arith.constant 0 : i32
      %dma_wait3A_17 = tpu.memref_slice %arg9[%mul3A_2, %dma_wait3A] : memref<10240x16xf32, #tpu.memory_space<vmem_shared>> -> memref<640x16xf32, #tpu.memory_space<vmem_shared>>
      %dma_wait3A_18 = arith.constant 0 : i32
      %dma_wait3A_19 = tpu.memref_slice %arg2[%mul3A_2, %dma_wait3A_18] : memref<10240x16xf32, #tpu.memory_space<hbm>> -> memref<640x16xf32, #tpu.memory_space<hbm>>
      tpu.wait_dma2 semaphore(%run_scoped3A : memref<!tpu.dma_semaphore, #tpu.memory_space<semaphore_mem>>) src(%dma_wait3A_19 : memref<640x16xf32, #tpu.memory_space<hbm>>) dst(%dma_wait3A_17 : memref<640x16xf32, #tpu.memory_space<vmem_shared>>)
      tpu.yield
    }) : () -> ()
    %mul3A_3 = arith.constant 80 : i32
    %mul3A_4 = arith.muli %add3A, %mul3A_3 : i32
    "tpu.region"() ({
      %run_scoped3A = tpu.sem_alloc : memref<!tpu.dma_semaphore, #tpu.memory_space<semaphore_mem>>
      %dma_start3A = arith.constant 0 : i32
      %dma_start3A_14 = tpu.memref_slice %arg3[%mul3A_4, %dma_start3A] : memref<2560x128xi32, #tpu.memory_space<hbm>> -> memref<80x128xi32, #tpu.memory_space<hbm>>
      %dma_start3A_15 = arith.constant 0 : i32
      %dma_start3A_16 = tpu.memref_slice %arg3[%mul3A_4, %dma_start3A_15] : memref<2560x128xi32, #tpu.memory_space<hbm>> -> memref<80x128xi32, #tpu.memory_space<hbm>>
      tpu.enqueue_dma source(%dma_start3A_16 : memref<80x128xi32, #tpu.memory_space<hbm>>) target(%arg6 : memref<80x128xi32, #tpu.memory_space<vmem>>) target_semaphore(%run_scoped3A : memref<!tpu.dma_semaphore, #tpu.memory_space<semaphore_mem>>)
      %dma_wait3A = arith.constant 0 : i32
      %dma_wait3A_17 = tpu.memref_slice %arg3[%mul3A_4, %dma_wait3A] : memref<2560x128xi32, #tpu.memory_space<hbm>> -> memref<80x128xi32, #tpu.memory_space<hbm>>
      %dma_wait3A_18 = arith.constant 0 : i32
      %dma_wait3A_19 = tpu.memref_slice %arg3[%mul3A_4, %dma_wait3A_18] : memref<2560x128xi32, #tpu.memory_space<hbm>> -> memref<80x128xi32, #tpu.memory_space<hbm>>
      tpu.wait_dma2 semaphore(%run_scoped3A : memref<!tpu.dma_semaphore, #tpu.memory_space<semaphore_mem>>) src(%dma_wait3A_19 : memref<80x128xi32, #tpu.memory_space<hbm>>) dst(%arg6 : memref<80x128xi32, #tpu.memory_space<vmem>>)
      tpu.yield
    }) : () -> ()
    "tpu.region"() ({
      %run_scoped3A = tpu.sem_alloc : memref<!tpu.dma_semaphore, #tpu.memory_space<semaphore_mem>>
      %dma_start3A = arith.constant 0 : i32
      %dma_start3A_14 = tpu.memref_slice %arg4[%mul3A_4, %dma_start3A] : memref<2560x128xi32, #tpu.memory_space<hbm>> -> memref<80x128xi32, #tpu.memory_space<hbm>>
      %dma_start3A_15 = arith.constant 0 : i32
      %dma_start3A_16 = tpu.memref_slice %arg4[%mul3A_4, %dma_start3A_15] : memref<2560x128xi32, #tpu.memory_space<hbm>> -> memref<80x128xi32, #tpu.memory_space<hbm>>
      tpu.enqueue_dma source(%dma_start3A_16 : memref<80x128xi32, #tpu.memory_space<hbm>>) target(%arg7 : memref<80x128xi32, #tpu.memory_space<vmem>>) target_semaphore(%run_scoped3A : memref<!tpu.dma_semaphore, #tpu.memory_space<semaphore_mem>>)
      %dma_wait3A = arith.constant 0 : i32
      %dma_wait3A_17 = tpu.memref_slice %arg4[%mul3A_4, %dma_wait3A] : memref<2560x128xi32, #tpu.memory_space<hbm>> -> memref<80x128xi32, #tpu.memory_space<hbm>>
      %dma_wait3A_18 = arith.constant 0 : i32
      %dma_wait3A_19 = tpu.memref_slice %arg4[%mul3A_4, %dma_wait3A_18] : memref<2560x128xi32, #tpu.memory_space<hbm>> -> memref<80x128xi32, #tpu.memory_space<hbm>>
      tpu.wait_dma2 semaphore(%run_scoped3A : memref<!tpu.dma_semaphore, #tpu.memory_space<semaphore_mem>>) src(%dma_wait3A_19 : memref<80x128xi32, #tpu.memory_space<hbm>>) dst(%arg7 : memref<80x128xi32, #tpu.memory_space<vmem>>)
      tpu.yield
    }) : () -> ()
    %barrier3A = arith.constant 0 : index
    tpu.barrier barrier_id(%barrier3A)
    %scan3A = arith.constant 0 : i32
    %scan3A_5 = arith.constant 0 : i32
    %scan3A_6 = arith.constant 80 : i32
    %scan3A_7 = arith.addi %scan3A_5, %scan3A_6 : i32
    %scan3A_8 = arith.constant 1 : i32
    scf.for %scan3A_14 = %scan3A_5 to %scan3A_7 step %scan3A_8  : i32 {
      %dma_start3A = arith.constant 0 : i32
      %dma_start3A_15 = tpu.memref_slice %arg6[%scan3A_14, %dma_start3A] : memref<80x128xi32, #tpu.memory_space<vmem>> -> memref<1x128xi32, #tpu.memory_space<vmem>>
      %dma_start3A_16 = tpu.memref_squeeze %dma_start3A_15 : memref<1x128xi32, #tpu.memory_space<vmem>> -> memref<128xi32, #tpu.memory_space<vmem>>
      %dma_start3A_17 = arith.constant 0 : i32
      %dma_start3A_18 = arith.constant 0 : i32
      %dma_start3A_19 = tpu.memref_slice %arg2[%dma_start3A_17, %dma_start3A_18] : memref<10240x16xf32, #tpu.memory_space<hbm>> -> memref<10240x16xf32, #tpu.memory_space<hbm>>
      tpu.enqueue_indirect_dma source(%dma_start3A_19 : memref<10240x16xf32, #tpu.memory_space<hbm>>) target(%arg8 : memref<128x16xf32, #tpu.memory_space<vmem>>) offsets(%dma_start3A_16 : memref<128xi32, #tpu.memory_space<vmem>>) semaphore(%arg10 : memref<!tpu.dma_semaphore, #tpu.memory_space<semaphore_mem>>)
      %dma_wait3A = arith.constant 0 : i32
      %dma_wait3A_20 = tpu.memref_slice %arg6[%scan3A_14, %dma_wait3A] : memref<80x128xi32, #tpu.memory_space<vmem>> -> memref<1x128xi32, #tpu.memory_space<vmem>>
      %dma_wait3A_21 = tpu.memref_squeeze %dma_wait3A_20 : memref<1x128xi32, #tpu.memory_space<vmem>> -> memref<128xi32, #tpu.memory_space<vmem>>
      %dma_wait3A_22 = arith.constant 0 : i32
      %dma_wait3A_23 = arith.constant 0 : i32
      %dma_wait3A_24 = tpu.memref_slice %arg2[%dma_wait3A_22, %dma_wait3A_23] : memref<10240x16xf32, #tpu.memory_space<hbm>> -> memref<10240x16xf32, #tpu.memory_space<hbm>>
      tpu.wait_indirect_dma semaphore(%arg10 : memref<!tpu.dma_semaphore, #tpu.memory_space<semaphore_mem>>) src(%dma_wait3A_24 : memref<10240x16xf32, #tpu.memory_space<hbm>>) dst(%arg8 : memref<128x16xf32, #tpu.memory_space<vmem>>)
      "tpu.region"() ({
        %run_scoped3A = tpu.sem_alloc : memref<!tpu.dma_semaphore, #tpu.memory_space<semaphore_mem>>
        %dma_start3A_25 = arith.constant 0 : i32
        %dma_start3A_26 = tpu.memref_slice %arg7[%scan3A_14, %dma_start3A_25] : memref<80x128xi32, #tpu.memory_space<vmem>> -> memref<1x128xi32, #tpu.memory_space<vmem>>
        %dma_start3A_27 = tpu.memref_squeeze %dma_start3A_26 : memref<1x128xi32, #tpu.memory_space<vmem>> -> memref<128xi32, #tpu.memory_space<vmem>>
        %dma_start3A_28 = arith.constant 0 : i32
        %dma_start3A_29 = arith.constant 0 : i32
        %dma_start3A_30 = tpu.memref_slice %arg9[%dma_start3A_28, %dma_start3A_29] : memref<10240x16xf32, #tpu.memory_space<vmem_shared>> -> memref<10240x16xf32, #tpu.memory_space<vmem_shared>>
        tpu.enqueue_indirect_dma source(%arg8 : memref<128x16xf32, #tpu.memory_space<vmem>>) target(%dma_start3A_30 : memref<10240x16xf32, #tpu.memory_space<vmem_shared>>) offsets(%dma_start3A_27 : memref<128xi32, #tpu.memory_space<vmem>>) semaphore(%run_scoped3A : memref<!tpu.dma_semaphore, #tpu.memory_space<semaphore_mem>>) {add = true}
        %dma_wait3A_31 = arith.constant 0 : i32
        %dma_wait3A_32 = tpu.memref_slice %arg7[%scan3A_14, %dma_wait3A_31] : memref<80x128xi32, #tpu.memory_space<vmem>> -> memref<1x128xi32, #tpu.memory_space<vmem>>
        %dma_wait3A_33 = tpu.memref_squeeze %dma_wait3A_32 : memref<1x128xi32, #tpu.memory_space<vmem>> -> memref<128xi32, #tpu.memory_space<vmem>>
        %dma_wait3A_34 = arith.constant 0 : i32
        %dma_wait3A_35 = arith.constant 0 : i32
        %dma_wait3A_36 = tpu.memref_slice %arg9[%dma_wait3A_34, %dma_wait3A_35] : memref<10240x16xf32, #tpu.memory_space<vmem_shared>> -> memref<10240x16xf32, #tpu.memory_space<vmem_shared>>
        tpu.wait_indirect_dma semaphore(%run_scoped3A : memref<!tpu.dma_semaphore, #tpu.memory_space<semaphore_mem>>) src(%arg8 : memref<128x16xf32, #tpu.memory_space<vmem>>) dst(%dma_wait3A_36 : memref<10240x16xf32, #tpu.memory_space<vmem_shared>>)
        tpu.yield
      }) : () -> ()
    }
    %scan3A_9 = arith.constant 80 : i32
    %barrier3A_10 = arith.constant 0 : index
    tpu.barrier barrier_id(%barrier3A_10)
    %mul3A_11 = arith.constant 10240 : i32
    %mul3A_12 = arith.muli %arg0, %mul3A_11 : i32
    %add3A_13 = arith.addi %mul3A_12, %mul3A_2 : i32
    "tpu.region"() ({
      %run_scoped3A = tpu.sem_alloc : memref<!tpu.dma_semaphore, #tpu.memory_space<semaphore_mem>>
      %dma_start3A = arith.constant 0 : i32
      %dma_start3A_14 = tpu.memref_slice %arg5[%add3A_13, %dma_start3A] : memref<20480x16xf32, #tpu.memory_space<hbm>> -> memref<640x16xf32, #tpu.memory_space<hbm>>
      %dma_start3A_15 = arith.constant 0 : i32
      %dma_start3A_16 = tpu.memref_slice %arg9[%mul3A_2, %dma_start3A_15] : memref<10240x16xf32, #tpu.memory_space<vmem_shared>> -> memref<640x16xf32, #tpu.memory_space<vmem_shared>>
      tpu.enqueue_dma source(%dma_start3A_16 : memref<640x16xf32, #tpu.memory_space<vmem_shared>>) target(%dma_start3A_14 : memref<640x16xf32, #tpu.memory_space<hbm>>) target_semaphore(%run_scoped3A : memref<!tpu.dma_semaphore, #tpu.memory_space<semaphore_mem>>)
      %dma_wait3A = arith.constant 0 : i32
      %dma_wait3A_17 = tpu.memref_slice %arg5[%add3A_13, %dma_wait3A] : memref<20480x16xf32, #tpu.memory_space<hbm>> -> memref<640x16xf32, #tpu.memory_space<hbm>>
      %dma_wait3A_18 = arith.constant 0 : i32
      %dma_wait3A_19 = tpu.memref_slice %arg9[%mul3A_2, %dma_wait3A_18] : memref<10240x16xf32, #tpu.memory_space<vmem_shared>> -> memref<640x16xf32, #tpu.memory_space<vmem_shared>>
      tpu.wait_dma2 semaphore(%run_scoped3A : memref<!tpu.dma_semaphore, #tpu.memory_space<semaphore_mem>>) src(%dma_wait3A_19 : memref<640x16xf32, #tpu.memory_space<vmem_shared>>) dst(%dma_wait3A_17 : memref<640x16xf32, #tpu.memory_space<hbm>>)
      tpu.yield
    }) : () -> ()
    return
  }
}

#map = affine_map<(d0, d1) -> (0, 0)>
module attributes {stable_mosaic.version = 14 : i64} {
  func.func @agg(%arg0: i32, %arg1: i32, %arg2: memref<10240x16xf32, #tpu.memory_space<hbm>>, %arg3: memref<2560x128xi32, #tpu.memory_space<hbm>>, %arg4: memref<2560x128xi32, #tpu.memory_space<hbm>>, %arg5: memref<20480x16xf32, #tpu.memory_space<hbm>>, %arg6: memref<80x128xi32, #tpu.memory_space<vmem>>, %arg7: memref<80x128xi32, #tpu.memory_space<vmem>>, %arg8: memref<128x16xf32, #tpu.memory_space<vmem>>, %arg9: memref<10240x16xf32, #tpu.memory_space<vmem_shared>>, %arg10: memref<!tpu.dma_semaphore, #tpu.memory_space<semaphore_mem>>) attributes {dimension_semantics = [#tpu.dimension_semantics<core_parallel>, #tpu.dimension_semantics<subcore_parallel>], iteration_bounds = array<i64: 2, 16>, scalar_prefetch = 0 : i64, scratch_operands = 5 : i64, tpu.core_type = #tpu.core_type<sc_vector_subcore>, window_params = [{transform_indices = #map}, {transform_indices = #map}, {transform_indices = #map}, {transform_indices = #map}]} {
    %mul3A = arith.constant 16 : i32
    %mul3A_0 = arith.muli %arg0, %mul3A : i32
    %add3A = arith.addi %mul3A_0, %arg1 : i32
    %mul3A_1 = arith.constant 640 : i32
    %mul3A_2 = arith.muli %arg1, %mul3A_1 : i32
    "tpu.region"() ({
      %run_scoped3A = tpu.sem_alloc : memref<!tpu.dma_semaphore, #tpu.memory_space<semaphore_mem>>
      %dma_start3A = arith.constant 0 : i32
      %dma_start3A_14 = tpu.memref_slice %arg9[%mul3A_2, %dma_start3A] : memref<10240x16xf32, #tpu.memory_space<vmem_shared>> -> memref<640x16xf32, #tpu.memory_space<vmem_shared>>
      %dma_start3A_15 = arith.constant 0 : i32
      %dma_start3A_16 = tpu.memref_slice %arg2[%mul3A_2, %dma_start3A_15] : memref<10240x16xf32, #tpu.memory_space<hbm>> -> memref<640x16xf32, #tpu.memory_space<hbm>>
      tpu.enqueue_dma source(%dma_start3A_16 : memref<640x16xf32, #tpu.memory_space<hbm>>) target(%dma_start3A_14 : memref<640x16xf32, #tpu.memory_space<vmem_shared>>) target_semaphore(%run_scoped3A : memref<!tpu.dma_semaphore, #tpu.memory_space<semaphore_mem>>)
      %dma_wait3A = arith.constant 0 : i32
      %dma_wait3A_17 = tpu.memref_slice %arg9[%mul3A_2, %dma_wait3A] : memref<10240x16xf32, #tpu.memory_space<vmem_shared>> -> memref<640x16xf32, #tpu.memory_space<vmem_shared>>
      %dma_wait3A_18 = arith.constant 0 : i32
      %dma_wait3A_19 = tpu.memref_slice %arg2[%mul3A_2, %dma_wait3A_18] : memref<10240x16xf32, #tpu.memory_space<hbm>> -> memref<640x16xf32, #tpu.memory_space<hbm>>
      tpu.wait_dma2 semaphore(%run_scoped3A : memref<!tpu.dma_semaphore, #tpu.memory_space<semaphore_mem>>) src(%dma_wait3A_19 : memref<640x16xf32, #tpu.memory_space<hbm>>) dst(%dma_wait3A_17 : memref<640x16xf32, #tpu.memory_space<vmem_shared>>)
      tpu.yield
    }) : () -> ()
    %mul3A_3 = arith.constant 80 : i32
    %mul3A_4 = arith.muli %add3A, %mul3A_3 : i32
    "tpu.region"() ({
      %run_scoped3A = tpu.sem_alloc : memref<!tpu.dma_semaphore, #tpu.memory_space<semaphore_mem>>
      %dma_start3A = arith.constant 0 : i32
      %dma_start3A_14 = tpu.memref_slice %arg3[%mul3A_4, %dma_start3A] : memref<2560x128xi32, #tpu.memory_space<hbm>> -> memref<80x128xi32, #tpu.memory_space<hbm>>
      %dma_start3A_15 = arith.constant 0 : i32
      %dma_start3A_16 = tpu.memref_slice %arg3[%mul3A_4, %dma_start3A_15] : memref<2560x128xi32, #tpu.memory_space<hbm>> -> memref<80x128xi32, #tpu.memory_space<hbm>>
      tpu.enqueue_dma source(%dma_start3A_16 : memref<80x128xi32, #tpu.memory_space<hbm>>) target(%arg6 : memref<80x128xi32, #tpu.memory_space<vmem>>) target_semaphore(%run_scoped3A : memref<!tpu.dma_semaphore, #tpu.memory_space<semaphore_mem>>)
      %dma_wait3A = arith.constant 0 : i32
      %dma_wait3A_17 = tpu.memref_slice %arg3[%mul3A_4, %dma_wait3A] : memref<2560x128xi32, #tpu.memory_space<hbm>> -> memref<80x128xi32, #tpu.memory_space<hbm>>
      %dma_wait3A_18 = arith.constant 0 : i32
      %dma_wait3A_19 = tpu.memref_slice %arg3[%mul3A_4, %dma_wait3A_18] : memref<2560x128xi32, #tpu.memory_space<hbm>> -> memref<80x128xi32, #tpu.memory_space<hbm>>
      tpu.wait_dma2 semaphore(%run_scoped3A : memref<!tpu.dma_semaphore, #tpu.memory_space<semaphore_mem>>) src(%dma_wait3A_19 : memref<80x128xi32, #tpu.memory_space<hbm>>) dst(%arg6 : memref<80x128xi32, #tpu.memory_space<vmem>>)
      tpu.yield
    }) : () -> ()
    "tpu.region"() ({
      %run_scoped3A = tpu.sem_alloc : memref<!tpu.dma_semaphore, #tpu.memory_space<semaphore_mem>>
      %dma_start3A = arith.constant 0 : i32
      %dma_start3A_14 = tpu.memref_slice %arg4[%mul3A_4, %dma_start3A] : memref<2560x128xi32, #tpu.memory_space<hbm>> -> memref<80x128xi32, #tpu.memory_space<hbm>>
      %dma_start3A_15 = arith.constant 0 : i32
      %dma_start3A_16 = tpu.memref_slice %arg4[%mul3A_4, %dma_start3A_15] : memref<2560x128xi32, #tpu.memory_space<hbm>> -> memref<80x128xi32, #tpu.memory_space<hbm>>
      tpu.enqueue_dma source(%dma_start3A_16 : memref<80x128xi32, #tpu.memory_space<hbm>>) target(%arg7 : memref<80x128xi32, #tpu.memory_space<vmem>>) target_semaphore(%run_scoped3A : memref<!tpu.dma_semaphore, #tpu.memory_space<semaphore_mem>>)
      %dma_wait3A = arith.constant 0 : i32
      %dma_wait3A_17 = tpu.memref_slice %arg4[%mul3A_4, %dma_wait3A] : memref<2560x128xi32, #tpu.memory_space<hbm>> -> memref<80x128xi32, #tpu.memory_space<hbm>>
      %dma_wait3A_18 = arith.constant 0 : i32
      %dma_wait3A_19 = tpu.memref_slice %arg4[%mul3A_4, %dma_wait3A_18] : memref<2560x128xi32, #tpu.memory_space<hbm>> -> memref<80x128xi32, #tpu.memory_space<hbm>>
      tpu.wait_dma2 semaphore(%run_scoped3A : memref<!tpu.dma_semaphore, #tpu.memory_space<semaphore_mem>>) src(%dma_wait3A_19 : memref<80x128xi32, #tpu.memory_space<hbm>>) dst(%arg7 : memref<80x128xi32, #tpu.memory_space<vmem>>)
      tpu.yield
    }) : () -> ()
    %barrier3A = arith.constant 0 : index
    tpu.barrier barrier_id(%barrier3A)
    %scan3A = arith.constant 0 : i32
    %scan3A_5 = arith.constant 0 : i32
    %scan3A_6 = arith.constant 80 : i32
    %scan3A_7 = arith.addi %scan3A_5, %scan3A_6 : i32
    %scan3A_8 = arith.constant 1 : i32
    scf.for %scan3A_14 = %scan3A_5 to %scan3A_7 step %scan3A_8  : i32 {
      %dma_start3A = arith.constant 0 : i32
      %dma_start3A_15 = tpu.memref_slice %arg6[%scan3A_14, %dma_start3A] : memref<80x128xi32, #tpu.memory_space<vmem>> -> memref<1x128xi32, #tpu.memory_space<vmem>>
      %dma_start3A_16 = tpu.memref_squeeze %dma_start3A_15 : memref<1x128xi32, #tpu.memory_space<vmem>> -> memref<128xi32, #tpu.memory_space<vmem>>
      %dma_start3A_17 = arith.constant 0 : i32
      %dma_start3A_18 = arith.constant 0 : i32
      %dma_start3A_19 = tpu.memref_slice %arg2[%dma_start3A_17, %dma_start3A_18] : memref<10240x16xf32, #tpu.memory_space<hbm>> -> memref<10240x16xf32, #tpu.memory_space<hbm>>
      tpu.enqueue_indirect_dma source(%dma_start3A_19 : memref<10240x16xf32, #tpu.memory_space<hbm>>) target(%arg8 : memref<128x16xf32, #tpu.memory_space<vmem>>) offsets(%dma_start3A_16 : memref<128xi32, #tpu.memory_space<vmem>>) semaphore(%arg10 : memref<!tpu.dma_semaphore, #tpu.memory_space<semaphore_mem>>)
      %dma_wait3A = arith.constant 0 : i32
      %dma_wait3A_20 = tpu.memref_slice %arg6[%scan3A_14, %dma_wait3A] : memref<80x128xi32, #tpu.memory_space<vmem>> -> memref<1x128xi32, #tpu.memory_space<vmem>>
      %dma_wait3A_21 = tpu.memref_squeeze %dma_wait3A_20 : memref<1x128xi32, #tpu.memory_space<vmem>> -> memref<128xi32, #tpu.memory_space<vmem>>
      %dma_wait3A_22 = arith.constant 0 : i32
      %dma_wait3A_23 = arith.constant 0 : i32
      %dma_wait3A_24 = tpu.memref_slice %arg2[%dma_wait3A_22, %dma_wait3A_23] : memref<10240x16xf32, #tpu.memory_space<hbm>> -> memref<10240x16xf32, #tpu.memory_space<hbm>>
      tpu.wait_indirect_dma semaphore(%arg10 : memref<!tpu.dma_semaphore, #tpu.memory_space<semaphore_mem>>) src(%dma_wait3A_24 : memref<10240x16xf32, #tpu.memory_space<hbm>>) dst(%arg8 : memref<128x16xf32, #tpu.memory_space<vmem>>)
      "tpu.region"() ({
        %run_scoped3A = tpu.sem_alloc : memref<!tpu.dma_semaphore, #tpu.memory_space<semaphore_mem>>
        %dma_start3A_25 = arith.constant 0 : i32
        %dma_start3A_26 = tpu.memref_slice %arg7[%scan3A_14, %dma_start3A_25] : memref<80x128xi32, #tpu.memory_space<vmem>> -> memref<1x128xi32, #tpu.memory_space<vmem>>
        %dma_start3A_27 = tpu.memref_squeeze %dma_start3A_26 : memref<1x128xi32, #tpu.memory_space<vmem>> -> memref<128xi32, #tpu.memory_space<vmem>>
        %dma_start3A_28 = arith.constant 0 : i32
        %dma_start3A_29 = arith.constant 0 : i32
        %dma_start3A_30 = tpu.memref_slice %arg9[%dma_start3A_28, %dma_start3A_29] : memref<10240x16xf32, #tpu.memory_space<vmem_shared>> -> memref<10240x16xf32, #tpu.memory_space<vmem_shared>>
        tpu.enqueue_indirect_dma source(%arg8 : memref<128x16xf32, #tpu.memory_space<vmem>>) target(%dma_start3A_30 : memref<10240x16xf32, #tpu.memory_space<vmem_shared>>) offsets(%dma_start3A_27 : memref<128xi32, #tpu.memory_space<vmem>>) semaphore(%run_scoped3A : memref<!tpu.dma_semaphore, #tpu.memory_space<semaphore_mem>>) {add = true}
        %dma_wait3A_31 = arith.constant 0 : i32
        %dma_wait3A_32 = tpu.memref_slice %arg7[%scan3A_14, %dma_wait3A_31] : memref<80x128xi32, #tpu.memory_space<vmem>> -> memref<1x128xi32, #tpu.memory_space<vmem>>
        %dma_wait3A_33 = tpu.memref_squeeze %dma_wait3A_32 : memref<1x128xi32, #tpu.memory_space<vmem>> -> memref<128xi32, #tpu.memory_space<vmem>>
        %dma_wait3A_34 = arith.constant 0 : i32
        %dma_wait3A_35 = arith.constant 0 : i32
        %dma_wait3A_36 = tpu.memref_slice %arg9[%dma_wait3A_34, %dma_wait3A_35] : memref<10240x16xf32, #tpu.memory_space<vmem_shared>> -> memref<10240x16xf32, #tpu.memory_space<vmem_shared>>
        tpu.wait_indirect_dma semaphore(%run_scoped3A : memref<!tpu.dma_semaphore, #tpu.memory_space<semaphore_mem>>) src(%arg8 : memref<128x16xf32, #tpu.memory_space<vmem>>) dst(%dma_wait3A_36 : memref<10240x16xf32, #tpu.memory_space<vmem_shared>>)
        tpu.yield
      }) : () -> ()
    }
    %scan3A_9 = arith.constant 80 : i32
    %barrier3A_10 = arith.constant 0 : index
    tpu.barrier barrier_id(%barrier3A_10)
    %mul3A_11 = arith.constant 10240 : i32
    %mul3A_12 = arith.muli %arg0, %mul3A_11 : i32
    %add3A_13 = arith.addi %mul3A_12, %mul3A_2 : i32
    "tpu.region"() ({
      %run_scoped3A = tpu.sem_alloc : memref<!tpu.dma_semaphore, #tpu.memory_space<semaphore_mem>>
      %dma_start3A = arith.constant 0 : i32
      %dma_start3A_14 = tpu.memref_slice %arg5[%add3A_13, %dma_start3A] : memref<20480x16xf32, #tpu.memory_space<hbm>> -> memref<640x16xf32, #tpu.memory_space<hbm>>
      %dma_start3A_15 = arith.constant 0 : i32
      %dma_start3A_16 = tpu.memref_slice %arg9[%mul3A_2, %dma_start3A_15] : memref<10240x16xf32, #tpu.memory_space<vmem_shared>> -> memref<640x16xf32, #tpu.memory_space<vmem_shared>>
      tpu.enqueue_dma source(%dma_start3A_16 : memref<640x16xf32, #tpu.memory_space<vmem_shared>>) target(%dma_start3A_14 : memref<640x16xf32, #tpu.memory_space<hbm>>) target_semaphore(%run_scoped3A : memref<!tpu.dma_semaphore, #tpu.memory_space<semaphore_mem>>)
      %dma_wait3A = arith.constant 0 : i32
      %dma_wait3A_17 = tpu.memref_slice %arg5[%add3A_13, %dma_wait3A] : memref<20480x16xf32, #tpu.memory_space<hbm>> -> memref<640x16xf32, #tpu.memory_space<hbm>>
      %dma_wait3A_18 = arith.constant 0 : i32
      %dma_wait3A_19 = tpu.memref_slice %arg9[%mul3A_2, %dma_wait3A_18] : memref<10240x16xf32, #tpu.memory_space<vmem_shared>> -> memref<640x16xf32, #tpu.memory_space<vmem_shared>>
      tpu.wait_dma2 semaphore(%run_scoped3A : memref<!tpu.dma_semaphore, #tpu.memory_space<semaphore_mem>>) src(%dma_wait3A_19 : memref<640x16xf32, #tpu.memory_space<vmem_shared>>) dst(%dma_wait3A_17 : memref<640x16xf32, #tpu.memory_space<hbm>>)
      tpu.yield
    }) : () -> ()
    return
  }
}

#map = affine_map<(d0, d1) -> (0, 0)>
module attributes {stable_mosaic.version = 14 : i64} {
  func.func @agg(%arg0: i32, %arg1: i32, %arg2: memref<10240x32xf32, #tpu.memory_space<hbm>>, %arg3: memref<2560x128xi32, #tpu.memory_space<hbm>>, %arg4: memref<2560x128xi32, #tpu.memory_space<hbm>>, %arg5: memref<20480x32xf32, #tpu.memory_space<hbm>>, %arg6: memref<80x128xi32, #tpu.memory_space<vmem>>, %arg7: memref<80x128xi32, #tpu.memory_space<vmem>>, %arg8: memref<128x32xf32, #tpu.memory_space<vmem>>, %arg9: memref<10240x32xf32, #tpu.memory_space<vmem_shared>>, %arg10: memref<!tpu.dma_semaphore, #tpu.memory_space<semaphore_mem>>) attributes {dimension_semantics = [#tpu.dimension_semantics<core_parallel>, #tpu.dimension_semantics<subcore_parallel>], iteration_bounds = array<i64: 2, 16>, scalar_prefetch = 0 : i64, scratch_operands = 5 : i64, tpu.core_type = #tpu.core_type<sc_vector_subcore>, window_params = [{transform_indices = #map}, {transform_indices = #map}, {transform_indices = #map}, {transform_indices = #map}]} {
    %mul3A = arith.constant 16 : i32
    %mul3A_0 = arith.muli %arg0, %mul3A : i32
    %add3A = arith.addi %mul3A_0, %arg1 : i32
    %mul3A_1 = arith.constant 640 : i32
    %mul3A_2 = arith.muli %arg1, %mul3A_1 : i32
    "tpu.region"() ({
      %run_scoped3A = tpu.sem_alloc : memref<!tpu.dma_semaphore, #tpu.memory_space<semaphore_mem>>
      %dma_start3A = arith.constant 0 : i32
      %dma_start3A_14 = tpu.memref_slice %arg9[%mul3A_2, %dma_start3A] : memref<10240x32xf32, #tpu.memory_space<vmem_shared>> -> memref<640x32xf32, #tpu.memory_space<vmem_shared>>
      %dma_start3A_15 = arith.constant 0 : i32
      %dma_start3A_16 = tpu.memref_slice %arg2[%mul3A_2, %dma_start3A_15] : memref<10240x32xf32, #tpu.memory_space<hbm>> -> memref<640x32xf32, #tpu.memory_space<hbm>>
      tpu.enqueue_dma source(%dma_start3A_16 : memref<640x32xf32, #tpu.memory_space<hbm>>) target(%dma_start3A_14 : memref<640x32xf32, #tpu.memory_space<vmem_shared>>) target_semaphore(%run_scoped3A : memref<!tpu.dma_semaphore, #tpu.memory_space<semaphore_mem>>)
      %dma_wait3A = arith.constant 0 : i32
      %dma_wait3A_17 = tpu.memref_slice %arg9[%mul3A_2, %dma_wait3A] : memref<10240x32xf32, #tpu.memory_space<vmem_shared>> -> memref<640x32xf32, #tpu.memory_space<vmem_shared>>
      %dma_wait3A_18 = arith.constant 0 : i32
      %dma_wait3A_19 = tpu.memref_slice %arg2[%mul3A_2, %dma_wait3A_18] : memref<10240x32xf32, #tpu.memory_space<hbm>> -> memref<640x32xf32, #tpu.memory_space<hbm>>
      tpu.wait_dma2 semaphore(%run_scoped3A : memref<!tpu.dma_semaphore, #tpu.memory_space<semaphore_mem>>) src(%dma_wait3A_19 : memref<640x32xf32, #tpu.memory_space<hbm>>) dst(%dma_wait3A_17 : memref<640x32xf32, #tpu.memory_space<vmem_shared>>)
      tpu.yield
    }) : () -> ()
    %mul3A_3 = arith.constant 80 : i32
    %mul3A_4 = arith.muli %add3A, %mul3A_3 : i32
    "tpu.region"() ({
      %run_scoped3A = tpu.sem_alloc : memref<!tpu.dma_semaphore, #tpu.memory_space<semaphore_mem>>
      %dma_start3A = arith.constant 0 : i32
      %dma_start3A_14 = tpu.memref_slice %arg3[%mul3A_4, %dma_start3A] : memref<2560x128xi32, #tpu.memory_space<hbm>> -> memref<80x128xi32, #tpu.memory_space<hbm>>
      %dma_start3A_15 = arith.constant 0 : i32
      %dma_start3A_16 = tpu.memref_slice %arg3[%mul3A_4, %dma_start3A_15] : memref<2560x128xi32, #tpu.memory_space<hbm>> -> memref<80x128xi32, #tpu.memory_space<hbm>>
      tpu.enqueue_dma source(%dma_start3A_16 : memref<80x128xi32, #tpu.memory_space<hbm>>) target(%arg6 : memref<80x128xi32, #tpu.memory_space<vmem>>) target_semaphore(%run_scoped3A : memref<!tpu.dma_semaphore, #tpu.memory_space<semaphore_mem>>)
      %dma_wait3A = arith.constant 0 : i32
      %dma_wait3A_17 = tpu.memref_slice %arg3[%mul3A_4, %dma_wait3A] : memref<2560x128xi32, #tpu.memory_space<hbm>> -> memref<80x128xi32, #tpu.memory_space<hbm>>
      %dma_wait3A_18 = arith.constant 0 : i32
      %dma_wait3A_19 = tpu.memref_slice %arg3[%mul3A_4, %dma_wait3A_18] : memref<2560x128xi32, #tpu.memory_space<hbm>> -> memref<80x128xi32, #tpu.memory_space<hbm>>
      tpu.wait_dma2 semaphore(%run_scoped3A : memref<!tpu.dma_semaphore, #tpu.memory_space<semaphore_mem>>) src(%dma_wait3A_19 : memref<80x128xi32, #tpu.memory_space<hbm>>) dst(%arg6 : memref<80x128xi32, #tpu.memory_space<vmem>>)
      tpu.yield
    }) : () -> ()
    "tpu.region"() ({
      %run_scoped3A = tpu.sem_alloc : memref<!tpu.dma_semaphore, #tpu.memory_space<semaphore_mem>>
      %dma_start3A = arith.constant 0 : i32
      %dma_start3A_14 = tpu.memref_slice %arg4[%mul3A_4, %dma_start3A] : memref<2560x128xi32, #tpu.memory_space<hbm>> -> memref<80x128xi32, #tpu.memory_space<hbm>>
      %dma_start3A_15 = arith.constant 0 : i32
      %dma_start3A_16 = tpu.memref_slice %arg4[%mul3A_4, %dma_start3A_15] : memref<2560x128xi32, #tpu.memory_space<hbm>> -> memref<80x128xi32, #tpu.memory_space<hbm>>
      tpu.enqueue_dma source(%dma_start3A_16 : memref<80x128xi32, #tpu.memory_space<hbm>>) target(%arg7 : memref<80x128xi32, #tpu.memory_space<vmem>>) target_semaphore(%run_scoped3A : memref<!tpu.dma_semaphore, #tpu.memory_space<semaphore_mem>>)
      %dma_wait3A = arith.constant 0 : i32
      %dma_wait3A_17 = tpu.memref_slice %arg4[%mul3A_4, %dma_wait3A] : memref<2560x128xi32, #tpu.memory_space<hbm>> -> memref<80x128xi32, #tpu.memory_space<hbm>>
      %dma_wait3A_18 = arith.constant 0 : i32
      %dma_wait3A_19 = tpu.memref_slice %arg4[%mul3A_4, %dma_wait3A_18] : memref<2560x128xi32, #tpu.memory_space<hbm>> -> memref<80x128xi32, #tpu.memory_space<hbm>>
      tpu.wait_dma2 semaphore(%run_scoped3A : memref<!tpu.dma_semaphore, #tpu.memory_space<semaphore_mem>>) src(%dma_wait3A_19 : memref<80x128xi32, #tpu.memory_space<hbm>>) dst(%arg7 : memref<80x128xi32, #tpu.memory_space<vmem>>)
      tpu.yield
    }) : () -> ()
    %barrier3A = arith.constant 0 : index
    tpu.barrier barrier_id(%barrier3A)
    %scan3A = arith.constant 0 : i32
    %scan3A_5 = arith.constant 0 : i32
    %scan3A_6 = arith.constant 80 : i32
    %scan3A_7 = arith.addi %scan3A_5, %scan3A_6 : i32
    %scan3A_8 = arith.constant 1 : i32
    scf.for %scan3A_14 = %scan3A_5 to %scan3A_7 step %scan3A_8  : i32 {
      %dma_start3A = arith.constant 0 : i32
      %dma_start3A_15 = tpu.memref_slice %arg6[%scan3A_14, %dma_start3A] : memref<80x128xi32, #tpu.memory_space<vmem>> -> memref<1x128xi32, #tpu.memory_space<vmem>>
      %dma_start3A_16 = tpu.memref_squeeze %dma_start3A_15 : memref<1x128xi32, #tpu.memory_space<vmem>> -> memref<128xi32, #tpu.memory_space<vmem>>
      %dma_start3A_17 = arith.constant 0 : i32
      %dma_start3A_18 = arith.constant 0 : i32
      %dma_start3A_19 = tpu.memref_slice %arg2[%dma_start3A_17, %dma_start3A_18] : memref<10240x32xf32, #tpu.memory_space<hbm>> -> memref<10240x32xf32, #tpu.memory_space<hbm>>
      tpu.enqueue_indirect_dma source(%dma_start3A_19 : memref<10240x32xf32, #tpu.memory_space<hbm>>) target(%arg8 : memref<128x32xf32, #tpu.memory_space<vmem>>) offsets(%dma_start3A_16 : memref<128xi32, #tpu.memory_space<vmem>>) semaphore(%arg10 : memref<!tpu.dma_semaphore, #tpu.memory_space<semaphore_mem>>)
      %dma_wait3A = arith.constant 0 : i32
      %dma_wait3A_20 = tpu.memref_slice %arg6[%scan3A_14, %dma_wait3A] : memref<80x128xi32, #tpu.memory_space<vmem>> -> memref<1x128xi32, #tpu.memory_space<vmem>>
      %dma_wait3A_21 = tpu.memref_squeeze %dma_wait3A_20 : memref<1x128xi32, #tpu.memory_space<vmem>> -> memref<128xi32, #tpu.memory_space<vmem>>
      %dma_wait3A_22 = arith.constant 0 : i32
      %dma_wait3A_23 = arith.constant 0 : i32
      %dma_wait3A_24 = tpu.memref_slice %arg2[%dma_wait3A_22, %dma_wait3A_23] : memref<10240x32xf32, #tpu.memory_space<hbm>> -> memref<10240x32xf32, #tpu.memory_space<hbm>>
      tpu.wait_indirect_dma semaphore(%arg10 : memref<!tpu.dma_semaphore, #tpu.memory_space<semaphore_mem>>) src(%dma_wait3A_24 : memref<10240x32xf32, #tpu.memory_space<hbm>>) dst(%arg8 : memref<128x32xf32, #tpu.memory_space<vmem>>)
      "tpu.region"() ({
        %run_scoped3A = tpu.sem_alloc : memref<!tpu.dma_semaphore, #tpu.memory_space<semaphore_mem>>
        %dma_start3A_25 = arith.constant 0 : i32
        %dma_start3A_26 = tpu.memref_slice %arg7[%scan3A_14, %dma_start3A_25] : memref<80x128xi32, #tpu.memory_space<vmem>> -> memref<1x128xi32, #tpu.memory_space<vmem>>
        %dma_start3A_27 = tpu.memref_squeeze %dma_start3A_26 : memref<1x128xi32, #tpu.memory_space<vmem>> -> memref<128xi32, #tpu.memory_space<vmem>>
        %dma_start3A_28 = arith.constant 0 : i32
        %dma_start3A_29 = arith.constant 0 : i32
        %dma_start3A_30 = tpu.memref_slice %arg9[%dma_start3A_28, %dma_start3A_29] : memref<10240x32xf32, #tpu.memory_space<vmem_shared>> -> memref<10240x32xf32, #tpu.memory_space<vmem_shared>>
        tpu.enqueue_indirect_dma source(%arg8 : memref<128x32xf32, #tpu.memory_space<vmem>>) target(%dma_start3A_30 : memref<10240x32xf32, #tpu.memory_space<vmem_shared>>) offsets(%dma_start3A_27 : memref<128xi32, #tpu.memory_space<vmem>>) semaphore(%run_scoped3A : memref<!tpu.dma_semaphore, #tpu.memory_space<semaphore_mem>>) {add = true}
        %dma_wait3A_31 = arith.constant 0 : i32
        %dma_wait3A_32 = tpu.memref_slice %arg7[%scan3A_14, %dma_wait3A_31] : memref<80x128xi32, #tpu.memory_space<vmem>> -> memref<1x128xi32, #tpu.memory_space<vmem>>
        %dma_wait3A_33 = tpu.memref_squeeze %dma_wait3A_32 : memref<1x128xi32, #tpu.memory_space<vmem>> -> memref<128xi32, #tpu.memory_space<vmem>>
        %dma_wait3A_34 = arith.constant 0 : i32
        %dma_wait3A_35 = arith.constant 0 : i32
        %dma_wait3A_36 = tpu.memref_slice %arg9[%dma_wait3A_34, %dma_wait3A_35] : memref<10240x32xf32, #tpu.memory_space<vmem_shared>> -> memref<10240x32xf32, #tpu.memory_space<vmem_shared>>
        tpu.wait_indirect_dma semaphore(%run_scoped3A : memref<!tpu.dma_semaphore, #tpu.memory_space<semaphore_mem>>) src(%arg8 : memref<128x32xf32, #tpu.memory_space<vmem>>) dst(%dma_wait3A_36 : memref<10240x32xf32, #tpu.memory_space<vmem_shared>>)
        tpu.yield
      }) : () -> ()
    }
    %scan3A_9 = arith.constant 80 : i32
    %barrier3A_10 = arith.constant 0 : index
    tpu.barrier barrier_id(%barrier3A_10)
    %mul3A_11 = arith.constant 10240 : i32
    %mul3A_12 = arith.muli %arg0, %mul3A_11 : i32
    %add3A_13 = arith.addi %mul3A_12, %mul3A_2 : i32
    "tpu.region"() ({
      %run_scoped3A = tpu.sem_alloc : memref<!tpu.dma_semaphore, #tpu.memory_space<semaphore_mem>>
      %dma_start3A = arith.constant 0 : i32
      %dma_start3A_14 = tpu.memref_slice %arg5[%add3A_13, %dma_start3A] : memref<20480x32xf32, #tpu.memory_space<hbm>> -> memref<640x32xf32, #tpu.memory_space<hbm>>
      %dma_start3A_15 = arith.constant 0 : i32
      %dma_start3A_16 = tpu.memref_slice %arg9[%mul3A_2, %dma_start3A_15] : memref<10240x32xf32, #tpu.memory_space<vmem_shared>> -> memref<640x32xf32, #tpu.memory_space<vmem_shared>>
      tpu.enqueue_dma source(%dma_start3A_16 : memref<640x32xf32, #tpu.memory_space<vmem_shared>>) target(%dma_start3A_14 : memref<640x32xf32, #tpu.memory_space<hbm>>) target_semaphore(%run_scoped3A : memref<!tpu.dma_semaphore, #tpu.memory_space<semaphore_mem>>)
      %dma_wait3A = arith.constant 0 : i32
      %dma_wait3A_17 = tpu.memref_slice %arg5[%add3A_13, %dma_wait3A] : memref<20480x32xf32, #tpu.memory_space<hbm>> -> memref<640x32xf32, #tpu.memory_space<hbm>>
      %dma_wait3A_18 = arith.constant 0 : i32
      %dma_wait3A_19 = tpu.memref_slice %arg9[%mul3A_2, %dma_wait3A_18] : memref<10240x32xf32, #tpu.memory_space<vmem_shared>> -> memref<640x32xf32, #tpu.memory_space<vmem_shared>>
      tpu.wait_dma2 semaphore(%run_scoped3A : memref<!tpu.dma_semaphore, #tpu.memory_space<semaphore_mem>>) src(%dma_wait3A_19 : memref<640x32xf32, #tpu.memory_space<vmem_shared>>) dst(%dma_wait3A_17 : memref<640x32xf32, #tpu.memory_space<hbm>>)
      tpu.yield
    }) : () -> ()
    return
  }
}

#map = affine_map<(d0, d1) -> (0, 0)>
module attributes {stable_mosaic.version = 14 : i64} {
  func.func @agg(%arg0: i32, %arg1: i32, %arg2: memref<10240x16xf32, #tpu.memory_space<hbm>>, %arg3: memref<2560x128xi32, #tpu.memory_space<hbm>>, %arg4: memref<2560x128xi32, #tpu.memory_space<hbm>>, %arg5: memref<20480x16xf32, #tpu.memory_space<hbm>>, %arg6: memref<80x128xi32, #tpu.memory_space<vmem>>, %arg7: memref<80x128xi32, #tpu.memory_space<vmem>>, %arg8: memref<128x16xf32, #tpu.memory_space<vmem>>, %arg9: memref<10240x16xf32, #tpu.memory_space<vmem_shared>>, %arg10: memref<!tpu.dma_semaphore, #tpu.memory_space<semaphore_mem>>) attributes {dimension_semantics = [#tpu.dimension_semantics<core_parallel>, #tpu.dimension_semantics<subcore_parallel>], iteration_bounds = array<i64: 2, 16>, scalar_prefetch = 0 : i64, scratch_operands = 5 : i64, tpu.core_type = #tpu.core_type<sc_vector_subcore>, window_params = [{transform_indices = #map}, {transform_indices = #map}, {transform_indices = #map}, {transform_indices = #map}]} {
    %mul3A = arith.constant 16 : i32
    %mul3A_0 = arith.muli %arg0, %mul3A : i32
    %add3A = arith.addi %mul3A_0, %arg1 : i32
    %mul3A_1 = arith.constant 640 : i32
    %mul3A_2 = arith.muli %arg1, %mul3A_1 : i32
    "tpu.region"() ({
      %run_scoped3A = tpu.sem_alloc : memref<!tpu.dma_semaphore, #tpu.memory_space<semaphore_mem>>
      %dma_start3A = arith.constant 0 : i32
      %dma_start3A_14 = tpu.memref_slice %arg9[%mul3A_2, %dma_start3A] : memref<10240x16xf32, #tpu.memory_space<vmem_shared>> -> memref<640x16xf32, #tpu.memory_space<vmem_shared>>
      %dma_start3A_15 = arith.constant 0 : i32
      %dma_start3A_16 = tpu.memref_slice %arg2[%mul3A_2, %dma_start3A_15] : memref<10240x16xf32, #tpu.memory_space<hbm>> -> memref<640x16xf32, #tpu.memory_space<hbm>>
      tpu.enqueue_dma source(%dma_start3A_16 : memref<640x16xf32, #tpu.memory_space<hbm>>) target(%dma_start3A_14 : memref<640x16xf32, #tpu.memory_space<vmem_shared>>) target_semaphore(%run_scoped3A : memref<!tpu.dma_semaphore, #tpu.memory_space<semaphore_mem>>)
      %dma_wait3A = arith.constant 0 : i32
      %dma_wait3A_17 = tpu.memref_slice %arg9[%mul3A_2, %dma_wait3A] : memref<10240x16xf32, #tpu.memory_space<vmem_shared>> -> memref<640x16xf32, #tpu.memory_space<vmem_shared>>
      %dma_wait3A_18 = arith.constant 0 : i32
      %dma_wait3A_19 = tpu.memref_slice %arg2[%mul3A_2, %dma_wait3A_18] : memref<10240x16xf32, #tpu.memory_space<hbm>> -> memref<640x16xf32, #tpu.memory_space<hbm>>
      tpu.wait_dma2 semaphore(%run_scoped3A : memref<!tpu.dma_semaphore, #tpu.memory_space<semaphore_mem>>) src(%dma_wait3A_19 : memref<640x16xf32, #tpu.memory_space<hbm>>) dst(%dma_wait3A_17 : memref<640x16xf32, #tpu.memory_space<vmem_shared>>)
      tpu.yield
    }) : () -> ()
    %mul3A_3 = arith.constant 80 : i32
    %mul3A_4 = arith.muli %add3A, %mul3A_3 : i32
    "tpu.region"() ({
      %run_scoped3A = tpu.sem_alloc : memref<!tpu.dma_semaphore, #tpu.memory_space<semaphore_mem>>
      %dma_start3A = arith.constant 0 : i32
      %dma_start3A_14 = tpu.memref_slice %arg3[%mul3A_4, %dma_start3A] : memref<2560x128xi32, #tpu.memory_space<hbm>> -> memref<80x128xi32, #tpu.memory_space<hbm>>
      %dma_start3A_15 = arith.constant 0 : i32
      %dma_start3A_16 = tpu.memref_slice %arg3[%mul3A_4, %dma_start3A_15] : memref<2560x128xi32, #tpu.memory_space<hbm>> -> memref<80x128xi32, #tpu.memory_space<hbm>>
      tpu.enqueue_dma source(%dma_start3A_16 : memref<80x128xi32, #tpu.memory_space<hbm>>) target(%arg6 : memref<80x128xi32, #tpu.memory_space<vmem>>) target_semaphore(%run_scoped3A : memref<!tpu.dma_semaphore, #tpu.memory_space<semaphore_mem>>)
      %dma_wait3A = arith.constant 0 : i32
      %dma_wait3A_17 = tpu.memref_slice %arg3[%mul3A_4, %dma_wait3A] : memref<2560x128xi32, #tpu.memory_space<hbm>> -> memref<80x128xi32, #tpu.memory_space<hbm>>
      %dma_wait3A_18 = arith.constant 0 : i32
      %dma_wait3A_19 = tpu.memref_slice %arg3[%mul3A_4, %dma_wait3A_18] : memref<2560x128xi32, #tpu.memory_space<hbm>> -> memref<80x128xi32, #tpu.memory_space<hbm>>
      tpu.wait_dma2 semaphore(%run_scoped3A : memref<!tpu.dma_semaphore, #tpu.memory_space<semaphore_mem>>) src(%dma_wait3A_19 : memref<80x128xi32, #tpu.memory_space<hbm>>) dst(%arg6 : memref<80x128xi32, #tpu.memory_space<vmem>>)
      tpu.yield
    }) : () -> ()
    "tpu.region"() ({
      %run_scoped3A = tpu.sem_alloc : memref<!tpu.dma_semaphore, #tpu.memory_space<semaphore_mem>>
      %dma_start3A = arith.constant 0 : i32
      %dma_start3A_14 = tpu.memref_slice %arg4[%mul3A_4, %dma_start3A] : memref<2560x128xi32, #tpu.memory_space<hbm>> -> memref<80x128xi32, #tpu.memory_space<hbm>>
      %dma_start3A_15 = arith.constant 0 : i32
      %dma_start3A_16 = tpu.memref_slice %arg4[%mul3A_4, %dma_start3A_15] : memref<2560x128xi32, #tpu.memory_space<hbm>> -> memref<80x128xi32, #tpu.memory_space<hbm>>
      tpu.enqueue_dma source(%dma_start3A_16 : memref<80x128xi32, #tpu.memory_space<hbm>>) target(%arg7 : memref<80x128xi32, #tpu.memory_space<vmem>>) target_semaphore(%run_scoped3A : memref<!tpu.dma_semaphore, #tpu.memory_space<semaphore_mem>>)
      %dma_wait3A = arith.constant 0 : i32
      %dma_wait3A_17 = tpu.memref_slice %arg4[%mul3A_4, %dma_wait3A] : memref<2560x128xi32, #tpu.memory_space<hbm>> -> memref<80x128xi32, #tpu.memory_space<hbm>>
      %dma_wait3A_18 = arith.constant 0 : i32
      %dma_wait3A_19 = tpu.memref_slice %arg4[%mul3A_4, %dma_wait3A_18] : memref<2560x128xi32, #tpu.memory_space<hbm>> -> memref<80x128xi32, #tpu.memory_space<hbm>>
      tpu.wait_dma2 semaphore(%run_scoped3A : memref<!tpu.dma_semaphore, #tpu.memory_space<semaphore_mem>>) src(%dma_wait3A_19 : memref<80x128xi32, #tpu.memory_space<hbm>>) dst(%arg7 : memref<80x128xi32, #tpu.memory_space<vmem>>)
      tpu.yield
    }) : () -> ()
    %barrier3A = arith.constant 0 : index
    tpu.barrier barrier_id(%barrier3A)
    %scan3A = arith.constant 0 : i32
    %scan3A_5 = arith.constant 0 : i32
    %scan3A_6 = arith.constant 80 : i32
    %scan3A_7 = arith.addi %scan3A_5, %scan3A_6 : i32
    %scan3A_8 = arith.constant 1 : i32
    scf.for %scan3A_14 = %scan3A_5 to %scan3A_7 step %scan3A_8  : i32 {
      %dma_start3A = arith.constant 0 : i32
      %dma_start3A_15 = tpu.memref_slice %arg6[%scan3A_14, %dma_start3A] : memref<80x128xi32, #tpu.memory_space<vmem>> -> memref<1x128xi32, #tpu.memory_space<vmem>>
      %dma_start3A_16 = tpu.memref_squeeze %dma_start3A_15 : memref<1x128xi32, #tpu.memory_space<vmem>> -> memref<128xi32, #tpu.memory_space<vmem>>
      %dma_start3A_17 = arith.constant 0 : i32
      %dma_start3A_18 = arith.constant 0 : i32
      %dma_start3A_19 = tpu.memref_slice %arg2[%dma_start3A_17, %dma_start3A_18] : memref<10240x16xf32, #tpu.memory_space<hbm>> -> memref<10240x16xf32, #tpu.memory_space<hbm>>
      tpu.enqueue_indirect_dma source(%dma_start3A_19 : memref<10240x16xf32, #tpu.memory_space<hbm>>) target(%arg8 : memref<128x16xf32, #tpu.memory_space<vmem>>) offsets(%dma_start3A_16 : memref<128xi32, #tpu.memory_space<vmem>>) semaphore(%arg10 : memref<!tpu.dma_semaphore, #tpu.memory_space<semaphore_mem>>)
      %dma_wait3A = arith.constant 0 : i32
      %dma_wait3A_20 = tpu.memref_slice %arg6[%scan3A_14, %dma_wait3A] : memref<80x128xi32, #tpu.memory_space<vmem>> -> memref<1x128xi32, #tpu.memory_space<vmem>>
      %dma_wait3A_21 = tpu.memref_squeeze %dma_wait3A_20 : memref<1x128xi32, #tpu.memory_space<vmem>> -> memref<128xi32, #tpu.memory_space<vmem>>
      %dma_wait3A_22 = arith.constant 0 : i32
      %dma_wait3A_23 = arith.constant 0 : i32
      %dma_wait3A_24 = tpu.memref_slice %arg2[%dma_wait3A_22, %dma_wait3A_23] : memref<10240x16xf32, #tpu.memory_space<hbm>> -> memref<10240x16xf32, #tpu.memory_space<hbm>>
      tpu.wait_indirect_dma semaphore(%arg10 : memref<!tpu.dma_semaphore, #tpu.memory_space<semaphore_mem>>) src(%dma_wait3A_24 : memref<10240x16xf32, #tpu.memory_space<hbm>>) dst(%arg8 : memref<128x16xf32, #tpu.memory_space<vmem>>)
      "tpu.region"() ({
        %run_scoped3A = tpu.sem_alloc : memref<!tpu.dma_semaphore, #tpu.memory_space<semaphore_mem>>
        %dma_start3A_25 = arith.constant 0 : i32
        %dma_start3A_26 = tpu.memref_slice %arg7[%scan3A_14, %dma_start3A_25] : memref<80x128xi32, #tpu.memory_space<vmem>> -> memref<1x128xi32, #tpu.memory_space<vmem>>
        %dma_start3A_27 = tpu.memref_squeeze %dma_start3A_26 : memref<1x128xi32, #tpu.memory_space<vmem>> -> memref<128xi32, #tpu.memory_space<vmem>>
        %dma_start3A_28 = arith.constant 0 : i32
        %dma_start3A_29 = arith.constant 0 : i32
        %dma_start3A_30 = tpu.memref_slice %arg9[%dma_start3A_28, %dma_start3A_29] : memref<10240x16xf32, #tpu.memory_space<vmem_shared>> -> memref<10240x16xf32, #tpu.memory_space<vmem_shared>>
        tpu.enqueue_indirect_dma source(%arg8 : memref<128x16xf32, #tpu.memory_space<vmem>>) target(%dma_start3A_30 : memref<10240x16xf32, #tpu.memory_space<vmem_shared>>) offsets(%dma_start3A_27 : memref<128xi32, #tpu.memory_space<vmem>>) semaphore(%run_scoped3A : memref<!tpu.dma_semaphore, #tpu.memory_space<semaphore_mem>>) {add = true}
        %dma_wait3A_31 = arith.constant 0 : i32
        %dma_wait3A_32 = tpu.memref_slice %arg7[%scan3A_14, %dma_wait3A_31] : memref<80x128xi32, #tpu.memory_space<vmem>> -> memref<1x128xi32, #tpu.memory_space<vmem>>
        %dma_wait3A_33 = tpu.memref_squeeze %dma_wait3A_32 : memref<1x128xi32, #tpu.memory_space<vmem>> -> memref<128xi32, #tpu.memory_space<vmem>>
        %dma_wait3A_34 = arith.constant 0 : i32
        %dma_wait3A_35 = arith.constant 0 : i32
        %dma_wait3A_36 = tpu.memref_slice %arg9[%dma_wait3A_34, %dma_wait3A_35] : memref<10240x16xf32, #tpu.memory_space<vmem_shared>> -> memref<10240x16xf32, #tpu.memory_space<vmem_shared>>
        tpu.wait_indirect_dma semaphore(%run_scoped3A : memref<!tpu.dma_semaphore, #tpu.memory_space<semaphore_mem>>) src(%arg8 : memref<128x16xf32, #tpu.memory_space<vmem>>) dst(%dma_wait3A_36 : memref<10240x16xf32, #tpu.memory_space<vmem_shared>>)
        tpu.yield
      }) : () -> ()
    }
    %scan3A_9 = arith.constant 80 : i32
    %barrier3A_10 = arith.constant 0 : index
    tpu.barrier barrier_id(%barrier3A_10)
    %mul3A_11 = arith.constant 10240 : i32
    %mul3A_12 = arith.muli %arg0, %mul3A_11 : i32
    %add3A_13 = arith.addi %mul3A_12, %mul3A_2 : i32
    "tpu.region"() ({
      %run_scoped3A = tpu.sem_alloc : memref<!tpu.dma_semaphore, #tpu.memory_space<semaphore_mem>>
      %dma_start3A = arith.constant 0 : i32
      %dma_start3A_14 = tpu.memref_slice %arg5[%add3A_13, %dma_start3A] : memref<20480x16xf32, #tpu.memory_space<hbm>> -> memref<640x16xf32, #tpu.memory_space<hbm>>
      %dma_start3A_15 = arith.constant 0 : i32
      %dma_start3A_16 = tpu.memref_slice %arg9[%mul3A_2, %dma_start3A_15] : memref<10240x16xf32, #tpu.memory_space<vmem_shared>> -> memref<640x16xf32, #tpu.memory_space<vmem_shared>>
      tpu.enqueue_dma source(%dma_start3A_16 : memref<640x16xf32, #tpu.memory_space<vmem_shared>>) target(%dma_start3A_14 : memref<640x16xf32, #tpu.memory_space<hbm>>) target_semaphore(%run_scoped3A : memref<!tpu.dma_semaphore, #tpu.memory_space<semaphore_mem>>)
      %dma_wait3A = arith.constant 0 : i32
      %dma_wait3A_17 = tpu.memref_slice %arg5[%add3A_13, %dma_wait3A] : memref<20480x16xf32, #tpu.memory_space<hbm>> -> memref<640x16xf32, #tpu.memory_space<hbm>>
      %dma_wait3A_18 = arith.constant 0 : i32
      %dma_wait3A_19 = tpu.memref_slice %arg9[%mul3A_2, %dma_wait3A_18] : memref<10240x16xf32, #tpu.memory_space<vmem_shared>> -> memref<640x16xf32, #tpu.memory_space<vmem_shared>>
      tpu.wait_dma2 semaphore(%run_scoped3A : memref<!tpu.dma_semaphore, #tpu.memory_space<semaphore_mem>>) src(%dma_wait3A_19 : memref<640x16xf32, #tpu.memory_space<vmem_shared>>) dst(%dma_wait3A_17 : memref<640x16xf32, #tpu.memory_space<hbm>>)
      tpu.yield
    }) : () -> ()
    return
  }
}

#map = affine_map<(d0, d1) -> (0, 0)>
module attributes {stable_mosaic.version = 14 : i64} {
  func.func @agg(%arg0: i32, %arg1: i32, %arg2: memref<10240x64xf32, #tpu.memory_space<hbm>>, %arg3: memref<2560x128xi32, #tpu.memory_space<hbm>>, %arg4: memref<2560x128xi32, #tpu.memory_space<hbm>>, %arg5: memref<20480x64xf32, #tpu.memory_space<hbm>>, %arg6: memref<80x128xi32, #tpu.memory_space<vmem>>, %arg7: memref<80x128xi32, #tpu.memory_space<vmem>>, %arg8: memref<128x64xf32, #tpu.memory_space<vmem>>, %arg9: memref<10240x64xf32, #tpu.memory_space<vmem_shared>>, %arg10: memref<!tpu.dma_semaphore, #tpu.memory_space<semaphore_mem>>) attributes {dimension_semantics = [#tpu.dimension_semantics<core_parallel>, #tpu.dimension_semantics<subcore_parallel>], iteration_bounds = array<i64: 2, 16>, scalar_prefetch = 0 : i64, scratch_operands = 5 : i64, tpu.core_type = #tpu.core_type<sc_vector_subcore>, window_params = [{transform_indices = #map}, {transform_indices = #map}, {transform_indices = #map}, {transform_indices = #map}]} {
    %mul3A = arith.constant 16 : i32
    %mul3A_0 = arith.muli %arg0, %mul3A : i32
    %add3A = arith.addi %mul3A_0, %arg1 : i32
    %mul3A_1 = arith.constant 640 : i32
    %mul3A_2 = arith.muli %arg1, %mul3A_1 : i32
    "tpu.region"() ({
      %run_scoped3A = tpu.sem_alloc : memref<!tpu.dma_semaphore, #tpu.memory_space<semaphore_mem>>
      %dma_start3A = arith.constant 0 : i32
      %dma_start3A_14 = tpu.memref_slice %arg9[%mul3A_2, %dma_start3A] : memref<10240x64xf32, #tpu.memory_space<vmem_shared>> -> memref<640x64xf32, #tpu.memory_space<vmem_shared>>
      %dma_start3A_15 = arith.constant 0 : i32
      %dma_start3A_16 = tpu.memref_slice %arg2[%mul3A_2, %dma_start3A_15] : memref<10240x64xf32, #tpu.memory_space<hbm>> -> memref<640x64xf32, #tpu.memory_space<hbm>>
      tpu.enqueue_dma source(%dma_start3A_16 : memref<640x64xf32, #tpu.memory_space<hbm>>) target(%dma_start3A_14 : memref<640x64xf32, #tpu.memory_space<vmem_shared>>) target_semaphore(%run_scoped3A : memref<!tpu.dma_semaphore, #tpu.memory_space<semaphore_mem>>)
      %dma_wait3A = arith.constant 0 : i32
      %dma_wait3A_17 = tpu.memref_slice %arg9[%mul3A_2, %dma_wait3A] : memref<10240x64xf32, #tpu.memory_space<vmem_shared>> -> memref<640x64xf32, #tpu.memory_space<vmem_shared>>
      %dma_wait3A_18 = arith.constant 0 : i32
      %dma_wait3A_19 = tpu.memref_slice %arg2[%mul3A_2, %dma_wait3A_18] : memref<10240x64xf32, #tpu.memory_space<hbm>> -> memref<640x64xf32, #tpu.memory_space<hbm>>
      tpu.wait_dma2 semaphore(%run_scoped3A : memref<!tpu.dma_semaphore, #tpu.memory_space<semaphore_mem>>) src(%dma_wait3A_19 : memref<640x64xf32, #tpu.memory_space<hbm>>) dst(%dma_wait3A_17 : memref<640x64xf32, #tpu.memory_space<vmem_shared>>)
      tpu.yield
    }) : () -> ()
    %mul3A_3 = arith.constant 80 : i32
    %mul3A_4 = arith.muli %add3A, %mul3A_3 : i32
    "tpu.region"() ({
      %run_scoped3A = tpu.sem_alloc : memref<!tpu.dma_semaphore, #tpu.memory_space<semaphore_mem>>
      %dma_start3A = arith.constant 0 : i32
      %dma_start3A_14 = tpu.memref_slice %arg3[%mul3A_4, %dma_start3A] : memref<2560x128xi32, #tpu.memory_space<hbm>> -> memref<80x128xi32, #tpu.memory_space<hbm>>
      %dma_start3A_15 = arith.constant 0 : i32
      %dma_start3A_16 = tpu.memref_slice %arg3[%mul3A_4, %dma_start3A_15] : memref<2560x128xi32, #tpu.memory_space<hbm>> -> memref<80x128xi32, #tpu.memory_space<hbm>>
      tpu.enqueue_dma source(%dma_start3A_16 : memref<80x128xi32, #tpu.memory_space<hbm>>) target(%arg6 : memref<80x128xi32, #tpu.memory_space<vmem>>) target_semaphore(%run_scoped3A : memref<!tpu.dma_semaphore, #tpu.memory_space<semaphore_mem>>)
      %dma_wait3A = arith.constant 0 : i32
      %dma_wait3A_17 = tpu.memref_slice %arg3[%mul3A_4, %dma_wait3A] : memref<2560x128xi32, #tpu.memory_space<hbm>> -> memref<80x128xi32, #tpu.memory_space<hbm>>
      %dma_wait3A_18 = arith.constant 0 : i32
      %dma_wait3A_19 = tpu.memref_slice %arg3[%mul3A_4, %dma_wait3A_18] : memref<2560x128xi32, #tpu.memory_space<hbm>> -> memref<80x128xi32, #tpu.memory_space<hbm>>
      tpu.wait_dma2 semaphore(%run_scoped3A : memref<!tpu.dma_semaphore, #tpu.memory_space<semaphore_mem>>) src(%dma_wait3A_19 : memref<80x128xi32, #tpu.memory_space<hbm>>) dst(%arg6 : memref<80x128xi32, #tpu.memory_space<vmem>>)
      tpu.yield
    }) : () -> ()
    "tpu.region"() ({
      %run_scoped3A = tpu.sem_alloc : memref<!tpu.dma_semaphore, #tpu.memory_space<semaphore_mem>>
      %dma_start3A = arith.constant 0 : i32
      %dma_start3A_14 = tpu.memref_slice %arg4[%mul3A_4, %dma_start3A] : memref<2560x128xi32, #tpu.memory_space<hbm>> -> memref<80x128xi32, #tpu.memory_space<hbm>>
      %dma_start3A_15 = arith.constant 0 : i32
      %dma_start3A_16 = tpu.memref_slice %arg4[%mul3A_4, %dma_start3A_15] : memref<2560x128xi32, #tpu.memory_space<hbm>> -> memref<80x128xi32, #tpu.memory_space<hbm>>
      tpu.enqueue_dma source(%dma_start3A_16 : memref<80x128xi32, #tpu.memory_space<hbm>>) target(%arg7 : memref<80x128xi32, #tpu.memory_space<vmem>>) target_semaphore(%run_scoped3A : memref<!tpu.dma_semaphore, #tpu.memory_space<semaphore_mem>>)
      %dma_wait3A = arith.constant 0 : i32
      %dma_wait3A_17 = tpu.memref_slice %arg4[%mul3A_4, %dma_wait3A] : memref<2560x128xi32, #tpu.memory_space<hbm>> -> memref<80x128xi32, #tpu.memory_space<hbm>>
      %dma_wait3A_18 = arith.constant 0 : i32
      %dma_wait3A_19 = tpu.memref_slice %arg4[%mul3A_4, %dma_wait3A_18] : memref<2560x128xi32, #tpu.memory_space<hbm>> -> memref<80x128xi32, #tpu.memory_space<hbm>>
      tpu.wait_dma2 semaphore(%run_scoped3A : memref<!tpu.dma_semaphore, #tpu.memory_space<semaphore_mem>>) src(%dma_wait3A_19 : memref<80x128xi32, #tpu.memory_space<hbm>>) dst(%arg7 : memref<80x128xi32, #tpu.memory_space<vmem>>)
      tpu.yield
    }) : () -> ()
    %barrier3A = arith.constant 0 : index
    tpu.barrier barrier_id(%barrier3A)
    %scan3A = arith.constant 0 : i32
    %scan3A_5 = arith.constant 0 : i32
    %scan3A_6 = arith.constant 80 : i32
    %scan3A_7 = arith.addi %scan3A_5, %scan3A_6 : i32
    %scan3A_8 = arith.constant 1 : i32
    scf.for %scan3A_14 = %scan3A_5 to %scan3A_7 step %scan3A_8  : i32 {
      %dma_start3A = arith.constant 0 : i32
      %dma_start3A_15 = tpu.memref_slice %arg6[%scan3A_14, %dma_start3A] : memref<80x128xi32, #tpu.memory_space<vmem>> -> memref<1x128xi32, #tpu.memory_space<vmem>>
      %dma_start3A_16 = tpu.memref_squeeze %dma_start3A_15 : memref<1x128xi32, #tpu.memory_space<vmem>> -> memref<128xi32, #tpu.memory_space<vmem>>
      %dma_start3A_17 = arith.constant 0 : i32
      %dma_start3A_18 = arith.constant 0 : i32
      %dma_start3A_19 = tpu.memref_slice %arg2[%dma_start3A_17, %dma_start3A_18] : memref<10240x64xf32, #tpu.memory_space<hbm>> -> memref<10240x64xf32, #tpu.memory_space<hbm>>
      tpu.enqueue_indirect_dma source(%dma_start3A_19 : memref<10240x64xf32, #tpu.memory_space<hbm>>) target(%arg8 : memref<128x64xf32, #tpu.memory_space<vmem>>) offsets(%dma_start3A_16 : memref<128xi32, #tpu.memory_space<vmem>>) semaphore(%arg10 : memref<!tpu.dma_semaphore, #tpu.memory_space<semaphore_mem>>)
      %dma_wait3A = arith.constant 0 : i32
      %dma_wait3A_20 = tpu.memref_slice %arg6[%scan3A_14, %dma_wait3A] : memref<80x128xi32, #tpu.memory_space<vmem>> -> memref<1x128xi32, #tpu.memory_space<vmem>>
      %dma_wait3A_21 = tpu.memref_squeeze %dma_wait3A_20 : memref<1x128xi32, #tpu.memory_space<vmem>> -> memref<128xi32, #tpu.memory_space<vmem>>
      %dma_wait3A_22 = arith.constant 0 : i32
      %dma_wait3A_23 = arith.constant 0 : i32
      %dma_wait3A_24 = tpu.memref_slice %arg2[%dma_wait3A_22, %dma_wait3A_23] : memref<10240x64xf32, #tpu.memory_space<hbm>> -> memref<10240x64xf32, #tpu.memory_space<hbm>>
      tpu.wait_indirect_dma semaphore(%arg10 : memref<!tpu.dma_semaphore, #tpu.memory_space<semaphore_mem>>) src(%dma_wait3A_24 : memref<10240x64xf32, #tpu.memory_space<hbm>>) dst(%arg8 : memref<128x64xf32, #tpu.memory_space<vmem>>)
      "tpu.region"() ({
        %run_scoped3A = tpu.sem_alloc : memref<!tpu.dma_semaphore, #tpu.memory_space<semaphore_mem>>
        %dma_start3A_25 = arith.constant 0 : i32
        %dma_start3A_26 = tpu.memref_slice %arg7[%scan3A_14, %dma_start3A_25] : memref<80x128xi32, #tpu.memory_space<vmem>> -> memref<1x128xi32, #tpu.memory_space<vmem>>
        %dma_start3A_27 = tpu.memref_squeeze %dma_start3A_26 : memref<1x128xi32, #tpu.memory_space<vmem>> -> memref<128xi32, #tpu.memory_space<vmem>>
        %dma_start3A_28 = arith.constant 0 : i32
        %dma_start3A_29 = arith.constant 0 : i32
        %dma_start3A_30 = tpu.memref_slice %arg9[%dma_start3A_28, %dma_start3A_29] : memref<10240x64xf32, #tpu.memory_space<vmem_shared>> -> memref<10240x64xf32, #tpu.memory_space<vmem_shared>>
        tpu.enqueue_indirect_dma source(%arg8 : memref<128x64xf32, #tpu.memory_space<vmem>>) target(%dma_start3A_30 : memref<10240x64xf32, #tpu.memory_space<vmem_shared>>) offsets(%dma_start3A_27 : memref<128xi32, #tpu.memory_space<vmem>>) semaphore(%run_scoped3A : memref<!tpu.dma_semaphore, #tpu.memory_space<semaphore_mem>>) {add = true}
        %dma_wait3A_31 = arith.constant 0 : i32
        %dma_wait3A_32 = tpu.memref_slice %arg7[%scan3A_14, %dma_wait3A_31] : memref<80x128xi32, #tpu.memory_space<vmem>> -> memref<1x128xi32, #tpu.memory_space<vmem>>
        %dma_wait3A_33 = tpu.memref_squeeze %dma_wait3A_32 : memref<1x128xi32, #tpu.memory_space<vmem>> -> memref<128xi32, #tpu.memory_space<vmem>>
        %dma_wait3A_34 = arith.constant 0 : i32
        %dma_wait3A_35 = arith.constant 0 : i32
        %dma_wait3A_36 = tpu.memref_slice %arg9[%dma_wait3A_34, %dma_wait3A_35] : memref<10240x64xf32, #tpu.memory_space<vmem_shared>> -> memref<10240x64xf32, #tpu.memory_space<vmem_shared>>
        tpu.wait_indirect_dma semaphore(%run_scoped3A : memref<!tpu.dma_semaphore, #tpu.memory_space<semaphore_mem>>) src(%arg8 : memref<128x64xf32, #tpu.memory_space<vmem>>) dst(%dma_wait3A_36 : memref<10240x64xf32, #tpu.memory_space<vmem_shared>>)
        tpu.yield
      }) : () -> ()
    }
    %scan3A_9 = arith.constant 80 : i32
    %barrier3A_10 = arith.constant 0 : index
    tpu.barrier barrier_id(%barrier3A_10)
    %mul3A_11 = arith.constant 10240 : i32
    %mul3A_12 = arith.muli %arg0, %mul3A_11 : i32
    %add3A_13 = arith.addi %mul3A_12, %mul3A_2 : i32
    "tpu.region"() ({
      %run_scoped3A = tpu.sem_alloc : memref<!tpu.dma_semaphore, #tpu.memory_space<semaphore_mem>>
      %dma_start3A = arith.constant 0 : i32
      %dma_start3A_14 = tpu.memref_slice %arg5[%add3A_13, %dma_start3A] : memref<20480x64xf32, #tpu.memory_space<hbm>> -> memref<640x64xf32, #tpu.memory_space<hbm>>
      %dma_start3A_15 = arith.constant 0 : i32
      %dma_start3A_16 = tpu.memref_slice %arg9[%mul3A_2, %dma_start3A_15] : memref<10240x64xf32, #tpu.memory_space<vmem_shared>> -> memref<640x64xf32, #tpu.memory_space<vmem_shared>>
      tpu.enqueue_dma source(%dma_start3A_16 : memref<640x64xf32, #tpu.memory_space<vmem_shared>>) target(%dma_start3A_14 : memref<640x64xf32, #tpu.memory_space<hbm>>) target_semaphore(%run_scoped3A : memref<!tpu.dma_semaphore, #tpu.memory_space<semaphore_mem>>)
      %dma_wait3A = arith.constant 0 : i32
      %dma_wait3A_17 = tpu.memref_slice %arg5[%add3A_13, %dma_wait3A] : memref<20480x64xf32, #tpu.memory_space<hbm>> -> memref<640x64xf32, #tpu.memory_space<hbm>>
      %dma_wait3A_18 = arith.constant 0 : i32
      %dma_wait3A_19 = tpu.memref_slice %arg9[%mul3A_2, %dma_wait3A_18] : memref<10240x64xf32, #tpu.memory_space<vmem_shared>> -> memref<640x64xf32, #tpu.memory_space<vmem_shared>>
      tpu.wait_dma2 semaphore(%run_scoped3A : memref<!tpu.dma_semaphore, #tpu.memory_space<semaphore_mem>>) src(%dma_wait3A_19 : memref<640x64xf32, #tpu.memory_space<vmem_shared>>) dst(%dma_wait3A_17 : memref<640x64xf32, #tpu.memory_space<hbm>>)
      tpu.yield
    }) : () -> ()
    return
  }
}

#map = affine_map<(d0, d1) -> (0, 0)>
module attributes {stable_mosaic.version = 14 : i64} {
  func.func @agg(%arg0: i32, %arg1: i32, %arg2: memref<10240x64xf32, #tpu.memory_space<hbm>>, %arg3: memref<2560x128xi32, #tpu.memory_space<hbm>>, %arg4: memref<2560x128xi32, #tpu.memory_space<hbm>>, %arg5: memref<20480x64xf32, #tpu.memory_space<hbm>>, %arg6: memref<80x128xi32, #tpu.memory_space<vmem>>, %arg7: memref<80x128xi32, #tpu.memory_space<vmem>>, %arg8: memref<128x64xf32, #tpu.memory_space<vmem>>, %arg9: memref<10240x64xf32, #tpu.memory_space<vmem_shared>>, %arg10: memref<!tpu.dma_semaphore, #tpu.memory_space<semaphore_mem>>) attributes {dimension_semantics = [#tpu.dimension_semantics<core_parallel>, #tpu.dimension_semantics<subcore_parallel>], iteration_bounds = array<i64: 2, 16>, scalar_prefetch = 0 : i64, scratch_operands = 5 : i64, tpu.core_type = #tpu.core_type<sc_vector_subcore>, window_params = [{transform_indices = #map}, {transform_indices = #map}, {transform_indices = #map}, {transform_indices = #map}]} {
    %mul3A = arith.constant 16 : i32
    %mul3A_0 = arith.muli %arg0, %mul3A : i32
    %add3A = arith.addi %mul3A_0, %arg1 : i32
    %mul3A_1 = arith.constant 640 : i32
    %mul3A_2 = arith.muli %arg1, %mul3A_1 : i32
    "tpu.region"() ({
      %run_scoped3A = tpu.sem_alloc : memref<!tpu.dma_semaphore, #tpu.memory_space<semaphore_mem>>
      %dma_start3A = arith.constant 0 : i32
      %dma_start3A_14 = tpu.memref_slice %arg9[%mul3A_2, %dma_start3A] : memref<10240x64xf32, #tpu.memory_space<vmem_shared>> -> memref<640x64xf32, #tpu.memory_space<vmem_shared>>
      %dma_start3A_15 = arith.constant 0 : i32
      %dma_start3A_16 = tpu.memref_slice %arg2[%mul3A_2, %dma_start3A_15] : memref<10240x64xf32, #tpu.memory_space<hbm>> -> memref<640x64xf32, #tpu.memory_space<hbm>>
      tpu.enqueue_dma source(%dma_start3A_16 : memref<640x64xf32, #tpu.memory_space<hbm>>) target(%dma_start3A_14 : memref<640x64xf32, #tpu.memory_space<vmem_shared>>) target_semaphore(%run_scoped3A : memref<!tpu.dma_semaphore, #tpu.memory_space<semaphore_mem>>)
      %dma_wait3A = arith.constant 0 : i32
      %dma_wait3A_17 = tpu.memref_slice %arg9[%mul3A_2, %dma_wait3A] : memref<10240x64xf32, #tpu.memory_space<vmem_shared>> -> memref<640x64xf32, #tpu.memory_space<vmem_shared>>
      %dma_wait3A_18 = arith.constant 0 : i32
      %dma_wait3A_19 = tpu.memref_slice %arg2[%mul3A_2, %dma_wait3A_18] : memref<10240x64xf32, #tpu.memory_space<hbm>> -> memref<640x64xf32, #tpu.memory_space<hbm>>
      tpu.wait_dma2 semaphore(%run_scoped3A : memref<!tpu.dma_semaphore, #tpu.memory_space<semaphore_mem>>) src(%dma_wait3A_19 : memref<640x64xf32, #tpu.memory_space<hbm>>) dst(%dma_wait3A_17 : memref<640x64xf32, #tpu.memory_space<vmem_shared>>)
      tpu.yield
    }) : () -> ()
    %mul3A_3 = arith.constant 80 : i32
    %mul3A_4 = arith.muli %add3A, %mul3A_3 : i32
    "tpu.region"() ({
      %run_scoped3A = tpu.sem_alloc : memref<!tpu.dma_semaphore, #tpu.memory_space<semaphore_mem>>
      %dma_start3A = arith.constant 0 : i32
      %dma_start3A_14 = tpu.memref_slice %arg3[%mul3A_4, %dma_start3A] : memref<2560x128xi32, #tpu.memory_space<hbm>> -> memref<80x128xi32, #tpu.memory_space<hbm>>
      %dma_start3A_15 = arith.constant 0 : i32
      %dma_start3A_16 = tpu.memref_slice %arg3[%mul3A_4, %dma_start3A_15] : memref<2560x128xi32, #tpu.memory_space<hbm>> -> memref<80x128xi32, #tpu.memory_space<hbm>>
      tpu.enqueue_dma source(%dma_start3A_16 : memref<80x128xi32, #tpu.memory_space<hbm>>) target(%arg6 : memref<80x128xi32, #tpu.memory_space<vmem>>) target_semaphore(%run_scoped3A : memref<!tpu.dma_semaphore, #tpu.memory_space<semaphore_mem>>)
      %dma_wait3A = arith.constant 0 : i32
      %dma_wait3A_17 = tpu.memref_slice %arg3[%mul3A_4, %dma_wait3A] : memref<2560x128xi32, #tpu.memory_space<hbm>> -> memref<80x128xi32, #tpu.memory_space<hbm>>
      %dma_wait3A_18 = arith.constant 0 : i32
      %dma_wait3A_19 = tpu.memref_slice %arg3[%mul3A_4, %dma_wait3A_18] : memref<2560x128xi32, #tpu.memory_space<hbm>> -> memref<80x128xi32, #tpu.memory_space<hbm>>
      tpu.wait_dma2 semaphore(%run_scoped3A : memref<!tpu.dma_semaphore, #tpu.memory_space<semaphore_mem>>) src(%dma_wait3A_19 : memref<80x128xi32, #tpu.memory_space<hbm>>) dst(%arg6 : memref<80x128xi32, #tpu.memory_space<vmem>>)
      tpu.yield
    }) : () -> ()
    "tpu.region"() ({
      %run_scoped3A = tpu.sem_alloc : memref<!tpu.dma_semaphore, #tpu.memory_space<semaphore_mem>>
      %dma_start3A = arith.constant 0 : i32
      %dma_start3A_14 = tpu.memref_slice %arg4[%mul3A_4, %dma_start3A] : memref<2560x128xi32, #tpu.memory_space<hbm>> -> memref<80x128xi32, #tpu.memory_space<hbm>>
      %dma_start3A_15 = arith.constant 0 : i32
      %dma_start3A_16 = tpu.memref_slice %arg4[%mul3A_4, %dma_start3A_15] : memref<2560x128xi32, #tpu.memory_space<hbm>> -> memref<80x128xi32, #tpu.memory_space<hbm>>
      tpu.enqueue_dma source(%dma_start3A_16 : memref<80x128xi32, #tpu.memory_space<hbm>>) target(%arg7 : memref<80x128xi32, #tpu.memory_space<vmem>>) target_semaphore(%run_scoped3A : memref<!tpu.dma_semaphore, #tpu.memory_space<semaphore_mem>>)
      %dma_wait3A = arith.constant 0 : i32
      %dma_wait3A_17 = tpu.memref_slice %arg4[%mul3A_4, %dma_wait3A] : memref<2560x128xi32, #tpu.memory_space<hbm>> -> memref<80x128xi32, #tpu.memory_space<hbm>>
      %dma_wait3A_18 = arith.constant 0 : i32
      %dma_wait3A_19 = tpu.memref_slice %arg4[%mul3A_4, %dma_wait3A_18] : memref<2560x128xi32, #tpu.memory_space<hbm>> -> memref<80x128xi32, #tpu.memory_space<hbm>>
      tpu.wait_dma2 semaphore(%run_scoped3A : memref<!tpu.dma_semaphore, #tpu.memory_space<semaphore_mem>>) src(%dma_wait3A_19 : memref<80x128xi32, #tpu.memory_space<hbm>>) dst(%arg7 : memref<80x128xi32, #tpu.memory_space<vmem>>)
      tpu.yield
    }) : () -> ()
    %barrier3A = arith.constant 0 : index
    tpu.barrier barrier_id(%barrier3A)
    %scan3A = arith.constant 0 : i32
    %scan3A_5 = arith.constant 0 : i32
    %scan3A_6 = arith.constant 80 : i32
    %scan3A_7 = arith.addi %scan3A_5, %scan3A_6 : i32
    %scan3A_8 = arith.constant 1 : i32
    scf.for %scan3A_14 = %scan3A_5 to %scan3A_7 step %scan3A_8  : i32 {
      %dma_start3A = arith.constant 0 : i32
      %dma_start3A_15 = tpu.memref_slice %arg6[%scan3A_14, %dma_start3A] : memref<80x128xi32, #tpu.memory_space<vmem>> -> memref<1x128xi32, #tpu.memory_space<vmem>>
      %dma_start3A_16 = tpu.memref_squeeze %dma_start3A_15 : memref<1x128xi32, #tpu.memory_space<vmem>> -> memref<128xi32, #tpu.memory_space<vmem>>
      %dma_start3A_17 = arith.constant 0 : i32
      %dma_start3A_18 = arith.constant 0 : i32
      %dma_start3A_19 = tpu.memref_slice %arg2[%dma_start3A_17, %dma_start3A_18] : memref<10240x64xf32, #tpu.memory_space<hbm>> -> memref<10240x64xf32, #tpu.memory_space<hbm>>
      tpu.enqueue_indirect_dma source(%dma_start3A_19 : memref<10240x64xf32, #tpu.memory_space<hbm>>) target(%arg8 : memref<128x64xf32, #tpu.memory_space<vmem>>) offsets(%dma_start3A_16 : memref<128xi32, #tpu.memory_space<vmem>>) semaphore(%arg10 : memref<!tpu.dma_semaphore, #tpu.memory_space<semaphore_mem>>)
      %dma_wait3A = arith.constant 0 : i32
      %dma_wait3A_20 = tpu.memref_slice %arg6[%scan3A_14, %dma_wait3A] : memref<80x128xi32, #tpu.memory_space<vmem>> -> memref<1x128xi32, #tpu.memory_space<vmem>>
      %dma_wait3A_21 = tpu.memref_squeeze %dma_wait3A_20 : memref<1x128xi32, #tpu.memory_space<vmem>> -> memref<128xi32, #tpu.memory_space<vmem>>
      %dma_wait3A_22 = arith.constant 0 : i32
      %dma_wait3A_23 = arith.constant 0 : i32
      %dma_wait3A_24 = tpu.memref_slice %arg2[%dma_wait3A_22, %dma_wait3A_23] : memref<10240x64xf32, #tpu.memory_space<hbm>> -> memref<10240x64xf32, #tpu.memory_space<hbm>>
      tpu.wait_indirect_dma semaphore(%arg10 : memref<!tpu.dma_semaphore, #tpu.memory_space<semaphore_mem>>) src(%dma_wait3A_24 : memref<10240x64xf32, #tpu.memory_space<hbm>>) dst(%arg8 : memref<128x64xf32, #tpu.memory_space<vmem>>)
      "tpu.region"() ({
        %run_scoped3A = tpu.sem_alloc : memref<!tpu.dma_semaphore, #tpu.memory_space<semaphore_mem>>
        %dma_start3A_25 = arith.constant 0 : i32
        %dma_start3A_26 = tpu.memref_slice %arg7[%scan3A_14, %dma_start3A_25] : memref<80x128xi32, #tpu.memory_space<vmem>> -> memref<1x128xi32, #tpu.memory_space<vmem>>
        %dma_start3A_27 = tpu.memref_squeeze %dma_start3A_26 : memref<1x128xi32, #tpu.memory_space<vmem>> -> memref<128xi32, #tpu.memory_space<vmem>>
        %dma_start3A_28 = arith.constant 0 : i32
        %dma_start3A_29 = arith.constant 0 : i32
        %dma_start3A_30 = tpu.memref_slice %arg9[%dma_start3A_28, %dma_start3A_29] : memref<10240x64xf32, #tpu.memory_space<vmem_shared>> -> memref<10240x64xf32, #tpu.memory_space<vmem_shared>>
        tpu.enqueue_indirect_dma source(%arg8 : memref<128x64xf32, #tpu.memory_space<vmem>>) target(%dma_start3A_30 : memref<10240x64xf32, #tpu.memory_space<vmem_shared>>) offsets(%dma_start3A_27 : memref<128xi32, #tpu.memory_space<vmem>>) semaphore(%run_scoped3A : memref<!tpu.dma_semaphore, #tpu.memory_space<semaphore_mem>>) {add = true}
        %dma_wait3A_31 = arith.constant 0 : i32
        %dma_wait3A_32 = tpu.memref_slice %arg7[%scan3A_14, %dma_wait3A_31] : memref<80x128xi32, #tpu.memory_space<vmem>> -> memref<1x128xi32, #tpu.memory_space<vmem>>
        %dma_wait3A_33 = tpu.memref_squeeze %dma_wait3A_32 : memref<1x128xi32, #tpu.memory_space<vmem>> -> memref<128xi32, #tpu.memory_space<vmem>>
        %dma_wait3A_34 = arith.constant 0 : i32
        %dma_wait3A_35 = arith.constant 0 : i32
        %dma_wait3A_36 = tpu.memref_slice %arg9[%dma_wait3A_34, %dma_wait3A_35] : memref<10240x64xf32, #tpu.memory_space<vmem_shared>> -> memref<10240x64xf32, #tpu.memory_space<vmem_shared>>
        tpu.wait_indirect_dma semaphore(%run_scoped3A : memref<!tpu.dma_semaphore, #tpu.memory_space<semaphore_mem>>) src(%arg8 : memref<128x64xf32, #tpu.memory_space<vmem>>) dst(%dma_wait3A_36 : memref<10240x64xf32, #tpu.memory_space<vmem_shared>>)
        tpu.yield
      }) : () -> ()
    }
    %scan3A_9 = arith.constant 80 : i32
    %barrier3A_10 = arith.constant 0 : index
    tpu.barrier barrier_id(%barrier3A_10)
    %mul3A_11 = arith.constant 10240 : i32
    %mul3A_12 = arith.muli %arg0, %mul3A_11 : i32
    %add3A_13 = arith.addi %mul3A_12, %mul3A_2 : i32
    "tpu.region"() ({
      %run_scoped3A = tpu.sem_alloc : memref<!tpu.dma_semaphore, #tpu.memory_space<semaphore_mem>>
      %dma_start3A = arith.constant 0 : i32
      %dma_start3A_14 = tpu.memref_slice %arg5[%add3A_13, %dma_start3A] : memref<20480x64xf32, #tpu.memory_space<hbm>> -> memref<640x64xf32, #tpu.memory_space<hbm>>
      %dma_start3A_15 = arith.constant 0 : i32
      %dma_start3A_16 = tpu.memref_slice %arg9[%mul3A_2, %dma_start3A_15] : memref<10240x64xf32, #tpu.memory_space<vmem_shared>> -> memref<640x64xf32, #tpu.memory_space<vmem_shared>>
      tpu.enqueue_dma source(%dma_start3A_16 : memref<640x64xf32, #tpu.memory_space<vmem_shared>>) target(%dma_start3A_14 : memref<640x64xf32, #tpu.memory_space<hbm>>) target_semaphore(%run_scoped3A : memref<!tpu.dma_semaphore, #tpu.memory_space<semaphore_mem>>)
      %dma_wait3A = arith.constant 0 : i32
      %dma_wait3A_17 = tpu.memref_slice %arg5[%add3A_13, %dma_wait3A] : memref<20480x64xf32, #tpu.memory_space<hbm>> -> memref<640x64xf32, #tpu.memory_space<hbm>>
      %dma_wait3A_18 = arith.constant 0 : i32
      %dma_wait3A_19 = tpu.memref_slice %arg9[%mul3A_2, %dma_wait3A_18] : memref<10240x64xf32, #tpu.memory_space<vmem_shared>> -> memref<640x64xf32, #tpu.memory_space<vmem_shared>>
      tpu.wait_dma2 semaphore(%run_scoped3A : memref<!tpu.dma_semaphore, #tpu.memory_space<semaphore_mem>>) src(%dma_wait3A_19 : memref<640x64xf32, #tpu.memory_space<vmem_shared>>) dst(%dma_wait3A_17 : memref<640x64xf32, #tpu.memory_space<hbm>>)
      tpu.yield
    }) : () -> ()
    return
  }
}

#map = affine_map<(d0, d1) -> (0, 0)>
module attributes {stable_mosaic.version = 14 : i64} {
  func.func @agg(%arg0: i32, %arg1: i32, %arg2: memref<10240x32xf32, #tpu.memory_space<hbm>>, %arg3: memref<2560x128xi32, #tpu.memory_space<hbm>>, %arg4: memref<2560x128xi32, #tpu.memory_space<hbm>>, %arg5: memref<20480x32xf32, #tpu.memory_space<hbm>>, %arg6: memref<80x128xi32, #tpu.memory_space<vmem>>, %arg7: memref<80x128xi32, #tpu.memory_space<vmem>>, %arg8: memref<128x32xf32, #tpu.memory_space<vmem>>, %arg9: memref<10240x32xf32, #tpu.memory_space<vmem_shared>>, %arg10: memref<!tpu.dma_semaphore, #tpu.memory_space<semaphore_mem>>) attributes {dimension_semantics = [#tpu.dimension_semantics<core_parallel>, #tpu.dimension_semantics<subcore_parallel>], iteration_bounds = array<i64: 2, 16>, scalar_prefetch = 0 : i64, scratch_operands = 5 : i64, tpu.core_type = #tpu.core_type<sc_vector_subcore>, window_params = [{transform_indices = #map}, {transform_indices = #map}, {transform_indices = #map}, {transform_indices = #map}]} {
    %mul3A = arith.constant 16 : i32
    %mul3A_0 = arith.muli %arg0, %mul3A : i32
    %add3A = arith.addi %mul3A_0, %arg1 : i32
    %mul3A_1 = arith.constant 640 : i32
    %mul3A_2 = arith.muli %arg1, %mul3A_1 : i32
    "tpu.region"() ({
      %run_scoped3A = tpu.sem_alloc : memref<!tpu.dma_semaphore, #tpu.memory_space<semaphore_mem>>
      %dma_start3A = arith.constant 0 : i32
      %dma_start3A_14 = tpu.memref_slice %arg9[%mul3A_2, %dma_start3A] : memref<10240x32xf32, #tpu.memory_space<vmem_shared>> -> memref<640x32xf32, #tpu.memory_space<vmem_shared>>
      %dma_start3A_15 = arith.constant 0 : i32
      %dma_start3A_16 = tpu.memref_slice %arg2[%mul3A_2, %dma_start3A_15] : memref<10240x32xf32, #tpu.memory_space<hbm>> -> memref<640x32xf32, #tpu.memory_space<hbm>>
      tpu.enqueue_dma source(%dma_start3A_16 : memref<640x32xf32, #tpu.memory_space<hbm>>) target(%dma_start3A_14 : memref<640x32xf32, #tpu.memory_space<vmem_shared>>) target_semaphore(%run_scoped3A : memref<!tpu.dma_semaphore, #tpu.memory_space<semaphore_mem>>)
      %dma_wait3A = arith.constant 0 : i32
      %dma_wait3A_17 = tpu.memref_slice %arg9[%mul3A_2, %dma_wait3A] : memref<10240x32xf32, #tpu.memory_space<vmem_shared>> -> memref<640x32xf32, #tpu.memory_space<vmem_shared>>
      %dma_wait3A_18 = arith.constant 0 : i32
      %dma_wait3A_19 = tpu.memref_slice %arg2[%mul3A_2, %dma_wait3A_18] : memref<10240x32xf32, #tpu.memory_space<hbm>> -> memref<640x32xf32, #tpu.memory_space<hbm>>
      tpu.wait_dma2 semaphore(%run_scoped3A : memref<!tpu.dma_semaphore, #tpu.memory_space<semaphore_mem>>) src(%dma_wait3A_19 : memref<640x32xf32, #tpu.memory_space<hbm>>) dst(%dma_wait3A_17 : memref<640x32xf32, #tpu.memory_space<vmem_shared>>)
      tpu.yield
    }) : () -> ()
    %mul3A_3 = arith.constant 80 : i32
    %mul3A_4 = arith.muli %add3A, %mul3A_3 : i32
    "tpu.region"() ({
      %run_scoped3A = tpu.sem_alloc : memref<!tpu.dma_semaphore, #tpu.memory_space<semaphore_mem>>
      %dma_start3A = arith.constant 0 : i32
      %dma_start3A_14 = tpu.memref_slice %arg3[%mul3A_4, %dma_start3A] : memref<2560x128xi32, #tpu.memory_space<hbm>> -> memref<80x128xi32, #tpu.memory_space<hbm>>
      %dma_start3A_15 = arith.constant 0 : i32
      %dma_start3A_16 = tpu.memref_slice %arg3[%mul3A_4, %dma_start3A_15] : memref<2560x128xi32, #tpu.memory_space<hbm>> -> memref<80x128xi32, #tpu.memory_space<hbm>>
      tpu.enqueue_dma source(%dma_start3A_16 : memref<80x128xi32, #tpu.memory_space<hbm>>) target(%arg6 : memref<80x128xi32, #tpu.memory_space<vmem>>) target_semaphore(%run_scoped3A : memref<!tpu.dma_semaphore, #tpu.memory_space<semaphore_mem>>)
      %dma_wait3A = arith.constant 0 : i32
      %dma_wait3A_17 = tpu.memref_slice %arg3[%mul3A_4, %dma_wait3A] : memref<2560x128xi32, #tpu.memory_space<hbm>> -> memref<80x128xi32, #tpu.memory_space<hbm>>
      %dma_wait3A_18 = arith.constant 0 : i32
      %dma_wait3A_19 = tpu.memref_slice %arg3[%mul3A_4, %dma_wait3A_18] : memref<2560x128xi32, #tpu.memory_space<hbm>> -> memref<80x128xi32, #tpu.memory_space<hbm>>
      tpu.wait_dma2 semaphore(%run_scoped3A : memref<!tpu.dma_semaphore, #tpu.memory_space<semaphore_mem>>) src(%dma_wait3A_19 : memref<80x128xi32, #tpu.memory_space<hbm>>) dst(%arg6 : memref<80x128xi32, #tpu.memory_space<vmem>>)
      tpu.yield
    }) : () -> ()
    "tpu.region"() ({
      %run_scoped3A = tpu.sem_alloc : memref<!tpu.dma_semaphore, #tpu.memory_space<semaphore_mem>>
      %dma_start3A = arith.constant 0 : i32
      %dma_start3A_14 = tpu.memref_slice %arg4[%mul3A_4, %dma_start3A] : memref<2560x128xi32, #tpu.memory_space<hbm>> -> memref<80x128xi32, #tpu.memory_space<hbm>>
      %dma_start3A_15 = arith.constant 0 : i32
      %dma_start3A_16 = tpu.memref_slice %arg4[%mul3A_4, %dma_start3A_15] : memref<2560x128xi32, #tpu.memory_space<hbm>> -> memref<80x128xi32, #tpu.memory_space<hbm>>
      tpu.enqueue_dma source(%dma_start3A_16 : memref<80x128xi32, #tpu.memory_space<hbm>>) target(%arg7 : memref<80x128xi32, #tpu.memory_space<vmem>>) target_semaphore(%run_scoped3A : memref<!tpu.dma_semaphore, #tpu.memory_space<semaphore_mem>>)
      %dma_wait3A = arith.constant 0 : i32
      %dma_wait3A_17 = tpu.memref_slice %arg4[%mul3A_4, %dma_wait3A] : memref<2560x128xi32, #tpu.memory_space<hbm>> -> memref<80x128xi32, #tpu.memory_space<hbm>>
      %dma_wait3A_18 = arith.constant 0 : i32
      %dma_wait3A_19 = tpu.memref_slice %arg4[%mul3A_4, %dma_wait3A_18] : memref<2560x128xi32, #tpu.memory_space<hbm>> -> memref<80x128xi32, #tpu.memory_space<hbm>>
      tpu.wait_dma2 semaphore(%run_scoped3A : memref<!tpu.dma_semaphore, #tpu.memory_space<semaphore_mem>>) src(%dma_wait3A_19 : memref<80x128xi32, #tpu.memory_space<hbm>>) dst(%arg7 : memref<80x128xi32, #tpu.memory_space<vmem>>)
      tpu.yield
    }) : () -> ()
    %barrier3A = arith.constant 0 : index
    tpu.barrier barrier_id(%barrier3A)
    %scan3A = arith.constant 0 : i32
    %scan3A_5 = arith.constant 0 : i32
    %scan3A_6 = arith.constant 80 : i32
    %scan3A_7 = arith.addi %scan3A_5, %scan3A_6 : i32
    %scan3A_8 = arith.constant 1 : i32
    scf.for %scan3A_14 = %scan3A_5 to %scan3A_7 step %scan3A_8  : i32 {
      %dma_start3A = arith.constant 0 : i32
      %dma_start3A_15 = tpu.memref_slice %arg6[%scan3A_14, %dma_start3A] : memref<80x128xi32, #tpu.memory_space<vmem>> -> memref<1x128xi32, #tpu.memory_space<vmem>>
      %dma_start3A_16 = tpu.memref_squeeze %dma_start3A_15 : memref<1x128xi32, #tpu.memory_space<vmem>> -> memref<128xi32, #tpu.memory_space<vmem>>
      %dma_start3A_17 = arith.constant 0 : i32
      %dma_start3A_18 = arith.constant 0 : i32
      %dma_start3A_19 = tpu.memref_slice %arg2[%dma_start3A_17, %dma_start3A_18] : memref<10240x32xf32, #tpu.memory_space<hbm>> -> memref<10240x32xf32, #tpu.memory_space<hbm>>
      tpu.enqueue_indirect_dma source(%dma_start3A_19 : memref<10240x32xf32, #tpu.memory_space<hbm>>) target(%arg8 : memref<128x32xf32, #tpu.memory_space<vmem>>) offsets(%dma_start3A_16 : memref<128xi32, #tpu.memory_space<vmem>>) semaphore(%arg10 : memref<!tpu.dma_semaphore, #tpu.memory_space<semaphore_mem>>)
      %dma_wait3A = arith.constant 0 : i32
      %dma_wait3A_20 = tpu.memref_slice %arg6[%scan3A_14, %dma_wait3A] : memref<80x128xi32, #tpu.memory_space<vmem>> -> memref<1x128xi32, #tpu.memory_space<vmem>>
      %dma_wait3A_21 = tpu.memref_squeeze %dma_wait3A_20 : memref<1x128xi32, #tpu.memory_space<vmem>> -> memref<128xi32, #tpu.memory_space<vmem>>
      %dma_wait3A_22 = arith.constant 0 : i32
      %dma_wait3A_23 = arith.constant 0 : i32
      %dma_wait3A_24 = tpu.memref_slice %arg2[%dma_wait3A_22, %dma_wait3A_23] : memref<10240x32xf32, #tpu.memory_space<hbm>> -> memref<10240x32xf32, #tpu.memory_space<hbm>>
      tpu.wait_indirect_dma semaphore(%arg10 : memref<!tpu.dma_semaphore, #tpu.memory_space<semaphore_mem>>) src(%dma_wait3A_24 : memref<10240x32xf32, #tpu.memory_space<hbm>>) dst(%arg8 : memref<128x32xf32, #tpu.memory_space<vmem>>)
      "tpu.region"() ({
        %run_scoped3A = tpu.sem_alloc : memref<!tpu.dma_semaphore, #tpu.memory_space<semaphore_mem>>
        %dma_start3A_25 = arith.constant 0 : i32
        %dma_start3A_26 = tpu.memref_slice %arg7[%scan3A_14, %dma_start3A_25] : memref<80x128xi32, #tpu.memory_space<vmem>> -> memref<1x128xi32, #tpu.memory_space<vmem>>
        %dma_start3A_27 = tpu.memref_squeeze %dma_start3A_26 : memref<1x128xi32, #tpu.memory_space<vmem>> -> memref<128xi32, #tpu.memory_space<vmem>>
        %dma_start3A_28 = arith.constant 0 : i32
        %dma_start3A_29 = arith.constant 0 : i32
        %dma_start3A_30 = tpu.memref_slice %arg9[%dma_start3A_28, %dma_start3A_29] : memref<10240x32xf32, #tpu.memory_space<vmem_shared>> -> memref<10240x32xf32, #tpu.memory_space<vmem_shared>>
        tpu.enqueue_indirect_dma source(%arg8 : memref<128x32xf32, #tpu.memory_space<vmem>>) target(%dma_start3A_30 : memref<10240x32xf32, #tpu.memory_space<vmem_shared>>) offsets(%dma_start3A_27 : memref<128xi32, #tpu.memory_space<vmem>>) semaphore(%run_scoped3A : memref<!tpu.dma_semaphore, #tpu.memory_space<semaphore_mem>>) {add = true}
        %dma_wait3A_31 = arith.constant 0 : i32
        %dma_wait3A_32 = tpu.memref_slice %arg7[%scan3A_14, %dma_wait3A_31] : memref<80x128xi32, #tpu.memory_space<vmem>> -> memref<1x128xi32, #tpu.memory_space<vmem>>
        %dma_wait3A_33 = tpu.memref_squeeze %dma_wait3A_32 : memref<1x128xi32, #tpu.memory_space<vmem>> -> memref<128xi32, #tpu.memory_space<vmem>>
        %dma_wait3A_34 = arith.constant 0 : i32
        %dma_wait3A_35 = arith.constant 0 : i32
        %dma_wait3A_36 = tpu.memref_slice %arg9[%dma_wait3A_34, %dma_wait3A_35] : memref<10240x32xf32, #tpu.memory_space<vmem_shared>> -> memref<10240x32xf32, #tpu.memory_space<vmem_shared>>
        tpu.wait_indirect_dma semaphore(%run_scoped3A : memref<!tpu.dma_semaphore, #tpu.memory_space<semaphore_mem>>) src(%arg8 : memref<128x32xf32, #tpu.memory_space<vmem>>) dst(%dma_wait3A_36 : memref<10240x32xf32, #tpu.memory_space<vmem_shared>>)
        tpu.yield
      }) : () -> ()
    }
    %scan3A_9 = arith.constant 80 : i32
    %barrier3A_10 = arith.constant 0 : index
    tpu.barrier barrier_id(%barrier3A_10)
    %mul3A_11 = arith.constant 10240 : i32
    %mul3A_12 = arith.muli %arg0, %mul3A_11 : i32
    %add3A_13 = arith.addi %mul3A_12, %mul3A_2 : i32
    "tpu.region"() ({
      %run_scoped3A = tpu.sem_alloc : memref<!tpu.dma_semaphore, #tpu.memory_space<semaphore_mem>>
      %dma_start3A = arith.constant 0 : i32
      %dma_start3A_14 = tpu.memref_slice %arg5[%add3A_13, %dma_start3A] : memref<20480x32xf32, #tpu.memory_space<hbm>> -> memref<640x32xf32, #tpu.memory_space<hbm>>
      %dma_start3A_15 = arith.constant 0 : i32
      %dma_start3A_16 = tpu.memref_slice %arg9[%mul3A_2, %dma_start3A_15] : memref<10240x32xf32, #tpu.memory_space<vmem_shared>> -> memref<640x32xf32, #tpu.memory_space<vmem_shared>>
      tpu.enqueue_dma source(%dma_start3A_16 : memref<640x32xf32, #tpu.memory_space<vmem_shared>>) target(%dma_start3A_14 : memref<640x32xf32, #tpu.memory_space<hbm>>) target_semaphore(%run_scoped3A : memref<!tpu.dma_semaphore, #tpu.memory_space<semaphore_mem>>)
      %dma_wait3A = arith.constant 0 : i32
      %dma_wait3A_17 = tpu.memref_slice %arg5[%add3A_13, %dma_wait3A] : memref<20480x32xf32, #tpu.memory_space<hbm>> -> memref<640x32xf32, #tpu.memory_space<hbm>>
      %dma_wait3A_18 = arith.constant 0 : i32
      %dma_wait3A_19 = tpu.memref_slice %arg9[%mul3A_2, %dma_wait3A_18] : memref<10240x32xf32, #tpu.memory_space<vmem_shared>> -> memref<640x32xf32, #tpu.memory_space<vmem_shared>>
      tpu.wait_dma2 semaphore(%run_scoped3A : memref<!tpu.dma_semaphore, #tpu.memory_space<semaphore_mem>>) src(%dma_wait3A_19 : memref<640x32xf32, #tpu.memory_space<vmem_shared>>) dst(%dma_wait3A_17 : memref<640x32xf32, #tpu.memory_space<hbm>>)
      tpu.yield
    }) : () -> ()
    return
  }
}

#map = affine_map<(d0, d1) -> (0, 0)>
module attributes {stable_mosaic.version = 14 : i64} {
  func.func @agg(%arg0: i32, %arg1: i32, %arg2: memref<10240x16xf32, #tpu.memory_space<hbm>>, %arg3: memref<2560x128xi32, #tpu.memory_space<hbm>>, %arg4: memref<2560x128xi32, #tpu.memory_space<hbm>>, %arg5: memref<20480x16xf32, #tpu.memory_space<hbm>>, %arg6: memref<80x128xi32, #tpu.memory_space<vmem>>, %arg7: memref<80x128xi32, #tpu.memory_space<vmem>>, %arg8: memref<128x16xf32, #tpu.memory_space<vmem>>, %arg9: memref<10240x16xf32, #tpu.memory_space<vmem_shared>>, %arg10: memref<!tpu.dma_semaphore, #tpu.memory_space<semaphore_mem>>) attributes {dimension_semantics = [#tpu.dimension_semantics<core_parallel>, #tpu.dimension_semantics<subcore_parallel>], iteration_bounds = array<i64: 2, 16>, scalar_prefetch = 0 : i64, scratch_operands = 5 : i64, tpu.core_type = #tpu.core_type<sc_vector_subcore>, window_params = [{transform_indices = #map}, {transform_indices = #map}, {transform_indices = #map}, {transform_indices = #map}]} {
    %mul3A = arith.constant 16 : i32
    %mul3A_0 = arith.muli %arg0, %mul3A : i32
    %add3A = arith.addi %mul3A_0, %arg1 : i32
    %mul3A_1 = arith.constant 640 : i32
    %mul3A_2 = arith.muli %arg1, %mul3A_1 : i32
    "tpu.region"() ({
      %run_scoped3A = tpu.sem_alloc : memref<!tpu.dma_semaphore, #tpu.memory_space<semaphore_mem>>
      %dma_start3A = arith.constant 0 : i32
      %dma_start3A_14 = tpu.memref_slice %arg9[%mul3A_2, %dma_start3A] : memref<10240x16xf32, #tpu.memory_space<vmem_shared>> -> memref<640x16xf32, #tpu.memory_space<vmem_shared>>
      %dma_start3A_15 = arith.constant 0 : i32
      %dma_start3A_16 = tpu.memref_slice %arg2[%mul3A_2, %dma_start3A_15] : memref<10240x16xf32, #tpu.memory_space<hbm>> -> memref<640x16xf32, #tpu.memory_space<hbm>>
      tpu.enqueue_dma source(%dma_start3A_16 : memref<640x16xf32, #tpu.memory_space<hbm>>) target(%dma_start3A_14 : memref<640x16xf32, #tpu.memory_space<vmem_shared>>) target_semaphore(%run_scoped3A : memref<!tpu.dma_semaphore, #tpu.memory_space<semaphore_mem>>)
      %dma_wait3A = arith.constant 0 : i32
      %dma_wait3A_17 = tpu.memref_slice %arg9[%mul3A_2, %dma_wait3A] : memref<10240x16xf32, #tpu.memory_space<vmem_shared>> -> memref<640x16xf32, #tpu.memory_space<vmem_shared>>
      %dma_wait3A_18 = arith.constant 0 : i32
      %dma_wait3A_19 = tpu.memref_slice %arg2[%mul3A_2, %dma_wait3A_18] : memref<10240x16xf32, #tpu.memory_space<hbm>> -> memref<640x16xf32, #tpu.memory_space<hbm>>
      tpu.wait_dma2 semaphore(%run_scoped3A : memref<!tpu.dma_semaphore, #tpu.memory_space<semaphore_mem>>) src(%dma_wait3A_19 : memref<640x16xf32, #tpu.memory_space<hbm>>) dst(%dma_wait3A_17 : memref<640x16xf32, #tpu.memory_space<vmem_shared>>)
      tpu.yield
    }) : () -> ()
    %mul3A_3 = arith.constant 80 : i32
    %mul3A_4 = arith.muli %add3A, %mul3A_3 : i32
    "tpu.region"() ({
      %run_scoped3A = tpu.sem_alloc : memref<!tpu.dma_semaphore, #tpu.memory_space<semaphore_mem>>
      %dma_start3A = arith.constant 0 : i32
      %dma_start3A_14 = tpu.memref_slice %arg3[%mul3A_4, %dma_start3A] : memref<2560x128xi32, #tpu.memory_space<hbm>> -> memref<80x128xi32, #tpu.memory_space<hbm>>
      %dma_start3A_15 = arith.constant 0 : i32
      %dma_start3A_16 = tpu.memref_slice %arg3[%mul3A_4, %dma_start3A_15] : memref<2560x128xi32, #tpu.memory_space<hbm>> -> memref<80x128xi32, #tpu.memory_space<hbm>>
      tpu.enqueue_dma source(%dma_start3A_16 : memref<80x128xi32, #tpu.memory_space<hbm>>) target(%arg6 : memref<80x128xi32, #tpu.memory_space<vmem>>) target_semaphore(%run_scoped3A : memref<!tpu.dma_semaphore, #tpu.memory_space<semaphore_mem>>)
      %dma_wait3A = arith.constant 0 : i32
      %dma_wait3A_17 = tpu.memref_slice %arg3[%mul3A_4, %dma_wait3A] : memref<2560x128xi32, #tpu.memory_space<hbm>> -> memref<80x128xi32, #tpu.memory_space<hbm>>
      %dma_wait3A_18 = arith.constant 0 : i32
      %dma_wait3A_19 = tpu.memref_slice %arg3[%mul3A_4, %dma_wait3A_18] : memref<2560x128xi32, #tpu.memory_space<hbm>> -> memref<80x128xi32, #tpu.memory_space<hbm>>
      tpu.wait_dma2 semaphore(%run_scoped3A : memref<!tpu.dma_semaphore, #tpu.memory_space<semaphore_mem>>) src(%dma_wait3A_19 : memref<80x128xi32, #tpu.memory_space<hbm>>) dst(%arg6 : memref<80x128xi32, #tpu.memory_space<vmem>>)
      tpu.yield
    }) : () -> ()
    "tpu.region"() ({
      %run_scoped3A = tpu.sem_alloc : memref<!tpu.dma_semaphore, #tpu.memory_space<semaphore_mem>>
      %dma_start3A = arith.constant 0 : i32
      %dma_start3A_14 = tpu.memref_slice %arg4[%mul3A_4, %dma_start3A] : memref<2560x128xi32, #tpu.memory_space<hbm>> -> memref<80x128xi32, #tpu.memory_space<hbm>>
      %dma_start3A_15 = arith.constant 0 : i32
      %dma_start3A_16 = tpu.memref_slice %arg4[%mul3A_4, %dma_start3A_15] : memref<2560x128xi32, #tpu.memory_space<hbm>> -> memref<80x128xi32, #tpu.memory_space<hbm>>
      tpu.enqueue_dma source(%dma_start3A_16 : memref<80x128xi32, #tpu.memory_space<hbm>>) target(%arg7 : memref<80x128xi32, #tpu.memory_space<vmem>>) target_semaphore(%run_scoped3A : memref<!tpu.dma_semaphore, #tpu.memory_space<semaphore_mem>>)
      %dma_wait3A = arith.constant 0 : i32
      %dma_wait3A_17 = tpu.memref_slice %arg4[%mul3A_4, %dma_wait3A] : memref<2560x128xi32, #tpu.memory_space<hbm>> -> memref<80x128xi32, #tpu.memory_space<hbm>>
      %dma_wait3A_18 = arith.constant 0 : i32
      %dma_wait3A_19 = tpu.memref_slice %arg4[%mul3A_4, %dma_wait3A_18] : memref<2560x128xi32, #tpu.memory_space<hbm>> -> memref<80x128xi32, #tpu.memory_space<hbm>>
      tpu.wait_dma2 semaphore(%run_scoped3A : memref<!tpu.dma_semaphore, #tpu.memory_space<semaphore_mem>>) src(%dma_wait3A_19 : memref<80x128xi32, #tpu.memory_space<hbm>>) dst(%arg7 : memref<80x128xi32, #tpu.memory_space<vmem>>)
      tpu.yield
    }) : () -> ()
    %barrier3A = arith.constant 0 : index
    tpu.barrier barrier_id(%barrier3A)
    %scan3A = arith.constant 0 : i32
    %scan3A_5 = arith.constant 0 : i32
    %scan3A_6 = arith.constant 80 : i32
    %scan3A_7 = arith.addi %scan3A_5, %scan3A_6 : i32
    %scan3A_8 = arith.constant 1 : i32
    scf.for %scan3A_14 = %scan3A_5 to %scan3A_7 step %scan3A_8  : i32 {
      %dma_start3A = arith.constant 0 : i32
      %dma_start3A_15 = tpu.memref_slice %arg6[%scan3A_14, %dma_start3A] : memref<80x128xi32, #tpu.memory_space<vmem>> -> memref<1x128xi32, #tpu.memory_space<vmem>>
      %dma_start3A_16 = tpu.memref_squeeze %dma_start3A_15 : memref<1x128xi32, #tpu.memory_space<vmem>> -> memref<128xi32, #tpu.memory_space<vmem>>
      %dma_start3A_17 = arith.constant 0 : i32
      %dma_start3A_18 = arith.constant 0 : i32
      %dma_start3A_19 = tpu.memref_slice %arg2[%dma_start3A_17, %dma_start3A_18] : memref<10240x16xf32, #tpu.memory_space<hbm>> -> memref<10240x16xf32, #tpu.memory_space<hbm>>
      tpu.enqueue_indirect_dma source(%dma_start3A_19 : memref<10240x16xf32, #tpu.memory_space<hbm>>) target(%arg8 : memref<128x16xf32, #tpu.memory_space<vmem>>) offsets(%dma_start3A_16 : memref<128xi32, #tpu.memory_space<vmem>>) semaphore(%arg10 : memref<!tpu.dma_semaphore, #tpu.memory_space<semaphore_mem>>)
      %dma_wait3A = arith.constant 0 : i32
      %dma_wait3A_20 = tpu.memref_slice %arg6[%scan3A_14, %dma_wait3A] : memref<80x128xi32, #tpu.memory_space<vmem>> -> memref<1x128xi32, #tpu.memory_space<vmem>>
      %dma_wait3A_21 = tpu.memref_squeeze %dma_wait3A_20 : memref<1x128xi32, #tpu.memory_space<vmem>> -> memref<128xi32, #tpu.memory_space<vmem>>
      %dma_wait3A_22 = arith.constant 0 : i32
      %dma_wait3A_23 = arith.constant 0 : i32
      %dma_wait3A_24 = tpu.memref_slice %arg2[%dma_wait3A_22, %dma_wait3A_23] : memref<10240x16xf32, #tpu.memory_space<hbm>> -> memref<10240x16xf32, #tpu.memory_space<hbm>>
      tpu.wait_indirect_dma semaphore(%arg10 : memref<!tpu.dma_semaphore, #tpu.memory_space<semaphore_mem>>) src(%dma_wait3A_24 : memref<10240x16xf32, #tpu.memory_space<hbm>>) dst(%arg8 : memref<128x16xf32, #tpu.memory_space<vmem>>)
      "tpu.region"() ({
        %run_scoped3A = tpu.sem_alloc : memref<!tpu.dma_semaphore, #tpu.memory_space<semaphore_mem>>
        %dma_start3A_25 = arith.constant 0 : i32
        %dma_start3A_26 = tpu.memref_slice %arg7[%scan3A_14, %dma_start3A_25] : memref<80x128xi32, #tpu.memory_space<vmem>> -> memref<1x128xi32, #tpu.memory_space<vmem>>
        %dma_start3A_27 = tpu.memref_squeeze %dma_start3A_26 : memref<1x128xi32, #tpu.memory_space<vmem>> -> memref<128xi32, #tpu.memory_space<vmem>>
        %dma_start3A_28 = arith.constant 0 : i32
        %dma_start3A_29 = arith.constant 0 : i32
        %dma_start3A_30 = tpu.memref_slice %arg9[%dma_start3A_28, %dma_start3A_29] : memref<10240x16xf32, #tpu.memory_space<vmem_shared>> -> memref<10240x16xf32, #tpu.memory_space<vmem_shared>>
        tpu.enqueue_indirect_dma source(%arg8 : memref<128x16xf32, #tpu.memory_space<vmem>>) target(%dma_start3A_30 : memref<10240x16xf32, #tpu.memory_space<vmem_shared>>) offsets(%dma_start3A_27 : memref<128xi32, #tpu.memory_space<vmem>>) semaphore(%run_scoped3A : memref<!tpu.dma_semaphore, #tpu.memory_space<semaphore_mem>>) {add = true}
        %dma_wait3A_31 = arith.constant 0 : i32
        %dma_wait3A_32 = tpu.memref_slice %arg7[%scan3A_14, %dma_wait3A_31] : memref<80x128xi32, #tpu.memory_space<vmem>> -> memref<1x128xi32, #tpu.memory_space<vmem>>
        %dma_wait3A_33 = tpu.memref_squeeze %dma_wait3A_32 : memref<1x128xi32, #tpu.memory_space<vmem>> -> memref<128xi32, #tpu.memory_space<vmem>>
        %dma_wait3A_34 = arith.constant 0 : i32
        %dma_wait3A_35 = arith.constant 0 : i32
        %dma_wait3A_36 = tpu.memref_slice %arg9[%dma_wait3A_34, %dma_wait3A_35] : memref<10240x16xf32, #tpu.memory_space<vmem_shared>> -> memref<10240x16xf32, #tpu.memory_space<vmem_shared>>
        tpu.wait_indirect_dma semaphore(%run_scoped3A : memref<!tpu.dma_semaphore, #tpu.memory_space<semaphore_mem>>) src(%arg8 : memref<128x16xf32, #tpu.memory_space<vmem>>) dst(%dma_wait3A_36 : memref<10240x16xf32, #tpu.memory_space<vmem_shared>>)
        tpu.yield
      }) : () -> ()
    }
    %scan3A_9 = arith.constant 80 : i32
    %barrier3A_10 = arith.constant 0 : index
    tpu.barrier barrier_id(%barrier3A_10)
    %mul3A_11 = arith.constant 10240 : i32
    %mul3A_12 = arith.muli %arg0, %mul3A_11 : i32
    %add3A_13 = arith.addi %mul3A_12, %mul3A_2 : i32
    "tpu.region"() ({
      %run_scoped3A = tpu.sem_alloc : memref<!tpu.dma_semaphore, #tpu.memory_space<semaphore_mem>>
      %dma_start3A = arith.constant 0 : i32
      %dma_start3A_14 = tpu.memref_slice %arg5[%add3A_13, %dma_start3A] : memref<20480x16xf32, #tpu.memory_space<hbm>> -> memref<640x16xf32, #tpu.memory_space<hbm>>
      %dma_start3A_15 = arith.constant 0 : i32
      %dma_start3A_16 = tpu.memref_slice %arg9[%mul3A_2, %dma_start3A_15] : memref<10240x16xf32, #tpu.memory_space<vmem_shared>> -> memref<640x16xf32, #tpu.memory_space<vmem_shared>>
      tpu.enqueue_dma source(%dma_start3A_16 : memref<640x16xf32, #tpu.memory_space<vmem_shared>>) target(%dma_start3A_14 : memref<640x16xf32, #tpu.memory_space<hbm>>) target_semaphore(%run_scoped3A : memref<!tpu.dma_semaphore, #tpu.memory_space<semaphore_mem>>)
      %dma_wait3A = arith.constant 0 : i32
      %dma_wait3A_17 = tpu.memref_slice %arg5[%add3A_13, %dma_wait3A] : memref<20480x16xf32, #tpu.memory_space<hbm>> -> memref<640x16xf32, #tpu.memory_space<hbm>>
      %dma_wait3A_18 = arith.constant 0 : i32
      %dma_wait3A_19 = tpu.memref_slice %arg9[%mul3A_2, %dma_wait3A_18] : memref<10240x16xf32, #tpu.memory_space<vmem_shared>> -> memref<640x16xf32, #tpu.memory_space<vmem_shared>>
      tpu.wait_dma2 semaphore(%run_scoped3A : memref<!tpu.dma_semaphore, #tpu.memory_space<semaphore_mem>>) src(%dma_wait3A_19 : memref<640x16xf32, #tpu.memory_space<vmem_shared>>) dst(%dma_wait3A_17 : memref<640x16xf32, #tpu.memory_space<hbm>>)
      tpu.yield
    }) : () -> ()
    return
  }
}

module attributes {stable_mosaic.version = 14 : i64} {
  func.func @_first_body(%arg0: memref<20480x16xf32, #tpu.memory_space<vmem>>, %arg1: memref<10240x128xf32, #tpu.memory_space<vmem>>, %arg2: memref<128x16xf32, #tpu.memory_space<vmem>>, %arg3: memref<10240x16xf32, #tpu.memory_space<vmem>>, %arg4: memref<10240x1xf32, #tpu.memory_space<vmem>>) attributes {dimension_semantics = [], scalar_prefetch = 0 : i64, scratch_operands = 0 : i64, tpu.core_type = #tpu.core_type<tc>} {
    %get3A = arith.constant 0 : index
    %get3A_0 = arith.constant 0 : index
    %get3A_1 = vector.load %arg0[%get3A, %get3A_0] : memref<20480x16xf32, #tpu.memory_space<vmem>>, vector<10240x1xf32>
    %get3A_2 = arith.constant 10240 : index
    %get3A_3 = arith.constant 0 : index
    %get3A_4 = vector.load %arg0[%get3A_2, %get3A_3] : memref<20480x16xf32, #tpu.memory_space<vmem>>, vector<10240x1xf32>
    %add3A = arith.addf %get3A_1, %get3A_4 : vector<10240x1xf32>
    %sub3A = arith.constant 1.000000e+00 : f32
    %sub3A_5 = vector.broadcast %sub3A : f32 to vector<10240x1xf32>
    %sub3A_6 = arith.subf %add3A, %sub3A_5 : vector<10240x1xf32>
    %max3A = arith.constant 1.000000e+00 : f32
    %max3A_7 = vector.broadcast %max3A : f32 to vector<10240x1xf32>
    %max3A_8 = arith.maximumf %sub3A_6, %max3A_7 : vector<10240x1xf32>
    %rsqrt3A = math.rsqrt %max3A_8 : vector<10240x1xf32>
    %swap3A = arith.constant 0 : index
    %swap3A_9 = arith.constant 0 : index
    %swap3A_10 = vector.load %arg4[%swap3A, %swap3A_9] : memref<10240x1xf32, #tpu.memory_space<vmem>>, vector<10240x1xf32>
    tpu.vector_store %arg4[%swap3A, %swap3A_9], %rsqrt3A {strides = array<i32>} : memref<10240x1xf32, #tpu.memory_space<vmem>>, vector<10240x1xf32>,
    %get3A_11 = arith.constant 0 : index
    %get3A_12 = arith.constant 0 : index
    %get3A_13 = vector.load %arg1[%get3A_11, %get3A_12] : memref<10240x128xf32, #tpu.memory_space<vmem>>, vector<10240x128xf32>
    %get3A_14 = arith.constant 0 : index
    %get3A_15 = arith.constant 0 : index
    %get3A_16 = vector.load %arg2[%get3A_14, %get3A_15] : memref<128x16xf32, #tpu.memory_space<vmem>>, vector<128x16xf32>
    %dot_general3A = arith.constant dense<0.000000e+00> : vector<10240x16xf32>
    %dot_general3A_17 = tpu.matmul %get3A_13, %get3A_16, %dot_general3A {dimension_numbers = #tpu.dot_dimension_numbers<[1], [0], [0], [1], [0, 0, 1, 1], [], []>, transpose_lhs_hint = false} : vector<10240x128xf32>, vector<128x16xf32>, vector<10240x16xf32> -> vector<10240x16xf32>
    %mul3A = vector.broadcast %rsqrt3A : vector<10240x1xf32> to vector<10240x16xf32>
    %mul3A_18 = arith.mulf %dot_general3A_17, %mul3A : vector<10240x16xf32>
    %swap3A_19 = arith.constant 0 : index
    %swap3A_20 = arith.constant 0 : index
    %swap3A_21 = vector.load %arg3[%swap3A_19, %swap3A_20] : memref<10240x16xf32, #tpu.memory_space<vmem>>, vector<10240x16xf32>
    tpu.vector_store %arg3[%swap3A_19, %swap3A_20], %mul3A_18 {strides = array<i32>} : memref<10240x16xf32, #tpu.memory_space<vmem>>, vector<10240x16xf32>,
    return
  }
}

module attributes {stable_mosaic.version = 14 : i64} {
  func.func @body(%arg0: memref<20480x16xf32, #tpu.memory_space<vmem>>, %arg1: memref<10240x16xf32, #tpu.memory_space<vmem>>, %arg2: memref<10240x1xf32, #tpu.memory_space<vmem>>, %arg3: memref<1x16xf32, #tpu.memory_space<vmem>>, %arg4: memref<10240x16xf32, #tpu.memory_space<vmem>>) attributes {dimension_semantics = [], scalar_prefetch = 0 : i64, scratch_operands = 0 : i64, tpu.core_type = #tpu.core_type<tc>} {
    %get3A = arith.constant 0 : index
    %get3A_0 = arith.constant 0 : index
    %get3A_1 = vector.load %arg0[%get3A, %get3A_0] : memref<20480x16xf32, #tpu.memory_space<vmem>>, vector<10240x16xf32>
    %get3A_2 = arith.constant 10240 : index
    %get3A_3 = arith.constant 0 : index
    %get3A_4 = vector.load %arg0[%get3A_2, %get3A_3] : memref<20480x16xf32, #tpu.memory_space<vmem>>, vector<10240x16xf32>
    %add3A = arith.addf %get3A_1, %get3A_4 : vector<10240x16xf32>
    %get3A_5 = arith.constant 0 : index
    %get3A_6 = arith.constant 0 : index
    %get3A_7 = vector.load %arg1[%get3A_5, %get3A_6] : memref<10240x16xf32, #tpu.memory_space<vmem>>, vector<10240x16xf32>
    %sub3A = arith.subf %add3A, %get3A_7 : vector<10240x16xf32>
    %get3A_8 = arith.constant 0 : index
    %get3A_9 = arith.constant 0 : index
    %get3A_10 = vector.load %arg2[%get3A_8, %get3A_9] : memref<10240x1xf32, #tpu.memory_space<vmem>>, vector<10240x1xf32>
    %mul3A = vector.broadcast %get3A_10 : vector<10240x1xf32> to vector<10240x16xf32>
    %mul3A_11 = arith.mulf %mul3A, %sub3A : vector<10240x16xf32>
    %get3A_12 = arith.constant 0 : index
    %get3A_13 = arith.constant 0 : index
    %get3A_14 = vector.load %arg3[%get3A_12, %get3A_13] : memref<1x16xf32, #tpu.memory_space<vmem>>, vector<1x16xf32>
    %add3A_15 = vector.broadcast %get3A_14 : vector<1x16xf32> to vector<10240x16xf32>
    %add3A_16 = arith.addf %mul3A_11, %add3A_15 : vector<10240x16xf32>
    %max3A = arith.constant 0.000000e+00 : f32
    %max3A_17 = vector.broadcast %max3A : f32 to vector<10240x16xf32>
    %max3A_18 = arith.maximumf %add3A_16, %max3A_17 : vector<10240x16xf32>
    %mul3A_19 = vector.broadcast %get3A_10 : vector<10240x1xf32> to vector<10240x16xf32>
    %mul3A_20 = arith.mulf %mul3A_19, %max3A_18 : vector<10240x16xf32>
    %swap3A = arith.constant 0 : index
    %swap3A_21 = arith.constant 0 : index
    %swap3A_22 = vector.load %arg4[%swap3A, %swap3A_21] : memref<10240x16xf32, #tpu.memory_space<vmem>>, vector<10240x16xf32>
    tpu.vector_store %arg4[%swap3A, %swap3A_21], %mul3A_20 {strides = array<i32>} : memref<10240x16xf32, #tpu.memory_space<vmem>>, vector<10240x16xf32>,
    return
  }
}

module attributes {stable_mosaic.version = 14 : i64} {
  func.func @body(%arg0: memref<20480x16xf32, #tpu.memory_space<vmem>>, %arg1: memref<10240x16xf32, #tpu.memory_space<vmem>>, %arg2: memref<10240x1xf32, #tpu.memory_space<vmem>>, %arg3: memref<16x32xf32, #tpu.memory_space<vmem>>, %arg4: memref<1x32xf32, #tpu.memory_space<vmem>>, %arg5: memref<10240x32xf32, #tpu.memory_space<vmem>>) attributes {dimension_semantics = [], scalar_prefetch = 0 : i64, scratch_operands = 0 : i64, tpu.core_type = #tpu.core_type<tc>} {
    %get3A = arith.constant 0 : index
    %get3A_0 = arith.constant 0 : index
    %get3A_1 = vector.load %arg0[%get3A, %get3A_0] : memref<20480x16xf32, #tpu.memory_space<vmem>>, vector<10240x16xf32>
    %get3A_2 = arith.constant 10240 : index
    %get3A_3 = arith.constant 0 : index
    %get3A_4 = vector.load %arg0[%get3A_2, %get3A_3] : memref<20480x16xf32, #tpu.memory_space<vmem>>, vector<10240x16xf32>
    %add3A = arith.addf %get3A_1, %get3A_4 : vector<10240x16xf32>
    %get3A_5 = arith.constant 0 : index
    %get3A_6 = arith.constant 0 : index
    %get3A_7 = vector.load %arg1[%get3A_5, %get3A_6] : memref<10240x16xf32, #tpu.memory_space<vmem>>, vector<10240x16xf32>
    %sub3A = arith.subf %add3A, %get3A_7 : vector<10240x16xf32>
    %get3A_8 = arith.constant 0 : index
    %get3A_9 = arith.constant 0 : index
    %get3A_10 = vector.load %arg2[%get3A_8, %get3A_9] : memref<10240x1xf32, #tpu.memory_space<vmem>>, vector<10240x1xf32>
    %mul3A = vector.broadcast %get3A_10 : vector<10240x1xf32> to vector<10240x16xf32>
    %mul3A_11 = arith.mulf %mul3A, %sub3A : vector<10240x16xf32>
    %get3A_12 = arith.constant 0 : index
    %get3A_13 = arith.constant 0 : index
    %get3A_14 = vector.load %arg3[%get3A_12, %get3A_13] : memref<16x32xf32, #tpu.memory_space<vmem>>, vector<16x32xf32>
    %dot_general3A = arith.constant dense<0.000000e+00> : vector<10240x32xf32>
    %dot_general3A_15 = tpu.matmul %mul3A_11, %get3A_14, %dot_general3A {dimension_numbers = #tpu.dot_dimension_numbers<[1], [0], [0], [1], [0, 0, 1, 1], [], []>, transpose_lhs_hint = false} : vector<10240x16xf32>, vector<16x32xf32>, vector<10240x32xf32> -> vector<10240x32xf32>
    %get3A_16 = arith.constant 0 : index
    %get3A_17 = arith.constant 0 : index
    %get3A_18 = vector.load %arg4[%get3A_16, %get3A_17] : memref<1x32xf32, #tpu.memory_space<vmem>>, vector<1x32xf32>
    %add3A_19 = vector.broadcast %get3A_18 : vector<1x32xf32> to vector<10240x32xf32>
    %add3A_20 = arith.addf %dot_general3A_15, %add3A_19 : vector<10240x32xf32>
    %max3A = arith.constant 0.000000e+00 : f32
    %max3A_21 = vector.broadcast %max3A : f32 to vector<10240x32xf32>
    %max3A_22 = arith.maximumf %add3A_20, %max3A_21 : vector<10240x32xf32>
    %mul3A_23 = vector.broadcast %get3A_10 : vector<10240x1xf32> to vector<10240x32xf32>
    %mul3A_24 = arith.mulf %mul3A_23, %max3A_22 : vector<10240x32xf32>
    %swap3A = arith.constant 0 : index
    %swap3A_25 = arith.constant 0 : index
    %swap3A_26 = vector.load %arg5[%swap3A, %swap3A_25] : memref<10240x32xf32, #tpu.memory_space<vmem>>, vector<10240x32xf32>
    tpu.vector_store %arg5[%swap3A, %swap3A_25], %mul3A_24 {strides = array<i32>} : memref<10240x32xf32, #tpu.memory_space<vmem>>, vector<10240x32xf32>,
    return
  }
}

module attributes {stable_mosaic.version = 14 : i64} {
  func.func @body(%arg0: memref<20480x32xf32, #tpu.memory_space<vmem>>, %arg1: memref<10240x32xf32, #tpu.memory_space<vmem>>, %arg2: memref<10240x1xf32, #tpu.memory_space<vmem>>, %arg3: memref<32x64xf32, #tpu.memory_space<vmem>>, %arg4: memref<1x64xf32, #tpu.memory_space<vmem>>, %arg5: memref<10240x64xf32, #tpu.memory_space<vmem>>) attributes {dimension_semantics = [], scalar_prefetch = 0 : i64, scratch_operands = 0 : i64, tpu.core_type = #tpu.core_type<tc>} {
    %get3A = arith.constant 0 : index
    %get3A_0 = arith.constant 0 : index
    %get3A_1 = vector.load %arg0[%get3A, %get3A_0] : memref<20480x32xf32, #tpu.memory_space<vmem>>, vector<10240x32xf32>
    %get3A_2 = arith.constant 10240 : index
    %get3A_3 = arith.constant 0 : index
    %get3A_4 = vector.load %arg0[%get3A_2, %get3A_3] : memref<20480x32xf32, #tpu.memory_space<vmem>>, vector<10240x32xf32>
    %add3A = arith.addf %get3A_1, %get3A_4 : vector<10240x32xf32>
    %get3A_5 = arith.constant 0 : index
    %get3A_6 = arith.constant 0 : index
    %get3A_7 = vector.load %arg1[%get3A_5, %get3A_6] : memref<10240x32xf32, #tpu.memory_space<vmem>>, vector<10240x32xf32>
    %sub3A = arith.subf %add3A, %get3A_7 : vector<10240x32xf32>
    %get3A_8 = arith.constant 0 : index
    %get3A_9 = arith.constant 0 : index
    %get3A_10 = vector.load %arg2[%get3A_8, %get3A_9] : memref<10240x1xf32, #tpu.memory_space<vmem>>, vector<10240x1xf32>
    %mul3A = vector.broadcast %get3A_10 : vector<10240x1xf32> to vector<10240x32xf32>
    %mul3A_11 = arith.mulf %mul3A, %sub3A : vector<10240x32xf32>
    %get3A_12 = arith.constant 0 : index
    %get3A_13 = arith.constant 0 : index
    %get3A_14 = vector.load %arg3[%get3A_12, %get3A_13] : memref<32x64xf32, #tpu.memory_space<vmem>>, vector<32x64xf32>
    %dot_general3A = arith.constant dense<0.000000e+00> : vector<10240x64xf32>
    %dot_general3A_15 = tpu.matmul %mul3A_11, %get3A_14, %dot_general3A {dimension_numbers = #tpu.dot_dimension_numbers<[1], [0], [0], [1], [0, 0, 1, 1], [], []>, transpose_lhs_hint = false} : vector<10240x32xf32>, vector<32x64xf32>, vector<10240x64xf32> -> vector<10240x64xf32>
    %get3A_16 = arith.constant 0 : index
    %get3A_17 = arith.constant 0 : index
    %get3A_18 = vector.load %arg4[%get3A_16, %get3A_17] : memref<1x64xf32, #tpu.memory_space<vmem>>, vector<1x64xf32>
    %add3A_19 = vector.broadcast %get3A_18 : vector<1x64xf32> to vector<10240x64xf32>
    %add3A_20 = arith.addf %dot_general3A_15, %add3A_19 : vector<10240x64xf32>
    %max3A = arith.constant 0.000000e+00 : f32
    %max3A_21 = vector.broadcast %max3A : f32 to vector<10240x64xf32>
    %max3A_22 = arith.maximumf %add3A_20, %max3A_21 : vector<10240x64xf32>
    %mul3A_23 = vector.broadcast %get3A_10 : vector<10240x1xf32> to vector<10240x64xf32>
    %mul3A_24 = arith.mulf %mul3A_23, %max3A_22 : vector<10240x64xf32>
    %swap3A = arith.constant 0 : index
    %swap3A_25 = arith.constant 0 : index
    %swap3A_26 = vector.load %arg5[%swap3A, %swap3A_25] : memref<10240x64xf32, #tpu.memory_space<vmem>>, vector<10240x64xf32>
    tpu.vector_store %arg5[%swap3A, %swap3A_25], %mul3A_24 {strides = array<i32>} : memref<10240x64xf32, #tpu.memory_space<vmem>>, vector<10240x64xf32>,
    return
  }
}

module attributes {stable_mosaic.version = 14 : i64} {
  func.func @body(%arg0: memref<20480x64xf32, #tpu.memory_space<vmem>>, %arg1: memref<10240x64xf32, #tpu.memory_space<vmem>>, %arg2: memref<10240x1xf32, #tpu.memory_space<vmem>>, %arg3: memref<64x128xf32, #tpu.memory_space<vmem>>, %arg4: memref<1x128xf32, #tpu.memory_space<vmem>>, %arg5: memref<128x64xf32, #tpu.memory_space<vmem>>, %arg6: memref<10240x64xf32, #tpu.memory_space<vmem>>) attributes {dimension_semantics = [], scalar_prefetch = 0 : i64, scratch_operands = 0 : i64, tpu.core_type = #tpu.core_type<tc>} {
    %get3A = arith.constant 0 : index
    %get3A_0 = arith.constant 0 : index
    %get3A_1 = vector.load %arg0[%get3A, %get3A_0] : memref<20480x64xf32, #tpu.memory_space<vmem>>, vector<10240x64xf32>
    %get3A_2 = arith.constant 10240 : index
    %get3A_3 = arith.constant 0 : index
    %get3A_4 = vector.load %arg0[%get3A_2, %get3A_3] : memref<20480x64xf32, #tpu.memory_space<vmem>>, vector<10240x64xf32>
    %add3A = arith.addf %get3A_1, %get3A_4 : vector<10240x64xf32>
    %get3A_5 = arith.constant 0 : index
    %get3A_6 = arith.constant 0 : index
    %get3A_7 = vector.load %arg1[%get3A_5, %get3A_6] : memref<10240x64xf32, #tpu.memory_space<vmem>>, vector<10240x64xf32>
    %sub3A = arith.subf %add3A, %get3A_7 : vector<10240x64xf32>
    %get3A_8 = arith.constant 0 : index
    %get3A_9 = arith.constant 0 : index
    %get3A_10 = vector.load %arg2[%get3A_8, %get3A_9] : memref<10240x1xf32, #tpu.memory_space<vmem>>, vector<10240x1xf32>
    %mul3A = vector.broadcast %get3A_10 : vector<10240x1xf32> to vector<10240x64xf32>
    %mul3A_11 = arith.mulf %mul3A, %sub3A : vector<10240x64xf32>
    %get3A_12 = arith.constant 0 : index
    %get3A_13 = arith.constant 0 : index
    %get3A_14 = vector.load %arg3[%get3A_12, %get3A_13] : memref<64x128xf32, #tpu.memory_space<vmem>>, vector<64x128xf32>
    %dot_general3A = arith.constant dense<0.000000e+00> : vector<10240x128xf32>
    %dot_general3A_15 = tpu.matmul %mul3A_11, %get3A_14, %dot_general3A {dimension_numbers = #tpu.dot_dimension_numbers<[1], [0], [0], [1], [0, 0, 1, 1], [], []>, transpose_lhs_hint = false} : vector<10240x64xf32>, vector<64x128xf32>, vector<10240x128xf32> -> vector<10240x128xf32>
    %get3A_16 = arith.constant 0 : index
    %get3A_17 = arith.constant 0 : index
    %get3A_18 = vector.load %arg4[%get3A_16, %get3A_17] : memref<1x128xf32, #tpu.memory_space<vmem>>, vector<1x128xf32>
    %add3A_19 = vector.broadcast %get3A_18 : vector<1x128xf32> to vector<10240x128xf32>
    %add3A_20 = arith.addf %dot_general3A_15, %add3A_19 : vector<10240x128xf32>
    %max3A = arith.constant 0.000000e+00 : f32
    %max3A_21 = vector.broadcast %max3A : f32 to vector<10240x128xf32>
    %max3A_22 = arith.maximumf %add3A_20, %max3A_21 : vector<10240x128xf32>
    %get3A_23 = arith.constant 0 : index
    %get3A_24 = arith.constant 0 : index
    %get3A_25 = vector.load %arg5[%get3A_23, %get3A_24] : memref<128x64xf32, #tpu.memory_space<vmem>>, vector<128x64xf32>
    %dot_general3A_26 = arith.constant dense<0.000000e+00> : vector<10240x64xf32>
    %dot_general3A_27 = tpu.matmul %max3A_22, %get3A_25, %dot_general3A_26 {dimension_numbers = #tpu.dot_dimension_numbers<[1], [0], [0], [1], [0, 0, 1, 1], [], []>, transpose_lhs_hint = false} : vector<10240x128xf32>, vector<128x64xf32>, vector<10240x64xf32> -> vector<10240x64xf32>
    %mul3A_28 = vector.broadcast %get3A_10 : vector<10240x1xf32> to vector<10240x64xf32>
    %mul3A_29 = arith.mulf %mul3A_28, %dot_general3A_27 : vector<10240x64xf32>
    %swap3A = arith.constant 0 : index
    %swap3A_30 = arith.constant 0 : index
    %swap3A_31 = vector.load %arg6[%swap3A, %swap3A_30] : memref<10240x64xf32, #tpu.memory_space<vmem>>, vector<10240x64xf32>
    tpu.vector_store %arg6[%swap3A, %swap3A_30], %mul3A_29 {strides = array<i32>} : memref<10240x64xf32, #tpu.memory_space<vmem>>, vector<10240x64xf32>,
    return
  }
}

module attributes {stable_mosaic.version = 14 : i64} {
  func.func @body(%arg0: memref<20480x64xf32, #tpu.memory_space<vmem>>, %arg1: memref<10240x64xf32, #tpu.memory_space<vmem>>, %arg2: memref<10240x1xf32, #tpu.memory_space<vmem>>, %arg3: memref<1x64xf32, #tpu.memory_space<vmem>>, %arg4: memref<64x32xf32, #tpu.memory_space<vmem>>, %arg5: memref<10240x32xf32, #tpu.memory_space<vmem>>) attributes {dimension_semantics = [], scalar_prefetch = 0 : i64, scratch_operands = 0 : i64, tpu.core_type = #tpu.core_type<tc>} {
    %get3A = arith.constant 0 : index
    %get3A_0 = arith.constant 0 : index
    %get3A_1 = vector.load %arg0[%get3A, %get3A_0] : memref<20480x64xf32, #tpu.memory_space<vmem>>, vector<10240x64xf32>
    %get3A_2 = arith.constant 10240 : index
    %get3A_3 = arith.constant 0 : index
    %get3A_4 = vector.load %arg0[%get3A_2, %get3A_3] : memref<20480x64xf32, #tpu.memory_space<vmem>>, vector<10240x64xf32>
    %add3A = arith.addf %get3A_1, %get3A_4 : vector<10240x64xf32>
    %get3A_5 = arith.constant 0 : index
    %get3A_6 = arith.constant 0 : index
    %get3A_7 = vector.load %arg1[%get3A_5, %get3A_6] : memref<10240x64xf32, #tpu.memory_space<vmem>>, vector<10240x64xf32>
    %sub3A = arith.subf %add3A, %get3A_7 : vector<10240x64xf32>
    %get3A_8 = arith.constant 0 : index
    %get3A_9 = arith.constant 0 : index
    %get3A_10 = vector.load %arg2[%get3A_8, %get3A_9] : memref<10240x1xf32, #tpu.memory_space<vmem>>, vector<10240x1xf32>
    %mul3A = vector.broadcast %get3A_10 : vector<10240x1xf32> to vector<10240x64xf32>
    %mul3A_11 = arith.mulf %mul3A, %sub3A : vector<10240x64xf32>
    %get3A_12 = arith.constant 0 : index
    %get3A_13 = arith.constant 0 : index
    %get3A_14 = vector.load %arg3[%get3A_12, %get3A_13] : memref<1x64xf32, #tpu.memory_space<vmem>>, vector<1x64xf32>
    %add3A_15 = vector.broadcast %get3A_14 : vector<1x64xf32> to vector<10240x64xf32>
    %add3A_16 = arith.addf %mul3A_11, %add3A_15 : vector<10240x64xf32>
    %max3A = arith.constant 0.000000e+00 : f32
    %max3A_17 = vector.broadcast %max3A : f32 to vector<10240x64xf32>
    %max3A_18 = arith.maximumf %add3A_16, %max3A_17 : vector<10240x64xf32>
    %get3A_19 = arith.constant 0 : index
    %get3A_20 = arith.constant 0 : index
    %get3A_21 = vector.load %arg4[%get3A_19, %get3A_20] : memref<64x32xf32, #tpu.memory_space<vmem>>, vector<64x32xf32>
    %dot_general3A = arith.constant dense<0.000000e+00> : vector<10240x32xf32>
    %dot_general3A_22 = tpu.matmul %max3A_18, %get3A_21, %dot_general3A {dimension_numbers = #tpu.dot_dimension_numbers<[1], [0], [0], [1], [0, 0, 1, 1], [], []>, transpose_lhs_hint = false} : vector<10240x64xf32>, vector<64x32xf32>, vector<10240x32xf32> -> vector<10240x32xf32>
    %mul3A_23 = vector.broadcast %get3A_10 : vector<10240x1xf32> to vector<10240x32xf32>
    %mul3A_24 = arith.mulf %mul3A_23, %dot_general3A_22 : vector<10240x32xf32>
    %swap3A = arith.constant 0 : index
    %swap3A_25 = arith.constant 0 : index
    %swap3A_26 = vector.load %arg5[%swap3A, %swap3A_25] : memref<10240x32xf32, #tpu.memory_space<vmem>>, vector<10240x32xf32>
    tpu.vector_store %arg5[%swap3A, %swap3A_25], %mul3A_24 {strides = array<i32>} : memref<10240x32xf32, #tpu.memory_space<vmem>>, vector<10240x32xf32>,
    return
  }
}

module attributes {stable_mosaic.version = 14 : i64} {
  func.func @body(%arg0: memref<20480x32xf32, #tpu.memory_space<vmem>>, %arg1: memref<10240x32xf32, #tpu.memory_space<vmem>>, %arg2: memref<10240x1xf32, #tpu.memory_space<vmem>>, %arg3: memref<1x32xf32, #tpu.memory_space<vmem>>, %arg4: memref<32x16xf32, #tpu.memory_space<vmem>>, %arg5: memref<10240x16xf32, #tpu.memory_space<vmem>>) attributes {dimension_semantics = [], scalar_prefetch = 0 : i64, scratch_operands = 0 : i64, tpu.core_type = #tpu.core_type<tc>} {
    %get3A = arith.constant 0 : index
    %get3A_0 = arith.constant 0 : index
    %get3A_1 = vector.load %arg0[%get3A, %get3A_0] : memref<20480x32xf32, #tpu.memory_space<vmem>>, vector<10240x32xf32>
    %get3A_2 = arith.constant 10240 : index
    %get3A_3 = arith.constant 0 : index
    %get3A_4 = vector.load %arg0[%get3A_2, %get3A_3] : memref<20480x32xf32, #tpu.memory_space<vmem>>, vector<10240x32xf32>
    %add3A = arith.addf %get3A_1, %get3A_4 : vector<10240x32xf32>
    %get3A_5 = arith.constant 0 : index
    %get3A_6 = arith.constant 0 : index
    %get3A_7 = vector.load %arg1[%get3A_5, %get3A_6] : memref<10240x32xf32, #tpu.memory_space<vmem>>, vector<10240x32xf32>
    %sub3A = arith.subf %add3A, %get3A_7 : vector<10240x32xf32>
    %get3A_8 = arith.constant 0 : index
    %get3A_9 = arith.constant 0 : index
    %get3A_10 = vector.load %arg2[%get3A_8, %get3A_9] : memref<10240x1xf32, #tpu.memory_space<vmem>>, vector<10240x1xf32>
    %mul3A = vector.broadcast %get3A_10 : vector<10240x1xf32> to vector<10240x32xf32>
    %mul3A_11 = arith.mulf %mul3A, %sub3A : vector<10240x32xf32>
    %get3A_12 = arith.constant 0 : index
    %get3A_13 = arith.constant 0 : index
    %get3A_14 = vector.load %arg3[%get3A_12, %get3A_13] : memref<1x32xf32, #tpu.memory_space<vmem>>, vector<1x32xf32>
    %add3A_15 = vector.broadcast %get3A_14 : vector<1x32xf32> to vector<10240x32xf32>
    %add3A_16 = arith.addf %mul3A_11, %add3A_15 : vector<10240x32xf32>
    %max3A = arith.constant 0.000000e+00 : f32
    %max3A_17 = vector.broadcast %max3A : f32 to vector<10240x32xf32>
    %max3A_18 = arith.maximumf %add3A_16, %max3A_17 : vector<10240x32xf32>
    %get3A_19 = arith.constant 0 : index
    %get3A_20 = arith.constant 0 : index
    %get3A_21 = vector.load %arg4[%get3A_19, %get3A_20] : memref<32x16xf32, #tpu.memory_space<vmem>>, vector<32x16xf32>
    %dot_general3A = arith.constant dense<0.000000e+00> : vector<10240x16xf32>
    %dot_general3A_22 = tpu.matmul %max3A_18, %get3A_21, %dot_general3A {dimension_numbers = #tpu.dot_dimension_numbers<[1], [0], [0], [1], [0, 0, 1, 1], [], []>, transpose_lhs_hint = false} : vector<10240x32xf32>, vector<32x16xf32>, vector<10240x16xf32> -> vector<10240x16xf32>
    %mul3A_23 = vector.broadcast %get3A_10 : vector<10240x1xf32> to vector<10240x16xf32>
    %mul3A_24 = arith.mulf %mul3A_23, %dot_general3A_22 : vector<10240x16xf32>
    %swap3A = arith.constant 0 : index
    %swap3A_25 = arith.constant 0 : index
    %swap3A_26 = vector.load %arg5[%swap3A, %swap3A_25] : memref<10240x16xf32, #tpu.memory_space<vmem>>, vector<10240x16xf32>
    tpu.vector_store %arg5[%swap3A, %swap3A_25], %mul3A_24 {strides = array<i32>} : memref<10240x16xf32, #tpu.memory_space<vmem>>, vector<10240x16xf32>,
    return
  }
}

module attributes {stable_mosaic.version = 14 : i64} {
  func.func @_final_body(%arg0: memref<20480x16xf32, #tpu.memory_space<vmem>>, %arg1: memref<10240x16xf32, #tpu.memory_space<vmem>>, %arg2: memref<10240x1xf32, #tpu.memory_space<vmem>>, %arg3: memref<1x16xf32, #tpu.memory_space<vmem>>, %arg4: memref<10240x1xi32, #tpu.memory_space<vmem>>, %arg5: memref<16x1xf32, #tpu.memory_space<vmem>>, %arg6: memref<1x1xf32, #tpu.memory_space<vmem>>, %arg7: memref<16x1xf32, #tpu.memory_space<vmem>>) attributes {dimension_semantics = [], scalar_prefetch = 0 : i64, scratch_operands = 0 : i64, tpu.core_type = #tpu.core_type<tc>} {
    %get3A = arith.constant 0 : index
    %get3A_0 = arith.constant 0 : index
    %get3A_1 = vector.load %arg0[%get3A, %get3A_0] : memref<20480x16xf32, #tpu.memory_space<vmem>>, vector<10240x16xf32>
    %get3A_2 = arith.constant 10240 : index
    %get3A_3 = arith.constant 0 : index
    %get3A_4 = vector.load %arg0[%get3A_2, %get3A_3] : memref<20480x16xf32, #tpu.memory_space<vmem>>, vector<10240x16xf32>
    %add3A = arith.addf %get3A_1, %get3A_4 : vector<10240x16xf32>
    %get3A_5 = arith.constant 0 : index
    %get3A_6 = arith.constant 0 : index
    %get3A_7 = vector.load %arg1[%get3A_5, %get3A_6] : memref<10240x16xf32, #tpu.memory_space<vmem>>, vector<10240x16xf32>
    %sub3A = arith.subf %add3A, %get3A_7 : vector<10240x16xf32>
    %get3A_8 = arith.constant 0 : index
    %get3A_9 = arith.constant 0 : index
    %get3A_10 = vector.load %arg2[%get3A_8, %get3A_9] : memref<10240x1xf32, #tpu.memory_space<vmem>>, vector<10240x1xf32>
    %mul3A = vector.broadcast %get3A_10 : vector<10240x1xf32> to vector<10240x16xf32>
    %mul3A_11 = arith.mulf %mul3A, %sub3A : vector<10240x16xf32>
    %get3A_12 = arith.constant 0 : index
    %get3A_13 = arith.constant 0 : index
    %get3A_14 = vector.load %arg3[%get3A_12, %get3A_13] : memref<1x16xf32, #tpu.memory_space<vmem>>, vector<1x16xf32>
    %add3A_15 = vector.broadcast %get3A_14 : vector<1x16xf32> to vector<10240x16xf32>
    %add3A_16 = arith.addf %mul3A_11, %add3A_15 : vector<10240x16xf32>
    %max3A = arith.constant 0.000000e+00 : f32
    %max3A_17 = vector.broadcast %max3A : f32 to vector<10240x16xf32>
    %max3A_18 = arith.maximumf %add3A_16, %max3A_17 : vector<10240x16xf32>
    %get3A_19 = arith.constant 0 : index
    %get3A_20 = arith.constant 0 : index
    %get3A_21 = vector.load %arg4[%get3A_19, %get3A_20] : memref<10240x1xi32, #tpu.memory_space<vmem>>, vector<10240x1xi32>
    %iota3A = tpu.iota {dimensions = array<i32: 1>} : vector<1x16xi32>
    %eq3A = vector.broadcast %get3A_21 : vector<10240x1xi32> to vector<10240x16xi32>
    %eq3A_22 = vector.broadcast %iota3A : vector<1x16xi32> to vector<10240x16xi32>
    %eq3A_23 = arith.cmpi eq, %eq3A, %eq3A_22 : vector<10240x16xi32>
    %convert_element_type3A = arith.extui %eq3A_23 : vector<10240x16xi1> to vector<10240x16xi32>
    %convert_element_type3A_24 = arith.sitofp %convert_element_type3A : vector<10240x16xi32> to vector<10240x16xf32>
    %broadcast_in_dim3A = arith.constant 1.000000e+00 : f32
    %broadcast_in_dim3A_25 = vector.broadcast %broadcast_in_dim3A : f32 to vector<10240x1xf32>
    %dot_general3A = arith.constant dense<0.000000e+00> : vector<16x1xf32>
    %dot_general3A_26 = tpu.matmul %convert_element_type3A_24, %broadcast_in_dim3A_25, %dot_general3A {dimension_numbers = #tpu.dot_dimension_numbers<[0], [0], [1], [1], [0, 1, 1, 1], [], []>, transpose_lhs_hint = false} : vector<10240x16xf32>, vector<10240x1xf32>, vector<16x1xf32> -> vector<16x1xf32>
    %dot_general3A_27 = arith.constant dense<0.000000e+00> : vector<16x16xf32>
    %dot_general3A_28 = tpu.matmul %convert_element_type3A_24, %max3A_18, %dot_general3A_27 {dimension_numbers = #tpu.dot_dimension_numbers<[0], [0], [1], [1], [0, 1, 1, 1], [], []>, transpose_lhs_hint = false} : vector<10240x16xf32>, vector<10240x16xf32>, vector<16x16xf32> -> vector<16x16xf32>
    %max3A_29 = arith.constant 1.000000e+00 : f32
    %max3A_30 = vector.broadcast %max3A_29 : f32 to vector<16x1xf32>
    %max3A_31 = arith.maximumf %dot_general3A_26, %max3A_30 : vector<16x1xf32>
    %div3A = vector.broadcast %max3A_31 : vector<16x1xf32> to vector<16x16xf32>
    %div3A_32 = arith.divf %dot_general3A_28, %div3A : vector<16x16xf32>
    %get3A_33 = arith.constant 0 : index
    %get3A_34 = arith.constant 0 : index
    %get3A_35 = vector.load %arg5[%get3A_33, %get3A_34] : memref<16x1xf32, #tpu.memory_space<vmem>>, vector<16x1xf32>
    %dot_general3A_36 = arith.constant dense<0.000000e+00> : vector<16x1xf32>
    %dot_general3A_37 = tpu.matmul %div3A_32, %get3A_35, %dot_general3A_36 {dimension_numbers = #tpu.dot_dimension_numbers<[1], [0], [0], [1], [0, 0, 1, 1], [], []>, transpose_lhs_hint = false} : vector<16x16xf32>, vector<16x1xf32>, vector<16x1xf32> -> vector<16x1xf32>
    %get3A_38 = arith.constant 0 : index
    %get3A_39 = arith.constant 0 : index
    %get3A_40 = vector.load %arg6[%get3A_38, %get3A_39] : memref<1x1xf32, #tpu.memory_space<vmem>>, vector<1x1xf32>
    %add3A_41 = vector.broadcast %get3A_40 : vector<1x1xf32> to vector<16x1xf32>
    %add3A_42 = arith.addf %dot_general3A_37, %add3A_41 : vector<16x1xf32>
    %swap3A = arith.constant 0 : index
    %swap3A_43 = arith.constant 0 : index
    %swap3A_44 = vector.load %arg7[%swap3A, %swap3A_43] : memref<16x1xf32, #tpu.memory_space<vmem>>, vector<16x1xf32>
    tpu.vector_store %arg7[%swap3A, %swap3A_43], %add3A_42 {strides = array<i32>} : memref<16x1xf32, #tpu.memory_space<vmem>>, vector<16x1xf32>,
    return
  }
}

</mosaic_0001>

<sc_bundles>
// kernel: kernel.18.cloned.1.call-start
scs
__scs_entry_jumppad:
0x0: {  	(pc) =	sbr.rel $0x88, $3  }
0x1: {  	(tag) =	ssettag $0x0;
	lr =	simm.s32 $0x1  }
0x2: {  	[smem:$0x3F8E] =	sst lr;
	_ =	strace $0xD0000000  }
0x3: {  	_ = 	snop  }
0x4: {  	_ = 	snop  }
0x5: {  	_ = 	snop  }
0x6: {  	_ = 	snop  }
0x7: {  	_ = 	snop  }
__scs_overlays_trampoline_lowered:
0x8: {  	[smem:$0x3F9D] =	sst s0  }
0x9: {  	[smem:$0x3F9E] =	sst s1  }
0xa: {  	[smem:$0x3F9F] =	sst s2  }
0xb: {  	[smem:$0x3FA0] =	sst s3  }
0xc: {  	[smem:$0x3FA1] =	sst s4  }
0xd: {  	[smem:$0x3FA2] =	sst s5  }
0xe: {  	[smem:$0x3FA3] =	sst s6  }
0xf: {  	[smem:$0x3FA4] =	sst s7  }
0x10: {  	[smem:$0x3FA5] =	sst s8  }
0x11: {  	[smem:$0x3FA6] =	sst s9;
	s0 =	simm.s32 @!p0 $0x0  }
0x12: {  	s1 =	sld [smem:$0x3F8C];
	s0 =	simm.s32 @p0 $0x1  }
0x13: {  	[smem:$0x3FA7] =	sst s0;
	s0 =	simm.s32 @!p1 $0x0  }
0x14: {  	s2 =	sld [smem:$0x3F8B];
	s0 =	simm.s32 @p1 $0x1  }
0x15: {  	[smem:$0x3FA8] =	sst s0;
	s0 =	simm.s32 @!p2 $0x0  }
0x16: {  	s3 =	sld [smem:$0x3FDB];
	s0 =	simm.s32 @p2 $0x1  }
0x17: {  	s4 =	simm.s32 $0x1BF5;
	[smem:$0x3FAA] =	sst s0  }
0x18: {  	s0 =	sld [smem:$0x3F8D];
	_ =	swait.ge [sflag:s4], $0x0  }
0x19: {  	s7 =	sld [smem:$0x3F8E]  }
0x1a: {  	s8 =	sadd.s32 $0xFFFFE003, lr  }
0x1b: {  	s9 =	sadd.s32 $0xFFFFFEF7, lr;
	s5 =	simm.s32 $0xFFFFFFFF;
	p2 =	slt.u32 s8, $0xFFFFF086  }
0x1c: {  	p1 =	slt.u32 s9, $0xF7A;
	s5 =	simm.s32 @!p2 $0x0  }
0x1d: {  	s5 =	simm.s32 @p1 $0x1;
	p0 =	seq.s32 s7, s2  }
0x1e: {  	s7 =	smul.u32 @!p0 $0xF7A, s2;
	p2 =	seq.s32 @!p0 s5, $0x0  }
0x1f: {  	s9 =	smul.u32 $0xF7A, s1;
	s8 =	simm.s32 @!p0 $0x1BF5;
	p2 =	por !p2, p0  }
0x20: {  	[sflag:s8] =	ssyncset.s32 @!p0 $0xFFFFF086;
	s6 =	sadd.s32 @!p0 s3, s7;
	s7 =	simm.s32 @!p0 $0x108  }
0x21: {  	s3 =	sadd.s32 s3, s9;
	s6 =	sadd.s32 @!p0 $0x88, s6;
	s7 =	simm.s32 @p2 $0x1082  }
0x22: {  	[simem:s7], [sflag:s8] =	dma.local @!p0 [hbm:s6], $0xF7A  }
0x23: {  	s9 =	sor.u32 $0xD0000000, s2;
	s6 =	simm.s32 $0x108;
	_ =	swait.ge @!p0 [sflag:s8], $0x0  }
0x24: {  	s3 =	sadd.s32 $0x88, s3;
	s6 =	simm.s32 @!p1 $0x1082;
	[sflag:s4] =	ssyncset.s32 $0xFFFFF086  }
0x25: {  	[simem:s6], [sflag:s4] =	dma.local [hbm:s3], $0xF7A  }
0x26: {  	[smem:$0x3F8E] =	sst s1;
	(tag) =	ssettag s2;
	_ =	strace s9  }
0x27: {  	s1 =	sld [smem:$0x3F9E]  }
0x28: {  	s2 =	sld [smem:$0x3F9F]  }
0x29: {  	s4 =	sld [smem:$0x3FA1]  }
0x2a: {  	p0 =	seq.s32 s5, $0x0;
	s5 =	sld [smem:$0x3FA2]  }
0x2b: {  	s6 =	sld [smem:$0x3FA3]  }
0x2c: {  	s7 =	sld [smem:$0x3FA4]  }
0x2d: {  	s3 =	simm.s32 $0x108;
	s8 =	sld [smem:$0x3FA5]  }
0x2e: {  	s3 =	simm.s32 @!p0 $0x1082;
	s9 =	sld [smem:$0x3FA6]  }
0x2f: {  	lr =	sadd.s32 s0, s3;
	s0 =	sld [smem:$0x3F9D]  }
0x30: {  	s3 =	sld [smem:$0x3FA0]  }
0x31: {  	[smem:$0x3FA9] =	sst s10  }
0x32: {  	s10 =	sld [smem:$0x3FA7];
	_ =	sdelay $0x3  }
0x33: {  	p0 =	seq.s32 s10, $0x1;
	s10 =	sld [smem:$0x3FA9];
	_ =	sdelay $0x3  }
0x34: {  	[smem:$0x3FA9] =	sst s10  }
0x35: {  	s10 =	sld [smem:$0x3FA8];
	_ =	sdelay $0x3  }
0x36: {  	p1 =	seq.s32 s10, $0x1;
	s10 =	sld [smem:$0x3FA9];
	_ =	sdelay $0x3  }
0x37: {  	[smem:$0x3FA9] =	sst s10  }
0x38: {  	s10 =	sld [smem:$0x3FAA]  }
0x39: {  	_ = 	snop;
	(pc) =	sbr.ind lr, $3  }
0x3a: {  	_ = 	snop  }
0x3b: {  	_ = 	snop  }
0x3c: {  	p2 =	seq.s32 s10, $0x1;
	s10 =	sld [smem:$0x3FA9]  }
0x3d: {  	_ =	shalt  }
0x3e: {  	_ =	shalt  }
0x3f: {  	_ =	shalt  }
0x40: {  	_ =	shalt  }
0x41: {  	_ =	shalt  }
0x42: {  	_ =	shalt  }
0x43: {  	_ =	shalt  }
0x44: {  	_ =	shalt  }
0x45: {  	_ =	shalt  }
0x46: {  	_ =	shalt  }
0x47: {  	_ =	shalt  }
0x48: {  	_ =	shalt  }
0x49: {  	_ =	shalt  }
0x4a: {  	_ =	shalt  }
0x4b: {  	_ =	shalt  }
0x4c: {  	_ =	shalt  }
0x4d: {  	_ =	shalt  }
0x4e: {  	_ =	shalt  }
0x4f: {  	_ =	shalt  }
0x50: {  	_ =	shalt  }
0x51: {  	_ =	shalt  }
0x52: {  	_ =	shalt  }
0x53: {  	_ =	shalt  }
0x54: {  	_ =	shalt  }
0x55: {  	_ =	shalt  }
0x56: {  	_ =	shalt  }
0x57: {  	_ =	shalt  }
0x58: {  	_ =	shalt  }
0x59: {  	_ =	shalt  }
0x5a: {  	_ =	shalt  }
0x5b: {  	_ =	shalt  }
0x5c: {  	_ =	shalt  }
0x5d: {  	_ =	shalt  }
0x5e: {  	_ =	shalt  }
0x5f: {  	_ =	shalt  }
0x60: {  	_ =	shalt  }
0x61: {  	_ =	shalt  }
0x62: {  	_ =	shalt  }
0x63: {  	_ =	shalt  }
0x64: {  	_ =	shalt  }
0x65: {  	_ =	shalt  }
0x66: {  	_ =	shalt  }
0x67: {  	_ =	shalt  }
0x68: {  	_ =	shalt  }
0x69: {  	_ =	shalt  }
0x6a: {  	_ =	shalt  }
0x6b: {  	_ =	shalt  }
0x6c: {  	_ =	shalt  }
0x6d: {  	_ =	shalt  }
0x6e: {  	_ =	shalt  }
0x6f: {  	_ =	shalt  }
0x70: {  	_ =	shalt  }
0x71: {  	_ =	shalt  }
0x72: {  	_ =	shalt  }
0x73: {  	_ =	shalt  }
0x74: {  	_ =	shalt  }
0x75: {  	_ =	shalt  }
0x76: {  	_ =	shalt  }
0x77: {  	_ =	shalt  }
0x78: {  	_ =	shalt  }
0x79: {  	_ =	shalt  }
0x7a: {  	_ =	shalt  }
0x7b: {  	_ =	shalt  }
0x7c: {  	_ =	shalt  }
0x7d: {  	_ =	shalt  }
0x7e: {  	_ =	shalt  }
0x7f: {  	_ =	shalt  }
0x80: {  	_ =	shalt  }
0x81: {  	_ =	shalt  }
0x82: {  	_ =	shalt  }
0x83: {  	_ =	shalt  }
0x84: {  	_ =	shalt  }
0x85: {  	_ =	shalt  }
0x86: {  	_ =	shalt  }
0x87: {  	_ =	shalt  }
.Lfunc_end0:
.L_simem_size_0:
called_computation_lowered:
.L_overlay_start_0:
0x88: {  	s2 =	sld [smem:$0x3FD9]  }
0x89: {  	s3 =	sld [smem:$0x3FFE];
	_ =	sdelay $0x1  }
0x8a: {  	s1 =	srdreg.scid  }
0x8b: {  	s0 =	sand.u32 $0x1, s1  }
0x8c: {  	s16 =	sshll.u32 s0, $0xA;
	s2 =	sadd.s32 s3, s2  }
0x8d: {  	s2 =	sadd.s32 s2, s16  }
0x8e: {  	[smem:$0x3FB5] =	sst s2  }
0x8f: {  	_ = 	snop  }
0x90: {  	(tm) =	ssettm $0x1  }
0x91: {  	s17 =	sld [smem:$0x3FFB];
	_ =	sdelay $0x3  }
0x92: {  	_ =	strace s17  }
0x93: {  	s2 =	sld [smem:$0x3FFC];
	_ =	sdelay $0x3  }
0x94: {  	_ =	strace s2  }
0x95: {  	s2 =	sld [smem:$0x3FFD];
	_ =	sdelay $0x3  }
0x96: {  	_ =	strace s2  }
0x97: {  	_ =	strace $0x8FFFFFFF  }
0x98: {  	s18 =	sld [smem:$0x3FDB];
	_ =	sdelay $0x1  }
0x99: {  	s19 =	simm.s32 $_scs_section_size  }
0x9a: {  	s4 =	simm.s32 $_size__tile_overlayer_lowered;
	s5 =	simm.s32 $_tile_overlayer_lowered  }
0x9b: {  	s22 =	simm.s32 $0x1BFF;
	s21 =	sshll.u32 s5, $0x1;
	s2 =	sadd.s32 s19, s18  }
0x9c: {  	s6 =	simm.s32 $0x0;
	s20 =	sshll.u32 s4, $0x1;
	s4 =	sadd.s32 s21, s2  }
0x9d: {  	[timem:s6], [sflag:s22] =	dma.local [hbm:s4], s20  }
0x9e: {  	_ =	swait.ge [sflag:s22], s20  }
0x9f: {  	s3 =	ssub.s32 $0x0, s20;
	[sflag:s22] =	ssyncset.done $0x0  }
0xa0: {  	[sflag:s22] =	ssyncadd.s32 s3;
	_ =	sdelay $0x1  }
0xa1: {  	s23 =	simm.s32 $0x1B8B  }
0xa2: {  	_ =	swait.ge [sflag:s23], $0x1  }
0xa3: {  	[sflag:s23] =	ssyncset.done $0x0  }
0xa4: {  	s25 =	simm.s32 $0x1B8E;
	s24 =	sld [smem:$0x3FFE];
	[sflag:s23] =	ssyncadd.s32 $0xFFFFFFFF  }
0xa5: {  	s26 =	simm.s32 $execute0_lowered;
	[smem:$0x3FD2] =	sst s25  }
0xa6: {  	s4 =	sshll.u32 s26, $0x1;
	_ =	strace $0x80000046;
	[dreg:$0x1] =	wrdreg $0xFFFFFFFF  }
0xa7: {  	s28 =	simm.s32 $_size_execute0_lowered;
	s2 =	sadd.s32 s2, s4;
	[dreg:$0x0] =	wrdreg $0x0  }
0xa8: {  	s4 =	sshll.u32 s28, $0x1;
	[dreg:$0x2] =	wrdreg s2  }
0xa9: {  	[dreg:$0x3] =	wrdreg s4  }
0xaa: {  	[dreg:$0x4] =	wrdreg $0xC0  }
0xab: {  	_ =	task [dreg:s6], $0x5FFFF  }
0xac: {  	[dreg:$0x1] =	wrdreg $0xFFFFFFFF  }
0xad: {  	[dreg:$0x0] =	wrdreg $0x60  }
0xae: {  	[dreg:$0x2] =	wrdreg s24  }
0xaf: {  	[dreg:$0x3] =	wrdreg $0x58000  }
0xb0: {  	[dreg:$0x4] =	wrdreg $0x9  }
0xb1: {  	_ =	task.clear_ibuf [dreg:s6], $0x5FFFF;
	_ =	strace $0x90000046  }
0xb2: {  	s29 =	simm.s32 $0x9;
	_ =	strace $0x80000048  }
0xb3: {  	_ =	swait.ge [sflag:s29], $0x1  }
0xb4: {  	[sflag:s29] =	ssyncadd.s32 $0xFFFFFFFF  }
0xb5: {  	_ =	strace $0x90000048  }
0xb6: {  	_ =	sfence  }
0xb7: {  	s30 =	sld [smem:$0x0];
	_ =	sdelay $0x2  }
0xb8: {  	s31 =	sshll.u32 s1, $0xD;
	s1 =	sshrl.u32 s1, $0x2  }
0xb9: {  	s3 =	sand.u32 $0x4000, s31;
	s1 =	sadd.s32 s1, s30  }
0xba: {  	s0 =	sor.u32 s3, s0;
	s1 =	sshll.u32 s1, $0x11  }
0xbb: {  	s0 =	sor.u32 s1, s0  }
0xbc: {  	s0 =	sadd.s32 $0x8F2B, s0  }
0xbd: {  	[sflag:s0] =	ssyncadd.remote.s32 $0x1  }
0xbe: {  	_ =	sfence.sel $0xFFFF  }
0xbf: {  	[dreg:$0x0] =	wrdreg $0xFFFFFFFF;
	(pc) =	sbr.abs _section_cstart, $3  }
0xc0: {  	[dreg:$0x1] =	wrdreg $0xFFFFFFFF  }
0xc1: {  	_ =	task.clear_ibuf [dreg:s6], $0x2FFFF;
	_ =	strace $0x9FFFFFFF  }
0xc2: {  	(tm) =	ssettm $0x7FFFFFFF  }
0xc3: {  	_ =	shalt  }
tec
execute0_lowered:
.L_overlay_start_1:
0x0: {  	(tag) =	ssettag $0x1  }
0x1: {  	s0 =	srdreg.scid;
	s6 =	rddreg [dreg:$0x0]  }
0x2: {  	s2 =	rddreg [dreg:$0x1];
	s3 =	simm.s32 $0x0;
	s14 =	simm.s32 $0x80  }
0x3: {  	s15 =	simm.s32 $0x5000;
	s5 =	sand.u32 $0x1, s0;
	s0 =	stileid.u32  }
0x4: {  	s16 =	simm.s32 $0x1;
	s17 =	simm.s32 $0x0;
	s8 =	smul.u32 $0x500, s0  }
0x5: {  	[smem:$0x7FF] =	sst s3;
	s1 =	sshll.u32 s5, $0x4;
	s9 =	smul.u32 $0x5000, s5  }
0x6: {  	s5 =	ssub.s32 $0x2, s5;
	s10 =	smul.u32 $0x2800, s0;
	s31 =	sshll.u32 s0, $0x6  }
0x7: {  	s4 =	sor.u32 s0, s1;
	s1 =	rddreg [dreg:$0x2];
	_ =	strace $0x80000047  }
0x8: {  	s29 =	sshrl.u32 s5, $0x1;
	s7 =	smul.u32 $0x500, s4;
	s4 =	sadd.s32 $0x17C00, s6  }
0x9: {  	s28 =	sadd.s32 s8, s9;
	s12 =	ssub.s32 s5, s29;
	s30 =	sshrl.u32 s10, $0x3  }
0xa: {  	s13 =	sadd.s32 s10, s2;
	s9 =	sadd.s32 s28, s6;
	s5 =	sadd.s32 s4, s30  }
0xb: {  	s10 =	smax.u32 s12, $0x1;
	s12 =	simm.s32 $0x2;
	s11 =	sadd.s32 s7, s6  }
0xc: {  	s6 =	sor.u32 $0x1C02, s31;
	s9 =	sadd.s32 $0x1CC00, s9;
	s7 =	sadd.s32 $0xDC00, s11  }
0xd: {  	s8 =	sadd.s32 $0x3C00, s11;
	s11 =	sshrl.u32 s13, $0x3;
	s13 =	simm.s32 $0x2800  }
.LBB2_1:
0xe: {  	[spmem:s11], [sflag:s6] =	dma.local [hbm:s5], $0x500  }
0xf: {  	_ =	swait.ge [sflag:s12], $0x500  }
0x10: {  	[sflag:s12] =	ssyncset.done $0x0  }
0x11: {  	[sflag:s12] =	ssyncadd.s32 $0xFFFFFB00  }
0x12: {  	[tilespmem:s3], [sflag:$0x2] =	stream.linear.gather [hbm4b:s7+s3], $0x2800, $0x38;
	[tilespmem:$0x8000] =	vst v63  }
0x13: {  	_ =	swait.ge [sflag:s12], $0x2800  }
0x14: {  	[sflag:s12] =	ssyncset.done $0x0  }
0x15: {  	[sflag:s12] =	ssyncadd.s32 $0xFFFFD800  }
0x16: {  	[tilespmem:s13], [sflag:$0x2] =	stream.linear.gather [hbm4b:s8+s3], $0x2800, $0x38;
	[tilespmem:$0x8000] =	vst v63  }
0x17: {  	_ =	swait.ge [sflag:s12], $0x2800  }
0x18: {  	[sflag:s12] =	ssyncset.done $0x0  }
0x19: {  	[sflag:s12] =	ssyncadd.s32 $0xFFFFD800  }
0x1a: {  	s18 =	simm.s32 $0x0;
	[bflag:$0x0] =	sbarrier.arrive $0xFFFF  }
0x1b: {  	[tilespmem:s15], [sflag:$0x1] =	stream.indirect.gather [hbm4b:s4+s14], $0x10, s18, s14, $0xb8;
	[tilespmem:$0x8000] =	vst v63  }
0x1c: {  	_ =	swait.ge [sflag:s16], $0x800  }
0x1d: {  	[sflag:s16] =	ssyncset.done $0x0  }
0x1e: {  	s31 =	simm.s32 $0x2800;
	[sflag:s16] =	ssyncadd.s32 $0xFFFFF800  }
0x1f: {  	[spmem:s2] =	stream.indirect.scatter.add.f32 [tilespmem:s15], [sflag:$0x2], $0x10, s31, s14, $0xb8;
	[tilespmem:$0x8000] =	vst v63  }
0x20: {  	_ =	swait.ge [sflag:s12], $0x800  }
0x21: {  	s19 =	simm.s32 $0x400;
	s18 =	simm.s32 $0x200;
	[sflag:s12] =	ssyncset.done $0x0  }
.LBB2_2:
0x22: {  	s20 =	sshra.s32 s18, $0x2  }
0x23: {  	[sflag:s12] =	ssyncadd.s32 $0xFFFFF800;
	s18 =	smov.u32 s19;
	s21 =	sadd.s32 $0x200, s19  }
0x24: {  	[tilespmem:s15], [sflag:$0x1] =	stream.indirect.gather [hbm4b:s4+s14], $0x10, s20, s14, $0xb8;
	[tilespmem:$0x8000] =	vst v63  }
0x25: {  	p0 =	sne.s32 s19, $0x9E00;
	_ =	swait.ge [sflag:s16], $0x800  }
.Ltmp0:
0x26: {  	[sflag:s16] =	ssyncset.done $0x0;
	(pc) =	sbr.rel @p0 .LBB2_2-.Ltmp0, $4  }
0x27: {  	s19 =	sadd.s32 $0x2800, s20;
	[sflag:s16] =	ssyncadd.s32 $0xFFFFF800  }
0x28: {  	[spmem:s2] =	stream.indirect.scatter.add.f32 [tilespmem:s15], [sflag:$0x2], $0x10, s19, s14, $0xb8;
	[tilespmem:$0x8000] =	vst v63  }
0x29: {  	_ =	swait.ge [sflag:s12], $0x800  }
0x2a: {  	s19 =	smov.u32 s21;
	[sflag:s12] =	ssyncset.done $0x0  }
0x2b: {  	s18 =	sshra.s32 s18, $0x2;
	[sflag:s12] =	ssyncadd.s32 $0xFFFFF800  }
0x2c: {  	[tilespmem:s15], [sflag:$0x1] =	stream.indirect.gather [hbm4b:s4+s14], $0x10, s18, s14, $0xb8;
	[tilespmem:$0x8000] =	vst v63  }
0x2d: {  	_ =	swait.ge [sflag:s16], $0x800  }
0x2e: {  	[sflag:s16] =	ssyncset.done $0x0  }
0x2f: {  	s18 =	sadd.s32 $0x2800, s18;
	[sflag:s16] =	ssyncadd.s32 $0xFFFFF800  }
0x30: {  	[spmem:s2] =	stream.indirect.scatter.add.f32 [tilespmem:s15], [sflag:$0x2], $0x10, s18, s14, $0xb8;
	[tilespmem:$0x8000] =	vst v63  }
0x31: {  	_ =	swait.ge [sflag:s12], $0x800  }
0x32: {  	s17 =	sadd.s32 $0x1, s17;
	[sflag:s12] =	ssyncset.done $0x0  }
0x33: {  	p0 =	sne.s32 s17, s10;
	[sflag:s12] =	ssyncadd.s32 $0xFFFFF800  }
.Ltmp1:
0x34: {  	[bflag:$0x0] =	sbarrier.arrive $0xFFFF;
	(pc) =	sbr.rel @p0 .LBB2_1-.Ltmp1, $4  }
0x35: {  	[hbm:s9], [sflag:s6] =	dma.local [spmem:s11], $0x500  }
0x36: {  	_ =	swait.ge [sflag:s12], $0x500  }
0x37: {  	[sflag:s12] =	ssyncset.done $0x0  }
0x38: {  	[sflag:s12] =	ssyncadd.s32 $0xFFFFFB00  }
0x39: {  	_ =	sfence.sel $0x180000  }
0x3a: {  	[bflag:$0x0] =	sbarrier.arrive $0xFFFF  }
0x3b: {  	p0 =	sne.s32 s0, $0x0;
	_ =	strace $0x90000047  }
0x3c: {  	s0 =	sadd.s32 @!p0 $0x100000, s1;
	[bflag:$0x2] =	sbarrier.arrive $0xFFFF  }
0x3d: {  	[sflag:s0] =	ssyncadd.tile.s32 @!p0 $0x1;
	_ =	shalt  }
.Lfunc_end2:
_tile_overlayer_lowered:
.L_overlay_start_2:
0x3e: {  	(tag) =	ssettag $0x2  }
0x3f: {  	s0 =	rddreg [dreg:$0x0];
	s2 =	stileid.u32  }
0x40: {  	s1 =	rddreg [dreg:$0x1];
	p0 =	sne.s32 s2, $0x0  }
0x41: {  	s3 =	rddreg [dreg:$0x2];
	[bflag:$0x3] =	sbarrier.arrive $0xFFFF;
	s2 =	simm.s32 @!p0 $0x1C02  }
0x42: {  	[timem:s3], [sflag:s2] =	dma.local @!p0 [hbm:s0], s1  }
0x43: {  	s0 =	simm.s32 @!p0 $0x2  }
0x44: {  	_ =	swait.ge @!p0 [sflag:s0], s1  }
0x45: {  	s1 =	ssub.s32 @!p0 $0x0, s1;
	[sflag:s0] =	ssyncset.done @!p0 $0x0  }
0x46: {  	[sflag:s0] =	ssyncadd.s32 @!p0 s1  }
0x47: {  	[bflag:$0x3] =	sbarrier.arrive $0xFFFF  }
0x48: {  	_ =	shalt  }

// kernel: kernel.21.cloned.1.call-start
scs
__scs_entry_jumppad:
0x0: {  	(pc) =	sbr.rel $0x88, $3  }
0x1: {  	(tag) =	ssettag $0x0;
	lr =	simm.s32 $0x1  }
0x2: {  	[smem:$0x3F8E] =	sst lr;
	_ =	strace $0xD0000000  }
0x3: {  	_ = 	snop  }
0x4: {  	_ = 	snop  }
0x5: {  	_ = 	snop  }
0x6: {  	_ = 	snop  }
0x7: {  	_ = 	snop  }
__scs_overlays_trampoline_lowered:
0x8: {  	[smem:$0x3F9D] =	sst s0  }
0x9: {  	[smem:$0x3F9E] =	sst s1  }
0xa: {  	[smem:$0x3F9F] =	sst s2  }
0xb: {  	[smem:$0x3FA0] =	sst s3  }
0xc: {  	[smem:$0x3FA1] =	sst s4  }
0xd: {  	[smem:$0x3FA2] =	sst s5  }
0xe: {  	[smem:$0x3FA3] =	sst s6  }
0xf: {  	[smem:$0x3FA4] =	sst s7  }
0x10: {  	[smem:$0x3FA5] =	sst s8  }
0x11: {  	[smem:$0x3FA6] =	sst s9;
	s0 =	simm.s32 @!p0 $0x0  }
0x12: {  	s1 =	sld [smem:$0x3F8C];
	s0 =	simm.s32 @p0 $0x1  }
0x13: {  	[smem:$0x3FA7] =	sst s0;
	s0 =	simm.s32 @!p1 $0x0  }
0x14: {  	s2 =	sld [smem:$0x3F8B];
	s0 =	simm.s32 @p1 $0x1  }
0x15: {  	[smem:$0x3FA8] =	sst s0;
	s0 =	simm.s32 @!p2 $0x0  }
0x16: {  	s3 =	sld [smem:$0x3FDB];
	s0 =	simm.s32 @p2 $0x1  }
0x17: {  	s4 =	simm.s32 $0x1BF5;
	[smem:$0x3FAA] =	sst s0  }
0x18: {  	s0 =	sld [smem:$0x3F8D];
	_ =	swait.ge [sflag:s4], $0x0  }
0x19: {  	s7 =	sld [smem:$0x3F8E]  }
0x1a: {  	s8 =	sadd.s32 $0xFFFFE003, lr  }
0x1b: {  	s9 =	sadd.s32 $0xFFFFFEF7, lr;
	s5 =	simm.s32 $0xFFFFFFFF;
	p2 =	slt.u32 s8, $0xFFFFF086  }
0x1c: {  	p1 =	slt.u32 s9, $0xF7A;
	s5 =	simm.s32 @!p2 $0x0  }
0x1d: {  	s5 =	simm.s32 @p1 $0x1;
	p0 =	seq.s32 s7, s2  }
0x1e: {  	s7 =	smul.u32 @!p0 $0xF7A, s2;
	p2 =	seq.s32 @!p0 s5, $0x0  }
0x1f: {  	s9 =	smul.u32 $0xF7A, s1;
	s8 =	simm.s32 @!p0 $0x1BF5;
	p2 =	por !p2, p0  }
0x20: {  	[sflag:s8] =	ssyncset.s32 @!p0 $0xFFFFF086;
	s6 =	sadd.s32 @!p0 s3, s7;
	s7 =	simm.s32 @!p0 $0x108  }
0x21: {  	s3 =	sadd.s32 s3, s9;
	s6 =	sadd.s32 @!p0 $0x88, s6;
	s7 =	simm.s32 @p2 $0x1082  }
0x22: {  	[simem:s7], [sflag:s8] =	dma.local @!p0 [hbm:s6], $0xF7A  }
0x23: {  	s9 =	sor.u32 $0xD0000000, s2;
	s6 =	simm.s32 $0x108;
	_ =	swait.ge @!p0 [sflag:s8], $0x0  }
0x24: {  	s3 =	sadd.s32 $0x88, s3;
	s6 =	simm.s32 @!p1 $0x1082;
	[sflag:s4] =	ssyncset.s32 $0xFFFFF086  }
0x25: {  	[simem:s6], [sflag:s4] =	dma.local [hbm:s3], $0xF7A  }
0x26: {  	[smem:$0x3F8E] =	sst s1;
	(tag) =	ssettag s2;
	_ =	strace s9  }
0x27: {  	s1 =	sld [smem:$0x3F9E]  }
0x28: {  	s2 =	sld [smem:$0x3F9F]  }
0x29: {  	s4 =	sld [smem:$0x3FA1]  }
0x2a: {  	p0 =	seq.s32 s5, $0x0;
	s5 =	sld [smem:$0x3FA2]  }
0x2b: {  	s6 =	sld [smem:$0x3FA3]  }
0x2c: {  	s7 =	sld [smem:$0x3FA4]  }
0x2d: {  	s3 =	simm.s32 $0x108;
	s8 =	sld [smem:$0x3FA5]  }
0x2e: {  	s3 =	simm.s32 @!p0 $0x1082;
	s9 =	sld [smem:$0x3FA6]  }
0x2f: {  	lr =	sadd.s32 s0, s3;
	s0 =	sld [smem:$0x3F9D]  }
0x30: {  	s3 =	sld [smem:$0x3FA0]  }
0x31: {  	[smem:$0x3FA9] =	sst s10  }
0x32: {  	s10 =	sld [smem:$0x3FA7];
	_ =	sdelay $0x3  }
0x33: {  	p0 =	seq.s32 s10, $0x1;
	s10 =	sld [smem:$0x3FA9];
	_ =	sdelay $0x3  }
0x34: {  	[smem:$0x3FA9] =	sst s10  }
0x35: {  	s10 =	sld [smem:$0x3FA8];
	_ =	sdelay $0x3  }
0x36: {  	p1 =	seq.s32 s10, $0x1;
	s10 =	sld [smem:$0x3FA9];
	_ =	sdelay $0x3  }
0x37: {  	[smem:$0x3FA9] =	sst s10  }
0x38: {  	s10 =	sld [smem:$0x3FAA]  }
0x39: {  	_ = 	snop;
	(pc) =	sbr.ind lr, $3  }
0x3a: {  	_ = 	snop  }
0x3b: {  	_ = 	snop  }
0x3c: {  	p2 =	seq.s32 s10, $0x1;
	s10 =	sld [smem:$0x3FA9]  }
0x3d: {  	_ =	shalt  }
0x3e: {  	_ =	shalt  }
0x3f: {  	_ =	shalt  }
0x40: {  	_ =	shalt  }
0x41: {  	_ =	shalt  }
0x42: {  	_ =	shalt  }
0x43: {  	_ =	shalt  }
0x44: {  	_ =	shalt  }
0x45: {  	_ =	shalt  }
0x46: {  	_ =	shalt  }
0x47: {  	_ =	shalt  }
0x48: {  	_ =	shalt  }
0x49: {  	_ =	shalt  }
0x4a: {  	_ =	shalt  }
0x4b: {  	_ =	shalt  }
0x4c: {  	_ =	shalt  }
0x4d: {  	_ =	shalt  }
0x4e: {  	_ =	shalt  }
0x4f: {  	_ =	shalt  }
0x50: {  	_ =	shalt  }
0x51: {  	_ =	shalt  }
0x52: {  	_ =	shalt  }
0x53: {  	_ =	shalt  }
0x54: {  	_ =	shalt  }
0x55: {  	_ =	shalt  }
0x56: {  	_ =	shalt  }
0x57: {  	_ =	shalt  }
0x58: {  	_ =	shalt  }
0x59: {  	_ =	shalt  }
0x5a: {  	_ =	shalt  }
0x5b: {  	_ =	shalt  }
0x5c: {  	_ =	shalt  }
0x5d: {  	_ =	shalt  }
0x5e: {  	_ =	shalt  }
0x5f: {  	_ =	shalt  }
0x60: {  	_ =	shalt  }
0x61: {  	_ =	shalt  }
0x62: {  	_ =	shalt  }
0x63: {  	_ =	shalt  }
0x64: {  	_ =	shalt  }
0x65: {  	_ =	shalt  }
0x66: {  	_ =	shalt  }
0x67: {  	_ =	shalt  }
0x68: {  	_ =	shalt  }
0x69: {  	_ =	shalt  }
0x6a: {  	_ =	shalt  }
0x6b: {  	_ =	shalt  }
0x6c: {  	_ =	shalt  }
0x6d: {  	_ =	shalt  }
0x6e: {  	_ =	shalt  }
0x6f: {  	_ =	shalt  }
0x70: {  	_ =	shalt  }
0x71: {  	_ =	shalt  }
0x72: {  	_ =	shalt  }
0x73: {  	_ =	shalt  }
0x74: {  	_ =	shalt  }
0x75: {  	_ =	shalt  }
0x76: {  	_ =	shalt  }
0x77: {  	_ =	shalt  }
0x78: {  	_ =	shalt  }
0x79: {  	_ =	shalt  }
0x7a: {  	_ =	shalt  }
0x7b: {  	_ =	shalt  }
0x7c: {  	_ =	shalt  }
0x7d: {  	_ =	shalt  }
0x7e: {  	_ =	shalt  }
0x7f: {  	_ =	shalt  }
0x80: {  	_ =	shalt  }
0x81: {  	_ =	shalt  }
0x82: {  	_ =	shalt  }
0x83: {  	_ =	shalt  }
0x84: {  	_ =	shalt  }
0x85: {  	_ =	shalt  }
0x86: {  	_ =	shalt  }
0x87: {  	_ =	shalt  }
.Lfunc_end0:
.L_simem_size_0:
called_computation.1_lowered:
.L_overlay_start_0:
0x88: {  	s2 =	sld [smem:$0x3FD9]  }
0x89: {  	s3 =	sld [smem:$0x3FFE];
	_ =	sdelay $0x1  }
0x8a: {  	s1 =	srdreg.scid  }
0x8b: {  	s0 =	sand.u32 $0x1, s1  }
0x8c: {  	s16 =	sshll.u32 s0, $0xA;
	s2 =	sadd.s32 s3, s2  }
0x8d: {  	s2 =	sadd.s32 s2, s16  }
0x8e: {  	[smem:$0x3FB5] =	sst s2  }
0x8f: {  	_ = 	snop  }
0x90: {  	(tm) =	ssettm $0x1  }
0x91: {  	s17 =	sld [smem:$0x3FFB];
	_ =	sdelay $0x3  }
0x92: {  	_ =	strace s17  }
0x93: {  	s2 =	sld [smem:$0x3FFC];
	_ =	sdelay $0x3  }
0x94: {  	_ =	strace s2  }
0x95: {  	s2 =	sld [smem:$0x3FFD];
	_ =	sdelay $0x3  }
0x96: {  	_ =	strace s2  }
0x97: {  	_ =	strace $0x8FFFFFFF  }
0x98: {  	s18 =	sld [smem:$0x3FDB];
	_ =	sdelay $0x1  }
0x99: {  	s19 =	simm.s32 $_scs_section_size  }
0x9a: {  	s4 =	simm.s32 $_size__tile_overlayer_lowered;
	s5 =	simm.s32 $_tile_overlayer_lowered  }
0x9b: {  	s22 =	simm.s32 $0x1BFF;
	s21 =	sshll.u32 s5, $0x1;
	s2 =	sadd.s32 s19, s18  }
0x9c: {  	s6 =	simm.s32 $0x0;
	s20 =	sshll.u32 s4, $0x1;
	s4 =	sadd.s32 s21, s2  }
0x9d: {  	[timem:s6], [sflag:s22] =	dma.local [hbm:s4], s20  }
0x9e: {  	_ =	swait.ge [sflag:s22], s20  }
0x9f: {  	s3 =	ssub.s32 $0x0, s20;
	[sflag:s22] =	ssyncset.done $0x0  }
0xa0: {  	[sflag:s22] =	ssyncadd.s32 s3;
	_ =	sdelay $0x1  }
0xa1: {  	s23 =	simm.s32 $0x1B8B  }
0xa2: {  	_ =	swait.ge [sflag:s23], $0x1  }
0xa3: {  	[sflag:s23] =	ssyncset.done $0x0  }
0xa4: {  	s25 =	simm.s32 $0x1B8E;
	s24 =	sld [smem:$0x3FFE];
	[sflag:s23] =	ssyncadd.s32 $0xFFFFFFFF  }
0xa5: {  	s26 =	simm.s32 $execute0_lowered;
	[smem:$0x3FD2] =	sst s25  }
0xa6: {  	s4 =	sshll.u32 s26, $0x1;
	_ =	strace $0x80000049;
	[dreg:$0x1] =	wrdreg $0xFFFFFFFF  }
0xa7: {  	s28 =	simm.s32 $_size_execute0_lowered;
	s2 =	sadd.s32 s2, s4;
	[dreg:$0x0] =	wrdreg $0x0  }
0xa8: {  	s4 =	sshll.u32 s28, $0x1;
	[dreg:$0x2] =	wrdreg s2  }
0xa9: {  	[dreg:$0x3] =	wrdreg s4  }
0xaa: {  	[dreg:$0x4] =	wrdreg $0xC0  }
0xab: {  	_ =	task [dreg:s6], $0x5FFFF  }
0xac: {  	[dreg:$0x1] =	wrdreg $0xFFFFFFFF  }
0xad: {  	[dreg:$0x0] =	wrdreg $0x60  }
0xae: {  	[dreg:$0x2] =	wrdreg s24  }
0xaf: {  	[dreg:$0x3] =	wrdreg $0x58000  }
0xb0: {  	[dreg:$0x4] =	wrdreg $0x9  }
0xb1: {  	_ =	task.clear_ibuf [dreg:s6], $0x5FFFF;
	_ =	strace $0x90000049  }
0xb2: {  	s29 =	simm.s32 $0x9;
	_ =	strace $0x8000004B  }
0xb3: {  	_ =	swait.ge [sflag:s29], $0x1  }
0xb4: {  	[sflag:s29] =	ssyncadd.s32 $0xFFFFFFFF  }
0xb5: {  	_ =	strace $0x9000004B  }
0xb6: {  	_ =	sfence  }
0xb7: {  	s30 =	sld [smem:$0x0];
	_ =	sdelay $0x2  }
0xb8: {  	s31 =	sshll.u32 s1, $0xD;
	s1 =	sshrl.u32 s1, $0x2  }
0xb9: {  	s3 =	sand.u32 $0x4000, s31;
	s1 =	sadd.s32 s1, s30  }
0xba: {  	s0 =	sor.u32 s3, s0;
	s1 =	sshll.u32 s1, $0x11  }
0xbb: {  	s0 =	sor.u32 s1, s0  }
0xbc: {  	s0 =	sadd.s32 $0x8F2B, s0  }
0xbd: {  	[sflag:s0] =	ssyncadd.remote.s32 $0x1  }
0xbe: {  	_ =	sfence.sel $0xFFFF  }
0xbf: {  	[dreg:$0x0] =	wrdreg $0xFFFFFFFF;
	(pc) =	sbr.abs _section_cstart, $3  }
0xc0: {  	[dreg:$0x1] =	wrdreg $0xFFFFFFFF  }
0xc1: {  	_ =	task.clear_ibuf [dreg:s6], $0x2FFFF;
	_ =	strace $0x9FFFFFFF  }
0xc2: {  	(tm) =	ssettm $0x7FFFFFFF  }
0xc3: {  	_ =	shalt  }
tec
execute0_lowered:
.L_overlay_start_1:
0x0: {  	(tag) =	ssettag $0x1  }
0x1: {  	s0 =	srdreg.scid;
	s6 =	rddreg [dreg:$0x0]  }
0x2: {  	s2 =	rddreg [dreg:$0x1];
	s3 =	simm.s32 $0x0;
	s14 =	simm.s32 $0x80  }
0x3: {  	s15 =	simm.s32 $0x5000;
	s5 =	sand.u32 $0x1, s0;
	s0 =	stileid.u32  }
0x4: {  	s16 =	simm.s32 $0x1;
	s17 =	simm.s32 $0x0;
	s8 =	smul.u32 $0x500, s0  }
0x5: {  	[smem:$0x7FF] =	sst s3;
	s1 =	sshll.u32 s5, $0x4;
	s9 =	smul.u32 $0x5000, s5  }
0x6: {  	s5 =	ssub.s32 $0x2, s5;
	s10 =	smul.u32 $0x2800, s0;
	s31 =	sshll.u32 s0, $0x6  }
0x7: {  	s4 =	sor.u32 s0, s1;
	s1 =	rddreg [dreg:$0x2];
	_ =	strace $0x8000004A  }
0x8: {  	s29 =	sshrl.u32 s5, $0x1;
	s7 =	smul.u32 $0x500, s4;
	s4 =	sadd.s32 $0x17C00, s6  }
0x9: {  	s28 =	sadd.s32 s8, s9;
	s12 =	ssub.s32 s5, s29;
	s30 =	sshrl.u32 s10, $0x3  }
0xa: {  	s13 =	sadd.s32 s10, s2;
	s9 =	sadd.s32 s28, s6;
	s5 =	sadd.s32 s4, s30  }
0xb: {  	s10 =	smax.u32 s12, $0x1;
	s12 =	simm.s32 $0x2;
	s11 =	sadd.s32 s7, s6  }
0xc: {  	s6 =	sor.u32 $0x1C02, s31;
	s9 =	sadd.s32 $0x1CC00, s9;
	s7 =	sadd.s32 $0xDC00, s11  }
0xd: {  	s8 =	sadd.s32 $0x3C00, s11;
	s11 =	sshrl.u32 s13, $0x3;
	s13 =	simm.s32 $0x2800  }
.LBB2_1:
0xe: {  	[spmem:s11], [sflag:s6] =	dma.local [hbm:s5], $0x500  }
0xf: {  	_ =	swait.ge [sflag:s12], $0x500  }
0x10: {  	[sflag:s12] =	ssyncset.done $0x0  }
0x11: {  	[sflag:s12] =	ssyncadd.s32 $0xFFFFFB00  }
0x12: {  	[tilespmem:s3], [sflag:$0x2] =	stream.linear.gather [hbm4b:s7+s3], $0x2800, $0x38;
	[tilespmem:$0x8000] =	vst v63  }
0x13: {  	_ =	swait.ge [sflag:s12], $0x2800  }
0x14: {  	[sflag:s12] =	ssyncset.done $0x0  }
0x15: {  	[sflag:s12] =	ssyncadd.s32 $0xFFFFD800  }
0x16: {  	[tilespmem:s13], [sflag:$0x2] =	stream.linear.gather [hbm4b:s8+s3], $0x2800, $0x38;
	[tilespmem:$0x8000] =	vst v63  }
0x17: {  	_ =	swait.ge [sflag:s12], $0x2800  }
0x18: {  	[sflag:s12] =	ssyncset.done $0x0  }
0x19: {  	[sflag:s12] =	ssyncadd.s32 $0xFFFFD800  }
0x1a: {  	s18 =	simm.s32 $0x0;
	[bflag:$0x0] =	sbarrier.arrive $0xFFFF  }
0x1b: {  	[tilespmem:s15], [sflag:$0x1] =	stream.indirect.gather [hbm4b:s4+s14], $0x10, s18, s14, $0xb8;
	[tilespmem:$0x8000] =	vst v63  }
0x1c: {  	_ =	swait.ge [sflag:s16], $0x800  }
0x1d: {  	[sflag:s16] =	ssyncset.done $0x0  }
0x1e: {  	s31 =	simm.s32 $0x2800;
	[sflag:s16] =	ssyncadd.s32 $0xFFFFF800  }
0x1f: {  	[spmem:s2] =	stream.indirect.scatter.add.f32 [tilespmem:s15], [sflag:$0x2], $0x10, s31, s14, $0xb8;
	[tilespmem:$0x8000] =	vst v63  }
0x20: {  	_ =	swait.ge [sflag:s12], $0x800  }
0x21: {  	s19 =	simm.s32 $0x400;
	s18 =	simm.s32 $0x200;
	[sflag:s12] =	ssyncset.done $0x0  }
.LBB2_2:
0x22: {  	s20 =	sshra.s32 s18, $0x2  }
0x23: {  	[sflag:s12] =	ssyncadd.s32 $0xFFFFF800;
	s18 =	smov.u32 s19;
	s21 =	sadd.s32 $0x200, s19  }
0x24: {  	[tilespmem:s15], [sflag:$0x1] =	stream.indirect.gather [hbm4b:s4+s14], $0x10, s20, s14, $0xb8;
	[tilespmem:$0x8000] =	vst v63  }
0x25: {  	p0 =	sne.s32 s19, $0x9E00;
	_ =	swait.ge [sflag:s16], $0x800  }
.Ltmp0:
0x26: {  	[sflag:s16] =	ssyncset.done $0x0;
	(pc) =	sbr.rel @p0 .LBB2_2-.Ltmp0, $4  }
0x27: {  	s19 =	sadd.s32 $0x2800, s20;
	[sflag:s16] =	ssyncadd.s32 $0xFFFFF800  }
0x28: {  	[spmem:s2] =	stream.indirect.scatter.add.f32 [tilespmem:s15], [sflag:$0x2], $0x10, s19, s14, $0xb8;
	[tilespmem:$0x8000] =	vst v63  }
0x29: {  	_ =	swait.ge [sflag:s12], $0x800  }
0x2a: {  	s19 =	smov.u32 s21;
	[sflag:s12] =	ssyncset.done $0x0  }
0x2b: {  	s18 =	sshra.s32 s18, $0x2;
	[sflag:s12] =	ssyncadd.s32 $0xFFFFF800  }
0x2c: {  	[tilespmem:s15], [sflag:$0x1] =	stream.indirect.gather [hbm4b:s4+s14], $0x10, s18, s14, $0xb8;
	[tilespmem:$0x8000] =	vst v63  }
0x2d: {  	_ =	swait.ge [sflag:s16], $0x800  }
0x2e: {  	[sflag:s16] =	ssyncset.done $0x0  }
0x2f: {  	s18 =	sadd.s32 $0x2800, s18;
	[sflag:s16] =	ssyncadd.s32 $0xFFFFF800  }
0x30: {  	[spmem:s2] =	stream.indirect.scatter.add.f32 [tilespmem:s15], [sflag:$0x2], $0x10, s18, s14, $0xb8;
	[tilespmem:$0x8000] =	vst v63  }
0x31: {  	_ =	swait.ge [sflag:s12], $0x800  }
0x32: {  	s17 =	sadd.s32 $0x1, s17;
	[sflag:s12] =	ssyncset.done $0x0  }
0x33: {  	p0 =	sne.s32 s17, s10;
	[sflag:s12] =	ssyncadd.s32 $0xFFFFF800  }
.Ltmp1:
0x34: {  	[bflag:$0x0] =	sbarrier.arrive $0xFFFF;
	(pc) =	sbr.rel @p0 .LBB2_1-.Ltmp1, $4  }
0x35: {  	[hbm:s9], [sflag:s6] =	dma.local [spmem:s11], $0x500  }
0x36: {  	_ =	swait.ge [sflag:s12], $0x500  }
0x37: {  	[sflag:s12] =	ssyncset.done $0x0  }
0x38: {  	[sflag:s12] =	ssyncadd.s32 $0xFFFFFB00  }
0x39: {  	_ =	sfence.sel $0x180000  }
0x3a: {  	[bflag:$0x0] =	sbarrier.arrive $0xFFFF  }
0x3b: {  	p0 =	sne.s32 s0, $0x0;
	_ =	strace $0x9000004A  }
0x3c: {  	s0 =	sadd.s32 @!p0 $0x100000, s1;
	[bflag:$0x2] =	sbarrier.arrive $0xFFFF  }
0x3d: {  	[sflag:s0] =	ssyncadd.tile.s32 @!p0 $0x1;
	_ =	shalt  }
.Lfunc_end2:
_tile_overlayer_lowered:
.L_overlay_start_2:
0x3e: {  	(tag) =	ssettag $0x2  }
0x3f: {  	s0 =	rddreg [dreg:$0x0];
	s2 =	stileid.u32  }
0x40: {  	s1 =	rddreg [dreg:$0x1];
	p0 =	sne.s32 s2, $0x0  }
0x41: {  	s3 =	rddreg [dreg:$0x2];
	[bflag:$0x3] =	sbarrier.arrive $0xFFFF;
	s2 =	simm.s32 @!p0 $0x1C02  }
0x42: {  	[timem:s3], [sflag:s2] =	dma.local @!p0 [hbm:s0], s1  }
0x43: {  	s0 =	simm.s32 @!p0 $0x2  }
0x44: {  	_ =	swait.ge @!p0 [sflag:s0], s1  }
0x45: {  	s1 =	ssub.s32 @!p0 $0x0, s1;
	[sflag:s0] =	ssyncset.done @!p0 $0x0  }
0x46: {  	[sflag:s0] =	ssyncadd.s32 @!p0 s1  }
0x47: {  	[bflag:$0x3] =	sbarrier.arrive $0xFFFF  }
0x48: {  	_ =	shalt  }

// kernel: kernel.24.cloned.1.call-start
scs
__scs_entry_jumppad:
0x0: {  	(pc) =	sbr.rel $0x88, $3  }
0x1: {  	(tag) =	ssettag $0x0;
	lr =	simm.s32 $0x1  }
0x2: {  	[smem:$0x3F8E] =	sst lr;
	_ =	strace $0xD0000000  }
0x3: {  	_ = 	snop  }
0x4: {  	_ = 	snop  }
0x5: {  	_ = 	snop  }
0x6: {  	_ = 	snop  }
0x7: {  	_ = 	snop  }
__scs_overlays_trampoline_lowered:
0x8: {  	[smem:$0x3F9D] =	sst s0  }
0x9: {  	[smem:$0x3F9E] =	sst s1  }
0xa: {  	[smem:$0x3F9F] =	sst s2  }
0xb: {  	[smem:$0x3FA0] =	sst s3  }
0xc: {  	[smem:$0x3FA1] =	sst s4  }
0xd: {  	[smem:$0x3FA2] =	sst s5  }
0xe: {  	[smem:$0x3FA3] =	sst s6  }
0xf: {  	[smem:$0x3FA4] =	sst s7  }
0x10: {  	[smem:$0x3FA5] =	sst s8  }
0x11: {  	[smem:$0x3FA6] =	sst s9;
	s0 =	simm.s32 @!p0 $0x0  }
0x12: {  	s1 =	sld [smem:$0x3F8C];
	s0 =	simm.s32 @p0 $0x1  }
0x13: {  	[smem:$0x3FA7] =	sst s0;
	s0 =	simm.s32 @!p1 $0x0  }
0x14: {  	s2 =	sld [smem:$0x3F8B];
	s0 =	simm.s32 @p1 $0x1  }
0x15: {  	[smem:$0x3FA8] =	sst s0;
	s0 =	simm.s32 @!p2 $0x0  }
0x16: {  	s3 =	sld [smem:$0x3FDB];
	s0 =	simm.s32 @p2 $0x1  }
0x17: {  	s4 =	simm.s32 $0x1BF5;
	[smem:$0x3FAA] =	sst s0  }
0x18: {  	s0 =	sld [smem:$0x3F8D];
	_ =	swait.ge [sflag:s4], $0x0  }
0x19: {  	s7 =	sld [smem:$0x3F8E]  }
0x1a: {  	s8 =	sadd.s32 $0xFFFFE003, lr  }
0x1b: {  	s9 =	sadd.s32 $0xFFFFFEF7, lr;
	s5 =	simm.s32 $0xFFFFFFFF;
	p2 =	slt.u32 s8, $0xFFFFF086  }
0x1c: {  	p1 =	slt.u32 s9, $0xF7A;
	s5 =	simm.s32 @!p2 $0x0  }
0x1d: {  	s5 =	simm.s32 @p1 $0x1;
	p0 =	seq.s32 s7, s2  }
0x1e: {  	s7 =	smul.u32 @!p0 $0xF7A, s2;
	p2 =	seq.s32 @!p0 s5, $0x0  }
0x1f: {  	s9 =	smul.u32 $0xF7A, s1;
	s8 =	simm.s32 @!p0 $0x1BF5;
	p2 =	por !p2, p0  }
0x20: {  	[sflag:s8] =	ssyncset.s32 @!p0 $0xFFFFF086;
	s6 =	sadd.s32 @!p0 s3, s7;
	s7 =	simm.s32 @!p0 $0x108  }
0x21: {  	s3 =	sadd.s32 s3, s9;
	s6 =	sadd.s32 @!p0 $0x88, s6;
	s7 =	simm.s32 @p2 $0x1082  }
0x22: {  	[simem:s7], [sflag:s8] =	dma.local @!p0 [hbm:s6], $0xF7A  }
0x23: {  	s9 =	sor.u32 $0xD0000000, s2;
	s6 =	simm.s32 $0x108;
	_ =	swait.ge @!p0 [sflag:s8], $0x0  }
0x24: {  	s3 =	sadd.s32 $0x88, s3;
	s6 =	simm.s32 @!p1 $0x1082;
	[sflag:s4] =	ssyncset.s32 $0xFFFFF086  }
0x25: {  	[simem:s6], [sflag:s4] =	dma.local [hbm:s3], $0xF7A  }
0x26: {  	[smem:$0x3F8E] =	sst s1;
	(tag) =	ssettag s2;
	_ =	strace s9  }
0x27: {  	s1 =	sld [smem:$0x3F9E]  }
0x28: {  	s2 =	sld [smem:$0x3F9F]  }
0x29: {  	s4 =	sld [smem:$0x3FA1]  }
0x2a: {  	p0 =	seq.s32 s5, $0x0;
	s5 =	sld [smem:$0x3FA2]  }
0x2b: {  	s6 =	sld [smem:$0x3FA3]  }
0x2c: {  	s7 =	sld [smem:$0x3FA4]  }
0x2d: {  	s3 =	simm.s32 $0x108;
	s8 =	sld [smem:$0x3FA5]  }
0x2e: {  	s3 =	simm.s32 @!p0 $0x1082;
	s9 =	sld [smem:$0x3FA6]  }
0x2f: {  	lr =	sadd.s32 s0, s3;
	s0 =	sld [smem:$0x3F9D]  }
0x30: {  	s3 =	sld [smem:$0x3FA0]  }
0x31: {  	[smem:$0x3FA9] =	sst s10  }
0x32: {  	s10 =	sld [smem:$0x3FA7];
	_ =	sdelay $0x3  }
0x33: {  	p0 =	seq.s32 s10, $0x1;
	s10 =	sld [smem:$0x3FA9];
	_ =	sdelay $0x3  }
0x34: {  	[smem:$0x3FA9] =	sst s10  }
0x35: {  	s10 =	sld [smem:$0x3FA8];
	_ =	sdelay $0x3  }
0x36: {  	p1 =	seq.s32 s10, $0x1;
	s10 =	sld [smem:$0x3FA9];
	_ =	sdelay $0x3  }
0x37: {  	[smem:$0x3FA9] =	sst s10  }
0x38: {  	s10 =	sld [smem:$0x3FAA]  }
0x39: {  	_ = 	snop;
	(pc) =	sbr.ind lr, $3  }
0x3a: {  	_ = 	snop  }
0x3b: {  	_ = 	snop  }
0x3c: {  	p2 =	seq.s32 s10, $0x1;
	s10 =	sld [smem:$0x3FA9]  }
0x3d: {  	_ =	shalt  }
0x3e: {  	_ =	shalt  }
0x3f: {  	_ =	shalt  }
0x40: {  	_ =	shalt  }
0x41: {  	_ =	shalt  }
0x42: {  	_ =	shalt  }
0x43: {  	_ =	shalt  }
0x44: {  	_ =	shalt  }
0x45: {  	_ =	shalt  }
0x46: {  	_ =	shalt  }
0x47: {  	_ =	shalt  }
0x48: {  	_ =	shalt  }
0x49: {  	_ =	shalt  }
0x4a: {  	_ =	shalt  }
0x4b: {  	_ =	shalt  }
0x4c: {  	_ =	shalt  }
0x4d: {  	_ =	shalt  }
0x4e: {  	_ =	shalt  }
0x4f: {  	_ =	shalt  }
0x50: {  	_ =	shalt  }
0x51: {  	_ =	shalt  }
0x52: {  	_ =	shalt  }
0x53: {  	_ =	shalt  }
0x54: {  	_ =	shalt  }
0x55: {  	_ =	shalt  }
0x56: {  	_ =	shalt  }
0x57: {  	_ =	shalt  }
0x58: {  	_ =	shalt  }
0x59: {  	_ =	shalt  }
0x5a: {  	_ =	shalt  }
0x5b: {  	_ =	shalt  }
0x5c: {  	_ =	shalt  }
0x5d: {  	_ =	shalt  }
0x5e: {  	_ =	shalt  }
0x5f: {  	_ =	shalt  }
0x60: {  	_ =	shalt  }
0x61: {  	_ =	shalt  }
0x62: {  	_ =	shalt  }
0x63: {  	_ =	shalt  }
0x64: {  	_ =	shalt  }
0x65: {  	_ =	shalt  }
0x66: {  	_ =	shalt  }
0x67: {  	_ =	shalt  }
0x68: {  	_ =	shalt  }
0x69: {  	_ =	shalt  }
0x6a: {  	_ =	shalt  }
0x6b: {  	_ =	shalt  }
0x6c: {  	_ =	shalt  }
0x6d: {  	_ =	shalt  }
0x6e: {  	_ =	shalt  }
0x6f: {  	_ =	shalt  }
0x70: {  	_ =	shalt  }
0x71: {  	_ =	shalt  }
0x72: {  	_ =	shalt  }
0x73: {  	_ =	shalt  }
0x74: {  	_ =	shalt  }
0x75: {  	_ =	shalt  }
0x76: {  	_ =	shalt  }
0x77: {  	_ =	shalt  }
0x78: {  	_ =	shalt  }
0x79: {  	_ =	shalt  }
0x7a: {  	_ =	shalt  }
0x7b: {  	_ =	shalt  }
0x7c: {  	_ =	shalt  }
0x7d: {  	_ =	shalt  }
0x7e: {  	_ =	shalt  }
0x7f: {  	_ =	shalt  }
0x80: {  	_ =	shalt  }
0x81: {  	_ =	shalt  }
0x82: {  	_ =	shalt  }
0x83: {  	_ =	shalt  }
0x84: {  	_ =	shalt  }
0x85: {  	_ =	shalt  }
0x86: {  	_ =	shalt  }
0x87: {  	_ =	shalt  }
.Lfunc_end0:
.L_simem_size_0:
called_computation.2_lowered:
.L_overlay_start_0:
0x88: {  	s2 =	sld [smem:$0x3FD9]  }
0x89: {  	s3 =	sld [smem:$0x3FFE];
	_ =	sdelay $0x1  }
0x8a: {  	s1 =	srdreg.scid  }
0x8b: {  	s0 =	sand.u32 $0x1, s1  }
0x8c: {  	s16 =	sshll.u32 s0, $0xA;
	s2 =	sadd.s32 s3, s2  }
0x8d: {  	s2 =	sadd.s32 s2, s16  }
0x8e: {  	[smem:$0x3FB5] =	sst s2  }
0x8f: {  	_ = 	snop  }
0x90: {  	(tm) =	ssettm $0x1  }
0x91: {  	s17 =	sld [smem:$0x3FFB];
	_ =	sdelay $0x3  }
0x92: {  	_ =	strace s17  }
0x93: {  	s2 =	sld [smem:$0x3FFC];
	_ =	sdelay $0x3  }
0x94: {  	_ =	strace s2  }
0x95: {  	s2 =	sld [smem:$0x3FFD];
	_ =	sdelay $0x3  }
0x96: {  	_ =	strace s2  }
0x97: {  	_ =	strace $0x8FFFFFFF  }
0x98: {  	s18 =	sld [smem:$0x3FDB];
	_ =	sdelay $0x1  }
0x99: {  	s19 =	simm.s32 $_scs_section_size  }
0x9a: {  	s4 =	simm.s32 $_size__tile_overlayer_lowered;
	s5 =	simm.s32 $_tile_overlayer_lowered  }
0x9b: {  	s22 =	simm.s32 $0x1BFF;
	s21 =	sshll.u32 s5, $0x1;
	s2 =	sadd.s32 s19, s18  }
0x9c: {  	s6 =	simm.s32 $0x0;
	s20 =	sshll.u32 s4, $0x1;
	s4 =	sadd.s32 s21, s2  }
0x9d: {  	[timem:s6], [sflag:s22] =	dma.local [hbm:s4], s20  }
0x9e: {  	_ =	swait.ge [sflag:s22], s20  }
0x9f: {  	s3 =	ssub.s32 $0x0, s20;
	[sflag:s22] =	ssyncset.done $0x0  }
0xa0: {  	[sflag:s22] =	ssyncadd.s32 s3;
	_ =	sdelay $0x1  }
0xa1: {  	s23 =	simm.s32 $0x1B8B  }
0xa2: {  	_ =	swait.ge [sflag:s23], $0x1  }
0xa3: {  	[sflag:s23] =	ssyncset.done $0x0  }
0xa4: {  	s25 =	simm.s32 $0x1B8E;
	s24 =	sld [smem:$0x3FFE];
	[sflag:s23] =	ssyncadd.s32 $0xFFFFFFFF  }
0xa5: {  	s26 =	simm.s32 $execute0_lowered;
	[smem:$0x3FD2] =	sst s25  }
0xa6: {  	s4 =	sshll.u32 s26, $0x1;
	_ =	strace $0x8000004C;
	[dreg:$0x1] =	wrdreg $0xFFFFFFFF  }
0xa7: {  	s28 =	simm.s32 $_size_execute0_lowered;
	s2 =	sadd.s32 s2, s4;
	[dreg:$0x0] =	wrdreg $0x0  }
0xa8: {  	s4 =	sshll.u32 s28, $0x1;
	[dreg:$0x2] =	wrdreg s2  }
0xa9: {  	[dreg:$0x3] =	wrdreg s4  }
0xaa: {  	[dreg:$0x4] =	wrdreg $0xC0  }
0xab: {  	_ =	task [dreg:s6], $0x5FFFF  }
0xac: {  	[dreg:$0x1] =	wrdreg $0xFFFFFFFF  }
0xad: {  	[dreg:$0x0] =	wrdreg $0x60  }
0xae: {  	[dreg:$0x2] =	wrdreg s24  }
0xaf: {  	[dreg:$0x3] =	wrdreg $0x58000  }
0xb0: {  	[dreg:$0x4] =	wrdreg $0x9  }
0xb1: {  	_ =	task.clear_ibuf [dreg:s6], $0x5FFFF;
	_ =	strace $0x9000004C  }
0xb2: {  	s29 =	simm.s32 $0x9;
	_ =	strace $0x8000004E  }
0xb3: {  	_ =	swait.ge [sflag:s29], $0x1  }
0xb4: {  	[sflag:s29] =	ssyncadd.s32 $0xFFFFFFFF  }
0xb5: {  	_ =	strace $0x9000004E  }
0xb6: {  	_ =	sfence  }
0xb7: {  	s30 =	sld [smem:$0x0];
	_ =	sdelay $0x2  }
0xb8: {  	s31 =	sshll.u32 s1, $0xD;
	s1 =	sshrl.u32 s1, $0x2  }
0xb9: {  	s3 =	sand.u32 $0x4000, s31;
	s1 =	sadd.s32 s1, s30  }
0xba: {  	s0 =	sor.u32 s3, s0;
	s1 =	sshll.u32 s1, $0x11  }
0xbb: {  	s0 =	sor.u32 s1, s0  }
0xbc: {  	s0 =	sadd.s32 $0x8F2B, s0  }
0xbd: {  	[sflag:s0] =	ssyncadd.remote.s32 $0x1  }
0xbe: {  	_ =	sfence.sel $0xFFFF  }
0xbf: {  	[dreg:$0x0] =	wrdreg $0xFFFFFFFF;
	(pc) =	sbr.abs _section_cstart, $3  }
0xc0: {  	[dreg:$0x1] =	wrdreg $0xFFFFFFFF  }
0xc1: {  	_ =	task.clear_ibuf [dreg:s6], $0x2FFFF;
	_ =	strace $0x9FFFFFFF  }
0xc2: {  	(tm) =	ssettm $0x7FFFFFFF  }
0xc3: {  	_ =	shalt  }
tec
execute0_lowered:
.L_overlay_start_1:
0x0: {  	(tag) =	ssettag $0x1  }
0x1: {  	s0 =	srdreg.scid;
	s6 =	rddreg [dreg:$0x0]  }
0x2: {  	s2 =	rddreg [dreg:$0x1];
	s3 =	simm.s32 $0x0;
	s14 =	simm.s32 $0x80  }
0x3: {  	s15 =	simm.s32 $0x5000;
	s5 =	sand.u32 $0x1, s0;
	s0 =	stileid.u32  }
0x4: {  	s16 =	simm.s32 $0x1;
	s17 =	simm.s32 $0x0;
	s8 =	smul.u32 $0x500, s0  }
0x5: {  	[smem:$0x7FF] =	sst s3;
	s1 =	sshll.u32 s5, $0x4;
	s9 =	smul.u32 $0x5000, s5  }
0x6: {  	s5 =	ssub.s32 $0x2, s5;
	s10 =	smul.u32 $0x2800, s0;
	s31 =	sshll.u32 s0, $0x6  }
0x7: {  	s4 =	sor.u32 s0, s1;
	s1 =	rddreg [dreg:$0x2];
	_ =	strace $0x8000004D  }
0x8: {  	s29 =	sshrl.u32 s5, $0x1;
	s7 =	smul.u32 $0x500, s4;
	s4 =	sadd.s32 $0x17C00, s6  }
0x9: {  	s28 =	sadd.s32 s8, s9;
	s12 =	ssub.s32 s5, s29;
	s30 =	sshrl.u32 s10, $0x3  }
0xa: {  	s13 =	sadd.s32 s10, s2;
	s9 =	sadd.s32 s28, s6;
	s5 =	sadd.s32 s4, s30  }
0xb: {  	s10 =	smax.u32 s12, $0x1;
	s12 =	simm.s32 $0x2;
	s11 =	sadd.s32 s7, s6  }
0xc: {  	s6 =	sor.u32 $0x1C02, s31;
	s9 =	sadd.s32 $0x1CC00, s9;
	s7 =	sadd.s32 $0xDC00, s11  }
0xd: {  	s8 =	sadd.s32 $0x3C00, s11;
	s11 =	sshrl.u32 s13, $0x3;
	s13 =	simm.s32 $0x2800  }
.LBB2_1:
0xe: {  	[spmem:s11], [sflag:s6] =	dma.local [hbm:s5], $0x500  }
0xf: {  	_ =	swait.ge [sflag:s12], $0x500  }
0x10: {  	[sflag:s12] =	ssyncset.done $0x0  }
0x11: {  	[sflag:s12] =	ssyncadd.s32 $0xFFFFFB00  }
0x12: {  	[tilespmem:s3], [sflag:$0x2] =	stream.linear.gather [hbm4b:s7+s3], $0x2800, $0x38;
	[tilespmem:$0x8000] =	vst v63  }
0x13: {  	_ =	swait.ge [sflag:s12], $0x2800  }
0x14: {  	[sflag:s12] =	ssyncset.done $0x0  }
0x15: {  	[sflag:s12] =	ssyncadd.s32 $0xFFFFD800  }
0x16: {  	[tilespmem:s13], [sflag:$0x2] =	stream.linear.gather [hbm4b:s8+s3], $0x2800, $0x38;
	[tilespmem:$0x8000] =	vst v63  }
0x17: {  	_ =	swait.ge [sflag:s12], $0x2800  }
0x18: {  	[sflag:s12] =	ssyncset.done $0x0  }
0x19: {  	[sflag:s12] =	ssyncadd.s32 $0xFFFFD800  }
0x1a: {  	s18 =	simm.s32 $0x0;
	[bflag:$0x0] =	sbarrier.arrive $0xFFFF  }
0x1b: {  	[tilespmem:s15], [sflag:$0x1] =	stream.indirect.gather [hbm4b:s4+s14], $0x10, s18, s14, $0xb8;
	[tilespmem:$0x8000] =	vst v63  }
0x1c: {  	_ =	swait.ge [sflag:s16], $0x800  }
0x1d: {  	[sflag:s16] =	ssyncset.done $0x0  }
0x1e: {  	s31 =	simm.s32 $0x2800;
	[sflag:s16] =	ssyncadd.s32 $0xFFFFF800  }
0x1f: {  	[spmem:s2] =	stream.indirect.scatter.add.f32 [tilespmem:s15], [sflag:$0x2], $0x10, s31, s14, $0xb8;
	[tilespmem:$0x8000] =	vst v63  }
0x20: {  	_ =	swait.ge [sflag:s12], $0x800  }
0x21: {  	s19 =	simm.s32 $0x400;
	s18 =	simm.s32 $0x200;
	[sflag:s12] =	ssyncset.done $0x0  }
.LBB2_2:
0x22: {  	s20 =	sshra.s32 s18, $0x2  }
0x23: {  	[sflag:s12] =	ssyncadd.s32 $0xFFFFF800;
	s18 =	smov.u32 s19;
	s21 =	sadd.s32 $0x200, s19  }
0x24: {  	[tilespmem:s15], [sflag:$0x1] =	stream.indirect.gather [hbm4b:s4+s14], $0x10, s20, s14, $0xb8;
	[tilespmem:$0x8000] =	vst v63  }
0x25: {  	p0 =	sne.s32 s19, $0x9E00;
	_ =	swait.ge [sflag:s16], $0x800  }
.Ltmp0:
0x26: {  	[sflag:s16] =	ssyncset.done $0x0;
	(pc) =	sbr.rel @p0 .LBB2_2-.Ltmp0, $4  }
0x27: {  	s19 =	sadd.s32 $0x2800, s20;
	[sflag:s16] =	ssyncadd.s32 $0xFFFFF800  }
0x28: {  	[spmem:s2] =	stream.indirect.scatter.add.f32 [tilespmem:s15], [sflag:$0x2], $0x10, s19, s14, $0xb8;
	[tilespmem:$0x8000] =	vst v63  }
0x29: {  	_ =	swait.ge [sflag:s12], $0x800  }
0x2a: {  	s19 =	smov.u32 s21;
	[sflag:s12] =	ssyncset.done $0x0  }
0x2b: {  	s18 =	sshra.s32 s18, $0x2;
	[sflag:s12] =	ssyncadd.s32 $0xFFFFF800  }
0x2c: {  	[tilespmem:s15], [sflag:$0x1] =	stream.indirect.gather [hbm4b:s4+s14], $0x10, s18, s14, $0xb8;
	[tilespmem:$0x8000] =	vst v63  }
0x2d: {  	_ =	swait.ge [sflag:s16], $0x800  }
0x2e: {  	[sflag:s16] =	ssyncset.done $0x0  }
0x2f: {  	s18 =	sadd.s32 $0x2800, s18;
	[sflag:s16] =	ssyncadd.s32 $0xFFFFF800  }
0x30: {  	[spmem:s2] =	stream.indirect.scatter.add.f32 [tilespmem:s15], [sflag:$0x2], $0x10, s18, s14, $0xb8;
	[tilespmem:$0x8000] =	vst v63  }
0x31: {  	_ =	swait.ge [sflag:s12], $0x800  }
0x32: {  	s17 =	sadd.s32 $0x1, s17;
	[sflag:s12] =	ssyncset.done $0x0  }
0x33: {  	p0 =	sne.s32 s17, s10;
	[sflag:s12] =	ssyncadd.s32 $0xFFFFF800  }
.Ltmp1:
0x34: {  	[bflag:$0x0] =	sbarrier.arrive $0xFFFF;
	(pc) =	sbr.rel @p0 .LBB2_1-.Ltmp1, $4  }
0x35: {  	[hbm:s9], [sflag:s6] =	dma.local [spmem:s11], $0x500  }
0x36: {  	_ =	swait.ge [sflag:s12], $0x500  }
0x37: {  	[sflag:s12] =	ssyncset.done $0x0  }
0x38: {  	[sflag:s12] =	ssyncadd.s32 $0xFFFFFB00  }
0x39: {  	_ =	sfence.sel $0x180000  }
0x3a: {  	[bflag:$0x0] =	sbarrier.arrive $0xFFFF  }
0x3b: {  	p0 =	sne.s32 s0, $0x0;
	_ =	strace $0x9000004D  }
0x3c: {  	s0 =	sadd.s32 @!p0 $0x100000, s1;
	[bflag:$0x2] =	sbarrier.arrive $0xFFFF  }
0x3d: {  	[sflag:s0] =	ssyncadd.tile.s32 @!p0 $0x1;
	_ =	shalt  }
.Lfunc_end2:
_tile_overlayer_lowered:
.L_overlay_start_2:
0x3e: {  	(tag) =	ssettag $0x2  }
0x3f: {  	s0 =	rddreg [dreg:$0x0];
	s2 =	stileid.u32  }
0x40: {  	s1 =	rddreg [dreg:$0x1];
	p0 =	sne.s32 s2, $0x0  }
0x41: {  	s3 =	rddreg [dreg:$0x2];
	[bflag:$0x3] =	sbarrier.arrive $0xFFFF;
	s2 =	simm.s32 @!p0 $0x1C02  }
0x42: {  	[timem:s3], [sflag:s2] =	dma.local @!p0 [hbm:s0], s1  }
0x43: {  	s0 =	simm.s32 @!p0 $0x2  }
0x44: {  	_ =	swait.ge @!p0 [sflag:s0], s1  }
0x45: {  	s1 =	ssub.s32 @!p0 $0x0, s1;
	[sflag:s0] =	ssyncset.done @!p0 $0x0  }
0x46: {  	[sflag:s0] =	ssyncadd.s32 @!p0 s1  }
0x47: {  	[bflag:$0x3] =	sbarrier.arrive $0xFFFF  }
0x48: {  	_ =	shalt  }

// kernel: kernel.27.cloned.1.call-start
scs
__scs_entry_jumppad:
0x0: {  	(pc) =	sbr.rel $0x88, $3  }
0x1: {  	(tag) =	ssettag $0x0;
	lr =	simm.s32 $0x1  }
0x2: {  	[smem:$0x3F8E] =	sst lr;
	_ =	strace $0xD0000000  }
0x3: {  	_ = 	snop  }
0x4: {  	_ = 	snop  }
0x5: {  	_ = 	snop  }
0x6: {  	_ = 	snop  }
0x7: {  	_ = 	snop  }
__scs_overlays_trampoline_lowered:
0x8: {  	[smem:$0x3F9D] =	sst s0  }
0x9: {  	[smem:$0x3F9E] =	sst s1  }
0xa: {  	[smem:$0x3F9F] =	sst s2  }
0xb: {  	[smem:$0x3FA0] =	sst s3  }
0xc: {  	[smem:$0x3FA1] =	sst s4  }
0xd: {  	[smem:$0x3FA2] =	sst s5  }
0xe: {  	[smem:$0x3FA3] =	sst s6  }
0xf: {  	[smem:$0x3FA4] =	sst s7  }
0x10: {  	[smem:$0x3FA5] =	sst s8  }
0x11: {  	[smem:$0x3FA6] =	sst s9;
	s0 =	simm.s32 @!p0 $0x0  }
0x12: {  	s1 =	sld [smem:$0x3F8C];
	s0 =	simm.s32 @p0 $0x1  }
0x13: {  	[smem:$0x3FA7] =	sst s0;
	s0 =	simm.s32 @!p1 $0x0  }
0x14: {  	s2 =	sld [smem:$0x3F8B];
	s0 =	simm.s32 @p1 $0x1  }
0x15: {  	[smem:$0x3FA8] =	sst s0;
	s0 =	simm.s32 @!p2 $0x0  }
0x16: {  	s3 =	sld [smem:$0x3FDB];
	s0 =	simm.s32 @p2 $0x1  }
0x17: {  	s4 =	simm.s32 $0x1BF5;
	[smem:$0x3FAA] =	sst s0  }
0x18: {  	s0 =	sld [smem:$0x3F8D];
	_ =	swait.ge [sflag:s4], $0x0  }
0x19: {  	s7 =	sld [smem:$0x3F8E]  }
0x1a: {  	s8 =	sadd.s32 $0xFFFFE003, lr  }
0x1b: {  	s9 =	sadd.s32 $0xFFFFFEF7, lr;
	s5 =	simm.s32 $0xFFFFFFFF;
	p2 =	slt.u32 s8, $0xFFFFF086  }
0x1c: {  	p1 =	slt.u32 s9, $0xF7A;
	s5 =	simm.s32 @!p2 $0x0  }
0x1d: {  	s5 =	simm.s32 @p1 $0x1;
	p0 =	seq.s32 s7, s2  }
0x1e: {  	s7 =	smul.u32 @!p0 $0xF7A, s2;
	p2 =	seq.s32 @!p0 s5, $0x0  }
0x1f: {  	s9 =	smul.u32 $0xF7A, s1;
	s8 =	simm.s32 @!p0 $0x1BF5;
	p2 =	por !p2, p0  }
0x20: {  	[sflag:s8] =	ssyncset.s32 @!p0 $0xFFFFF086;
	s6 =	sadd.s32 @!p0 s3, s7;
	s7 =	simm.s32 @!p0 $0x108  }
0x21: {  	s3 =	sadd.s32 s3, s9;
	s6 =	sadd.s32 @!p0 $0x88, s6;
	s7 =	simm.s32 @p2 $0x1082  }
0x22: {  	[simem:s7], [sflag:s8] =	dma.local @!p0 [hbm:s6], $0xF7A  }
0x23: {  	s9 =	sor.u32 $0xD0000000, s2;
	s6 =	simm.s32 $0x108;
	_ =	swait.ge @!p0 [sflag:s8], $0x0  }
0x24: {  	s3 =	sadd.s32 $0x88, s3;
	s6 =	simm.s32 @!p1 $0x1082;
	[sflag:s4] =	ssyncset.s32 $0xFFFFF086  }
0x25: {  	[simem:s6], [sflag:s4] =	dma.local [hbm:s3], $0xF7A  }
0x26: {  	[smem:$0x3F8E] =	sst s1;
	(tag) =	ssettag s2;
	_ =	strace s9  }
0x27: {  	s1 =	sld [smem:$0x3F9E]  }
0x28: {  	s2 =	sld [smem:$0x3F9F]  }
0x29: {  	s4 =	sld [smem:$0x3FA1]  }
0x2a: {  	p0 =	seq.s32 s5, $0x0;
	s5 =	sld [smem:$0x3FA2]  }
0x2b: {  	s6 =	sld [smem:$0x3FA3]  }
0x2c: {  	s7 =	sld [smem:$0x3FA4]  }
0x2d: {  	s3 =	simm.s32 $0x108;
	s8 =	sld [smem:$0x3FA5]  }
0x2e: {  	s3 =	simm.s32 @!p0 $0x1082;
	s9 =	sld [smem:$0x3FA6]  }
0x2f: {  	lr =	sadd.s32 s0, s3;
	s0 =	sld [smem:$0x3F9D]  }
0x30: {  	s3 =	sld [smem:$0x3FA0]  }
0x31: {  	[smem:$0x3FA9] =	sst s10  }
0x32: {  	s10 =	sld [smem:$0x3FA7];
	_ =	sdelay $0x3  }
0x33: {  	p0 =	seq.s32 s10, $0x1;
	s10 =	sld [smem:$0x3FA9];
	_ =	sdelay $0x3  }
0x34: {  	[smem:$0x3FA9] =	sst s10  }
0x35: {  	s10 =	sld [smem:$0x3FA8];
	_ =	sdelay $0x3  }
0x36: {  	p1 =	seq.s32 s10, $0x1;
	s10 =	sld [smem:$0x3FA9];
	_ =	sdelay $0x3  }
0x37: {  	[smem:$0x3FA9] =	sst s10  }
0x38: {  	s10 =	sld [smem:$0x3FAA]  }
0x39: {  	_ = 	snop;
	(pc) =	sbr.ind lr, $3  }
0x3a: {  	_ = 	snop  }
0x3b: {  	_ = 	snop  }
0x3c: {  	p2 =	seq.s32 s10, $0x1;
	s10 =	sld [smem:$0x3FA9]  }
0x3d: {  	_ =	shalt  }
0x3e: {  	_ =	shalt  }
0x3f: {  	_ =	shalt  }
0x40: {  	_ =	shalt  }
0x41: {  	_ =	shalt  }
0x42: {  	_ =	shalt  }
0x43: {  	_ =	shalt  }
0x44: {  	_ =	shalt  }
0x45: {  	_ =	shalt  }
0x46: {  	_ =	shalt  }
0x47: {  	_ =	shalt  }
0x48: {  	_ =	shalt  }
0x49: {  	_ =	shalt  }
0x4a: {  	_ =	shalt  }
0x4b: {  	_ =	shalt  }
0x4c: {  	_ =	shalt  }
0x4d: {  	_ =	shalt  }
0x4e: {  	_ =	shalt  }
0x4f: {  	_ =	shalt  }
0x50: {  	_ =	shalt  }
0x51: {  	_ =	shalt  }
0x52: {  	_ =	shalt  }
0x53: {  	_ =	shalt  }
0x54: {  	_ =	shalt  }
0x55: {  	_ =	shalt  }
0x56: {  	_ =	shalt  }
0x57: {  	_ =	shalt  }
0x58: {  	_ =	shalt  }
0x59: {  	_ =	shalt  }
0x5a: {  	_ =	shalt  }
0x5b: {  	_ =	shalt  }
0x5c: {  	_ =	shalt  }
0x5d: {  	_ =	shalt  }
0x5e: {  	_ =	shalt  }
0x5f: {  	_ =	shalt  }
0x60: {  	_ =	shalt  }
0x61: {  	_ =	shalt  }
0x62: {  	_ =	shalt  }
0x63: {  	_ =	shalt  }
0x64: {  	_ =	shalt  }
0x65: {  	_ =	shalt  }
0x66: {  	_ =	shalt  }
0x67: {  	_ =	shalt  }
0x68: {  	_ =	shalt  }
0x69: {  	_ =	shalt  }
0x6a: {  	_ =	shalt  }
0x6b: {  	_ =	shalt  }
0x6c: {  	_ =	shalt  }
0x6d: {  	_ =	shalt  }
0x6e: {  	_ =	shalt  }
0x6f: {  	_ =	shalt  }
0x70: {  	_ =	shalt  }
0x71: {  	_ =	shalt  }
0x72: {  	_ =	shalt  }
0x73: {  	_ =	shalt  }
0x74: {  	_ =	shalt  }
0x75: {  	_ =	shalt  }
0x76: {  	_ =	shalt  }
0x77: {  	_ =	shalt  }
0x78: {  	_ =	shalt  }
0x79: {  	_ =	shalt  }
0x7a: {  	_ =	shalt  }
0x7b: {  	_ =	shalt  }
0x7c: {  	_ =	shalt  }
0x7d: {  	_ =	shalt  }
0x7e: {  	_ =	shalt  }
0x7f: {  	_ =	shalt  }
0x80: {  	_ =	shalt  }
0x81: {  	_ =	shalt  }
0x82: {  	_ =	shalt  }
0x83: {  	_ =	shalt  }
0x84: {  	_ =	shalt  }
0x85: {  	_ =	shalt  }
0x86: {  	_ =	shalt  }
0x87: {  	_ =	shalt  }
.Lfunc_end0:
.L_simem_size_0:
called_computation.3_lowered:
.L_overlay_start_0:
0x88: {  	s2 =	sld [smem:$0x3FD9]  }
0x89: {  	s3 =	sld [smem:$0x3FFE];
	_ =	sdelay $0x1  }
0x8a: {  	s1 =	srdreg.scid  }
0x8b: {  	s0 =	sand.u32 $0x1, s1  }
0x8c: {  	s16 =	sshll.u32 s0, $0xA;
	s2 =	sadd.s32 s3, s2  }
0x8d: {  	s2 =	sadd.s32 s2, s16  }
0x8e: {  	[smem:$0x3FB5] =	sst s2  }
0x8f: {  	_ = 	snop  }
0x90: {  	(tm) =	ssettm $0x1  }
0x91: {  	s17 =	sld [smem:$0x3FFB];
	_ =	sdelay $0x3  }
0x92: {  	_ =	strace s17  }
0x93: {  	s2 =	sld [smem:$0x3FFC];
	_ =	sdelay $0x3  }
0x94: {  	_ =	strace s2  }
0x95: {  	s2 =	sld [smem:$0x3FFD];
	_ =	sdelay $0x3  }
0x96: {  	_ =	strace s2  }
0x97: {  	_ =	strace $0x8FFFFFFF  }
0x98: {  	s18 =	sld [smem:$0x3FDB];
	_ =	sdelay $0x1  }
0x99: {  	s19 =	simm.s32 $_scs_section_size  }
0x9a: {  	s4 =	simm.s32 $_size__tile_overlayer_lowered;
	s5 =	simm.s32 $_tile_overlayer_lowered  }
0x9b: {  	s22 =	simm.s32 $0x1BFF;
	s21 =	sshll.u32 s5, $0x1;
	s2 =	sadd.s32 s19, s18  }
0x9c: {  	s6 =	simm.s32 $0x0;
	s20 =	sshll.u32 s4, $0x1;
	s4 =	sadd.s32 s21, s2  }
0x9d: {  	[timem:s6], [sflag:s22] =	dma.local [hbm:s4], s20  }
0x9e: {  	_ =	swait.ge [sflag:s22], s20  }
0x9f: {  	s3 =	ssub.s32 $0x0, s20;
	[sflag:s22] =	ssyncset.done $0x0  }
0xa0: {  	[sflag:s22] =	ssyncadd.s32 s3;
	_ =	sdelay $0x1  }
0xa1: {  	s23 =	simm.s32 $0x1B8B  }
0xa2: {  	_ =	swait.ge [sflag:s23], $0x1  }
0xa3: {  	[sflag:s23] =	ssyncset.done $0x0  }
0xa4: {  	s25 =	simm.s32 $0x1B8E;
	s24 =	sld [smem:$0x3FFE];
	[sflag:s23] =	ssyncadd.s32 $0xFFFFFFFF  }
0xa5: {  	s26 =	simm.s32 $execute0_lowered;
	[smem:$0x3FD2] =	sst s25  }
0xa6: {  	s4 =	sshll.u32 s26, $0x1;
	_ =	strace $0x8000004F;
	[dreg:$0x1] =	wrdreg $0xFFFFFFFF  }
0xa7: {  	s28 =	simm.s32 $_size_execute0_lowered;
	s2 =	sadd.s32 s2, s4;
	[dreg:$0x0] =	wrdreg $0x0  }
0xa8: {  	s4 =	sshll.u32 s28, $0x1;
	[dreg:$0x2] =	wrdreg s2  }
0xa9: {  	[dreg:$0x3] =	wrdreg s4  }
0xaa: {  	[dreg:$0x4] =	wrdreg $0xC0  }
0xab: {  	_ =	task [dreg:s6], $0x5FFFF  }
0xac: {  	[dreg:$0x1] =	wrdreg $0xFFFFFFFF  }
0xad: {  	[dreg:$0x0] =	wrdreg $0x60  }
0xae: {  	[dreg:$0x2] =	wrdreg s24  }
0xaf: {  	[dreg:$0x3] =	wrdreg $0x60000  }
0xb0: {  	[dreg:$0x4] =	wrdreg $0x9  }
0xb1: {  	_ =	task.clear_ibuf [dreg:s6], $0x5FFFF;
	_ =	strace $0x9000004F  }
0xb2: {  	s29 =	simm.s32 $0x9;
	_ =	strace $0x80000051  }
0xb3: {  	_ =	swait.ge [sflag:s29], $0x1  }
0xb4: {  	[sflag:s29] =	ssyncadd.s32 $0xFFFFFFFF  }
0xb5: {  	_ =	strace $0x90000051  }
0xb6: {  	_ =	sfence  }
0xb7: {  	s30 =	sld [smem:$0x0];
	_ =	sdelay $0x2  }
0xb8: {  	s31 =	sshll.u32 s1, $0xD;
	s1 =	sshrl.u32 s1, $0x2  }
0xb9: {  	s3 =	sand.u32 $0x4000, s31;
	s1 =	sadd.s32 s1, s30  }
0xba: {  	s0 =	sor.u32 s3, s0;
	s1 =	sshll.u32 s1, $0x11  }
0xbb: {  	s0 =	sor.u32 s1, s0  }
0xbc: {  	s0 =	sadd.s32 $0x8F2B, s0  }
0xbd: {  	[sflag:s0] =	ssyncadd.remote.s32 $0x1  }
0xbe: {  	_ =	sfence.sel $0xFFFF  }
0xbf: {  	[dreg:$0x0] =	wrdreg $0xFFFFFFFF;
	(pc) =	sbr.abs _section_cstart, $3  }
0xc0: {  	[dreg:$0x1] =	wrdreg $0xFFFFFFFF  }
0xc1: {  	_ =	task.clear_ibuf [dreg:s6], $0x2FFFF;
	_ =	strace $0x9FFFFFFF  }
0xc2: {  	(tm) =	ssettm $0x7FFFFFFF  }
0xc3: {  	_ =	shalt  }
tec
execute0_lowered:
.L_overlay_start_1:
0x0: {  	(tag) =	ssettag $0x1  }
0x1: {  	s0 =	srdreg.scid;
	s6 =	rddreg [dreg:$0x0]  }
0x2: {  	s2 =	rddreg [dreg:$0x1];
	s3 =	simm.s32 $0x0;
	s14 =	simm.s32 $0x80  }
0x3: {  	s15 =	simm.s32 $0x5000;
	s5 =	sand.u32 $0x1, s0;
	s0 =	stileid.u32  }
0x4: {  	s16 =	simm.s32 $0x1;
	s17 =	simm.s32 $0x0;
	s8 =	smul.u32 $0xA00, s0  }
0x5: {  	[smem:$0x7FF] =	sst s3;
	s1 =	sshll.u32 s5, $0x4;
	s9 =	smul.u32 $0xA000, s5  }
0x6: {  	s5 =	ssub.s32 $0x2, s5;
	s10 =	smul.u32 $0x5000, s0;
	s31 =	sshll.u32 s0, $0x6  }
0x7: {  	s4 =	sor.u32 s0, s1;
	s1 =	rddreg [dreg:$0x2];
	_ =	strace $0x80000050  }
0x8: {  	s29 =	sshrl.u32 s5, $0x1;
	s7 =	smul.u32 $0x500, s4;
	s4 =	sadd.s32 $0x17C00, s6  }
0x9: {  	s28 =	sadd.s32 s8, s9;
	s12 =	ssub.s32 s5, s29;
	s30 =	sshrl.u32 s10, $0x3  }
0xa: {  	s13 =	sadd.s32 s10, s2;
	s9 =	sadd.s32 s28, s6;
	s5 =	sadd.s32 s4, s30  }
0xb: {  	s10 =	smax.u32 s12, $0x1;
	s12 =	simm.s32 $0x2;
	s11 =	sadd.s32 s7, s6  }
0xc: {  	s6 =	sor.u32 $0x1C02, s31;
	s9 =	sadd.s32 $0x21C00, s9;
	s7 =	sadd.s32 $0xDC00, s11  }
0xd: {  	s8 =	sadd.s32 $0x3C00, s11;
	s11 =	sshrl.u32 s13, $0x3;
	s13 =	simm.s32 $0x2800  }
.LBB2_1:
0xe: {  	[spmem:s11], [sflag:s6] =	dma.local [hbm:s5], $0xA00  }
0xf: {  	_ =	swait.ge [sflag:s12], $0xA00  }
0x10: {  	[sflag:s12] =	ssyncset.done $0x0  }
0x11: {  	[sflag:s12] =	ssyncadd.s32 $0xFFFFF600  }
0x12: {  	[tilespmem:s3], [sflag:$0x2] =	stream.linear.gather [hbm4b:s7+s3], $0x2800, $0x38;
	[tilespmem:$0xB000] =	vst v63  }
0x13: {  	_ =	swait.ge [sflag:s12], $0x2800  }
0x14: {  	[sflag:s12] =	ssyncset.done $0x0  }
0x15: {  	[sflag:s12] =	ssyncadd.s32 $0xFFFFD800  }
0x16: {  	[tilespmem:s13], [sflag:$0x2] =	stream.linear.gather [hbm4b:s8+s3], $0x2800, $0x38;
	[tilespmem:$0xB000] =	vst v63  }
0x17: {  	_ =	swait.ge [sflag:s12], $0x2800  }
0x18: {  	[sflag:s12] =	ssyncset.done $0x0  }
0x19: {  	[sflag:s12] =	ssyncadd.s32 $0xFFFFD800  }
0x1a: {  	s18 =	simm.s32 $0x0;
	[bflag:$0x0] =	sbarrier.arrive $0xFFFF  }
0x1b: {  	[tilespmem:s15], [sflag:$0x1] =	stream.indirect.gather [hbm4b:s4+s14], $0x20, s18, s14, $0xb8;
	[tilespmem:$0xB000] =	vst v63  }
0x1c: {  	_ =	swait.ge [sflag:s16], $0x1000  }
0x1d: {  	[sflag:s16] =	ssyncset.done $0x0  }
0x1e: {  	s31 =	simm.s32 $0x2800;
	[sflag:s16] =	ssyncadd.s32 $0xFFFFF000  }
0x1f: {  	[spmem:s2] =	stream.indirect.scatter.add.f32 [tilespmem:s15], [sflag:$0x2], $0x20, s31, s14, $0xb8;
	[tilespmem:$0xB000] =	vst v63  }
0x20: {  	_ =	swait.ge [sflag:s12], $0x1000  }
0x21: {  	s19 =	simm.s32 $0x400;
	s18 =	simm.s32 $0x200;
	[sflag:s12] =	ssyncset.done $0x0  }
.LBB2_2:
0x22: {  	s20 =	sshra.s32 s18, $0x2  }
0x23: {  	[sflag:s12] =	ssyncadd.s32 $0xFFFFF000;
	s18 =	smov.u32 s19;
	s21 =	sadd.s32 $0x200, s19  }
0x24: {  	[tilespmem:s15], [sflag:$0x1] =	stream.indirect.gather [hbm4b:s4+s14], $0x20, s20, s14, $0xb8;
	[tilespmem:$0xB000] =	vst v63  }
0x25: {  	p0 =	sne.s32 s19, $0x9E00;
	_ =	swait.ge [sflag:s16], $0x1000  }
.Ltmp0:
0x26: {  	[sflag:s16] =	ssyncset.done $0x0;
	(pc) =	sbr.rel @p0 .LBB2_2-.Ltmp0, $4  }
0x27: {  	s19 =	sadd.s32 $0x2800, s20;
	[sflag:s16] =	ssyncadd.s32 $0xFFFFF000  }
0x28: {  	[spmem:s2] =	stream.indirect.scatter.add.f32 [tilespmem:s15], [sflag:$0x2], $0x20, s19, s14, $0xb8;
	[tilespmem:$0xB000] =	vst v63  }
0x29: {  	_ =	swait.ge [sflag:s12], $0x1000  }
0x2a: {  	s19 =	smov.u32 s21;
	[sflag:s12] =	ssyncset.done $0x0  }
0x2b: {  	s18 =	sshra.s32 s18, $0x2;
	[sflag:s12] =	ssyncadd.s32 $0xFFFFF000  }
0x2c: {  	[tilespmem:s15], [sflag:$0x1] =	stream.indirect.gather [hbm4b:s4+s14], $0x20, s18, s14, $0xb8;
	[tilespmem:$0xB000] =	vst v63  }
0x2d: {  	_ =	swait.ge [sflag:s16], $0x1000  }
0x2e: {  	[sflag:s16] =	ssyncset.done $0x0  }
0x2f: {  	s18 =	sadd.s32 $0x2800, s18;
	[sflag:s16] =	ssyncadd.s32 $0xFFFFF000  }
0x30: {  	[spmem:s2] =	stream.indirect.scatter.add.f32 [tilespmem:s15], [sflag:$0x2], $0x20, s18, s14, $0xb8;
	[tilespmem:$0xB000] =	vst v63  }
0x31: {  	_ =	swait.ge [sflag:s12], $0x1000  }
0x32: {  	s17 =	sadd.s32 $0x1, s17;
	[sflag:s12] =	ssyncset.done $0x0  }
0x33: {  	p0 =	sne.s32 s17, s10;
	[sflag:s12] =	ssyncadd.s32 $0xFFFFF000  }
.Ltmp1:
0x34: {  	[bflag:$0x0] =	sbarrier.arrive $0xFFFF;
	(pc) =	sbr.rel @p0 .LBB2_1-.Ltmp1, $4  }
0x35: {  	[hbm:s9], [sflag:s6] =	dma.local [spmem:s11], $0xA00  }
0x36: {  	_ =	swait.ge [sflag:s12], $0xA00  }
0x37: {  	[sflag:s12] =	ssyncset.done $0x0  }
0x38: {  	[sflag:s12] =	ssyncadd.s32 $0xFFFFF600  }
0x39: {  	_ =	sfence.sel $0x180000  }
0x3a: {  	[bflag:$0x0] =	sbarrier.arrive $0xFFFF  }
0x3b: {  	p0 =	sne.s32 s0, $0x0;
	_ =	strace $0x90000050  }
0x3c: {  	s0 =	sadd.s32 @!p0 $0x100000, s1;
	[bflag:$0x2] =	sbarrier.arrive $0xFFFF  }
0x3d: {  	[sflag:s0] =	ssyncadd.tile.s32 @!p0 $0x1;
	_ =	shalt  }
.Lfunc_end2:
_tile_overlayer_lowered:
.L_overlay_start_2:
0x3e: {  	(tag) =	ssettag $0x2  }
0x3f: {  	s0 =	rddreg [dreg:$0x0];
	s2 =	stileid.u32  }
0x40: {  	s1 =	rddreg [dreg:$0x1];
	p0 =	sne.s32 s2, $0x0  }
0x41: {  	s3 =	rddreg [dreg:$0x2];
	[bflag:$0x3] =	sbarrier.arrive $0xFFFF;
	s2 =	simm.s32 @!p0 $0x1C02  }
0x42: {  	[timem:s3], [sflag:s2] =	dma.local @!p0 [hbm:s0], s1  }
0x43: {  	s0 =	simm.s32 @!p0 $0x2  }
0x44: {  	_ =	swait.ge @!p0 [sflag:s0], s1  }
0x45: {  	s1 =	ssub.s32 @!p0 $0x0, s1;
	[sflag:s0] =	ssyncset.done @!p0 $0x0  }
0x46: {  	[sflag:s0] =	ssyncadd.s32 @!p0 s1  }
0x47: {  	[bflag:$0x3] =	sbarrier.arrive $0xFFFF  }
0x48: {  	_ =	shalt  }

// kernel: kernel.30.cloned.1.call-start
scs
__scs_entry_jumppad:
0x0: {  	(pc) =	sbr.rel $0x88, $3  }
0x1: {  	(tag) =	ssettag $0x0;
	lr =	simm.s32 $0x1  }
0x2: {  	[smem:$0x3F8E] =	sst lr;
	_ =	strace $0xD0000000  }
0x3: {  	_ = 	snop  }
0x4: {  	_ = 	snop  }
0x5: {  	_ = 	snop  }
0x6: {  	_ = 	snop  }
0x7: {  	_ = 	snop  }
__scs_overlays_trampoline_lowered:
0x8: {  	[smem:$0x3F9D] =	sst s0  }
0x9: {  	[smem:$0x3F9E] =	sst s1  }
0xa: {  	[smem:$0x3F9F] =	sst s2  }
0xb: {  	[smem:$0x3FA0] =	sst s3  }
0xc: {  	[smem:$0x3FA1] =	sst s4  }
0xd: {  	[smem:$0x3FA2] =	sst s5  }
0xe: {  	[smem:$0x3FA3] =	sst s6  }
0xf: {  	[smem:$0x3FA4] =	sst s7  }
0x10: {  	[smem:$0x3FA5] =	sst s8  }
0x11: {  	[smem:$0x3FA6] =	sst s9;
	s0 =	simm.s32 @!p0 $0x0  }
0x12: {  	s1 =	sld [smem:$0x3F8C];
	s0 =	simm.s32 @p0 $0x1  }
0x13: {  	[smem:$0x3FA7] =	sst s0;
	s0 =	simm.s32 @!p1 $0x0  }
0x14: {  	s2 =	sld [smem:$0x3F8B];
	s0 =	simm.s32 @p1 $0x1  }
0x15: {  	[smem:$0x3FA8] =	sst s0;
	s0 =	simm.s32 @!p2 $0x0  }
0x16: {  	s3 =	sld [smem:$0x3FDB];
	s0 =	simm.s32 @p2 $0x1  }
0x17: {  	s4 =	simm.s32 $0x1BF5;
	[smem:$0x3FAA] =	sst s0  }
0x18: {  	s0 =	sld [smem:$0x3F8D];
	_ =	swait.ge [sflag:s4], $0x0  }
0x19: {  	s7 =	sld [smem:$0x3F8E]  }
0x1a: {  	s8 =	sadd.s32 $0xFFFFE003, lr  }
0x1b: {  	s9 =	sadd.s32 $0xFFFFFEF7, lr;
	s5 =	simm.s32 $0xFFFFFFFF;
	p2 =	slt.u32 s8, $0xFFFFF086  }
0x1c: {  	p1 =	slt.u32 s9, $0xF7A;
	s5 =	simm.s32 @!p2 $0x0  }
0x1d: {  	s5 =	simm.s32 @p1 $0x1;
	p0 =	seq.s32 s7, s2  }
0x1e: {  	s7 =	smul.u32 @!p0 $0xF7A, s2;
	p2 =	seq.s32 @!p0 s5, $0x0  }
0x1f: {  	s9 =	smul.u32 $0xF7A, s1;
	s8 =	simm.s32 @!p0 $0x1BF5;
	p2 =	por !p2, p0  }
0x20: {  	[sflag:s8] =	ssyncset.s32 @!p0 $0xFFFFF086;
	s6 =	sadd.s32 @!p0 s3, s7;
	s7 =	simm.s32 @!p0 $0x108  }
0x21: {  	s3 =	sadd.s32 s3, s9;
	s6 =	sadd.s32 @!p0 $0x88, s6;
	s7 =	simm.s32 @p2 $0x1082  }
0x22: {  	[simem:s7], [sflag:s8] =	dma.local @!p0 [hbm:s6], $0xF7A  }
0x23: {  	s9 =	sor.u32 $0xD0000000, s2;
	s6 =	simm.s32 $0x108;
	_ =	swait.ge @!p0 [sflag:s8], $0x0  }
0x24: {  	s3 =	sadd.s32 $0x88, s3;
	s6 =	simm.s32 @!p1 $0x1082;
	[sflag:s4] =	ssyncset.s32 $0xFFFFF086  }
0x25: {  	[simem:s6], [sflag:s4] =	dma.local [hbm:s3], $0xF7A  }
0x26: {  	[smem:$0x3F8E] =	sst s1;
	(tag) =	ssettag s2;
	_ =	strace s9  }
0x27: {  	s1 =	sld [smem:$0x3F9E]  }
0x28: {  	s2 =	sld [smem:$0x3F9F]  }
0x29: {  	s4 =	sld [smem:$0x3FA1]  }
0x2a: {  	p0 =	seq.s32 s5, $0x0;
	s5 =	sld [smem:$0x3FA2]  }
0x2b: {  	s6 =	sld [smem:$0x3FA3]  }
0x2c: {  	s7 =	sld [smem:$0x3FA4]  }
0x2d: {  	s3 =	simm.s32 $0x108;
	s8 =	sld [smem:$0x3FA5]  }
0x2e: {  	s3 =	simm.s32 @!p0 $0x1082;
	s9 =	sld [smem:$0x3FA6]  }
0x2f: {  	lr =	sadd.s32 s0, s3;
	s0 =	sld [smem:$0x3F9D]  }
0x30: {  	s3 =	sld [smem:$0x3FA0]  }
0x31: {  	[smem:$0x3FA9] =	sst s10  }
0x32: {  	s10 =	sld [smem:$0x3FA7];
	_ =	sdelay $0x3  }
0x33: {  	p0 =	seq.s32 s10, $0x1;
	s10 =	sld [smem:$0x3FA9];
	_ =	sdelay $0x3  }
0x34: {  	[smem:$0x3FA9] =	sst s10  }
0x35: {  	s10 =	sld [smem:$0x3FA8];
	_ =	sdelay $0x3  }
0x36: {  	p1 =	seq.s32 s10, $0x1;
	s10 =	sld [smem:$0x3FA9];
	_ =	sdelay $0x3  }
0x37: {  	[smem:$0x3FA9] =	sst s10  }
0x38: {  	s10 =	sld [smem:$0x3FAA]  }
0x39: {  	_ = 	snop;
	(pc) =	sbr.ind lr, $3  }
0x3a: {  	_ = 	snop  }
0x3b: {  	_ = 	snop  }
0x3c: {  	p2 =	seq.s32 s10, $0x1;
	s10 =	sld [smem:$0x3FA9]  }
0x3d: {  	_ =	shalt  }
0x3e: {  	_ =	shalt  }
0x3f: {  	_ =	shalt  }
0x40: {  	_ =	shalt  }
0x41: {  	_ =	shalt  }
0x42: {  	_ =	shalt  }
0x43: {  	_ =	shalt  }
0x44: {  	_ =	shalt  }
0x45: {  	_ =	shalt  }
0x46: {  	_ =	shalt  }
0x47: {  	_ =	shalt  }
0x48: {  	_ =	shalt  }
0x49: {  	_ =	shalt  }
0x4a: {  	_ =	shalt  }
0x4b: {  	_ =	shalt  }
0x4c: {  	_ =	shalt  }
0x4d: {  	_ =	shalt  }
0x4e: {  	_ =	shalt  }
0x4f: {  	_ =	shalt  }
0x50: {  	_ =	shalt  }
0x51: {  	_ =	shalt  }
0x52: {  	_ =	shalt  }
0x53: {  	_ =	shalt  }
0x54: {  	_ =	shalt  }
0x55: {  	_ =	shalt  }
0x56: {  	_ =	shalt  }
0x57: {  	_ =	shalt  }
0x58: {  	_ =	shalt  }
0x59: {  	_ =	shalt  }
0x5a: {  	_ =	shalt  }
0x5b: {  	_ =	shalt  }
0x5c: {  	_ =	shalt  }
0x5d: {  	_ =	shalt  }
0x5e: {  	_ =	shalt  }
0x5f: {  	_ =	shalt  }
0x60: {  	_ =	shalt  }
0x61: {  	_ =	shalt  }
0x62: {  	_ =	shalt  }
0x63: {  	_ =	shalt  }
0x64: {  	_ =	shalt  }
0x65: {  	_ =	shalt  }
0x66: {  	_ =	shalt  }
0x67: {  	_ =	shalt  }
0x68: {  	_ =	shalt  }
0x69: {  	_ =	shalt  }
0x6a: {  	_ =	shalt  }
0x6b: {  	_ =	shalt  }
0x6c: {  	_ =	shalt  }
0x6d: {  	_ =	shalt  }
0x6e: {  	_ =	shalt  }
0x6f: {  	_ =	shalt  }
0x70: {  	_ =	shalt  }
0x71: {  	_ =	shalt  }
0x72: {  	_ =	shalt  }
0x73: {  	_ =	shalt  }
0x74: {  	_ =	shalt  }
0x75: {  	_ =	shalt  }
0x76: {  	_ =	shalt  }
0x77: {  	_ =	shalt  }
0x78: {  	_ =	shalt  }
0x79: {  	_ =	shalt  }
0x7a: {  	_ =	shalt  }
0x7b: {  	_ =	shalt  }
0x7c: {  	_ =	shalt  }
0x7d: {  	_ =	shalt  }
0x7e: {  	_ =	shalt  }
0x7f: {  	_ =	shalt  }
0x80: {  	_ =	shalt  }
0x81: {  	_ =	shalt  }
0x82: {  	_ =	shalt  }
0x83: {  	_ =	shalt  }
0x84: {  	_ =	shalt  }
0x85: {  	_ =	shalt  }
0x86: {  	_ =	shalt  }
0x87: {  	_ =	shalt  }
.Lfunc_end0:
.L_simem_size_0:
called_computation.4_lowered:
.L_overlay_start_0:
0x88: {  	s2 =	sld [smem:$0x3FD9]  }
0x89: {  	s3 =	sld [smem:$0x3FFE];
	_ =	sdelay $0x1  }
0x8a: {  	s1 =	srdreg.scid  }
0x8b: {  	s0 =	sand.u32 $0x1, s1  }
0x8c: {  	s16 =	sshll.u32 s0, $0xA;
	s2 =	sadd.s32 s3, s2  }
0x8d: {  	s2 =	sadd.s32 s2, s16  }
0x8e: {  	[smem:$0x3FB5] =	sst s2  }
0x8f: {  	_ = 	snop  }
0x90: {  	(tm) =	ssettm $0x1  }
0x91: {  	s17 =	sld [smem:$0x3FFB];
	_ =	sdelay $0x3  }
0x92: {  	_ =	strace s17  }
0x93: {  	s2 =	sld [smem:$0x3FFC];
	_ =	sdelay $0x3  }
0x94: {  	_ =	strace s2  }
0x95: {  	s2 =	sld [smem:$0x3FFD];
	_ =	sdelay $0x3  }
0x96: {  	_ =	strace s2  }
0x97: {  	_ =	strace $0x8FFFFFFF  }
0x98: {  	s18 =	sld [smem:$0x3FDB];
	_ =	sdelay $0x1  }
0x99: {  	s19 =	simm.s32 $_scs_section_size  }
0x9a: {  	s4 =	simm.s32 $_size__tile_overlayer_lowered;
	s5 =	simm.s32 $_tile_overlayer_lowered  }
0x9b: {  	s22 =	simm.s32 $0x1BFF;
	s21 =	sshll.u32 s5, $0x1;
	s2 =	sadd.s32 s19, s18  }
0x9c: {  	s6 =	simm.s32 $0x0;
	s20 =	sshll.u32 s4, $0x1;
	s4 =	sadd.s32 s21, s2  }
0x9d: {  	[timem:s6], [sflag:s22] =	dma.local [hbm:s4], s20  }
0x9e: {  	_ =	swait.ge [sflag:s22], s20  }
0x9f: {  	s3 =	ssub.s32 $0x0, s20;
	[sflag:s22] =	ssyncset.done $0x0  }
0xa0: {  	[sflag:s22] =	ssyncadd.s32 s3;
	_ =	sdelay $0x1  }
0xa1: {  	s23 =	simm.s32 $0x1B8B  }
0xa2: {  	_ =	swait.ge [sflag:s23], $0x1  }
0xa3: {  	[sflag:s23] =	ssyncset.done $0x0  }
0xa4: {  	s25 =	simm.s32 $0x1B8E;
	s24 =	sld [smem:$0x3FFE];
	[sflag:s23] =	ssyncadd.s32 $0xFFFFFFFF  }
0xa5: {  	s26 =	simm.s32 $execute0_lowered;
	[smem:$0x3FD2] =	sst s25  }
0xa6: {  	s4 =	sshll.u32 s26, $0x1;
	_ =	strace $0x80000052;
	[dreg:$0x1] =	wrdreg $0xFFFFFFFF  }
0xa7: {  	s28 =	simm.s32 $_size_execute0_lowered;
	s2 =	sadd.s32 s2, s4;
	[dreg:$0x0] =	wrdreg $0x0  }
0xa8: {  	s4 =	sshll.u32 s28, $0x1;
	[dreg:$0x2] =	wrdreg s2  }
0xa9: {  	[dreg:$0x3] =	wrdreg s4  }
0xaa: {  	[dreg:$0x4] =	wrdreg $0xC0  }
0xab: {  	_ =	task [dreg:s6], $0x5FFFF  }
0xac: {  	[dreg:$0x1] =	wrdreg $0xFFFFFFFF  }
0xad: {  	[dreg:$0x0] =	wrdreg $0x60  }
0xae: {  	[dreg:$0x2] =	wrdreg s24  }
0xaf: {  	[dreg:$0x3] =	wrdreg $0x70000  }
0xb0: {  	[dreg:$0x4] =	wrdreg $0x9  }
0xb1: {  	_ =	task.clear_ibuf [dreg:s6], $0x5FFFF;
	_ =	strace $0x90000052  }
0xb2: {  	s29 =	simm.s32 $0x9;
	_ =	strace $0x80000054  }
0xb3: {  	_ =	swait.ge [sflag:s29], $0x1  }
0xb4: {  	[sflag:s29] =	ssyncadd.s32 $0xFFFFFFFF  }
0xb5: {  	_ =	strace $0x90000054  }
0xb6: {  	_ =	sfence  }
0xb7: {  	s30 =	sld [smem:$0x0];
	_ =	sdelay $0x2  }
0xb8: {  	s31 =	sshll.u32 s1, $0xD;
	s1 =	sshrl.u32 s1, $0x2  }
0xb9: {  	s3 =	sand.u32 $0x4000, s31;
	s1 =	sadd.s32 s1, s30  }
0xba: {  	s0 =	sor.u32 s3, s0;
	s1 =	sshll.u32 s1, $0x11  }
0xbb: {  	s0 =	sor.u32 s1, s0  }
0xbc: {  	s0 =	sadd.s32 $0x8F2B, s0  }
0xbd: {  	[sflag:s0] =	ssyncadd.remote.s32 $0x1  }
0xbe: {  	_ =	sfence.sel $0xFFFF  }
0xbf: {  	[dreg:$0x0] =	wrdreg $0xFFFFFFFF;
	(pc) =	sbr.abs _section_cstart, $3  }
0xc0: {  	[dreg:$0x1] =	wrdreg $0xFFFFFFFF  }
0xc1: {  	_ =	task.clear_ibuf [dreg:s6], $0x2FFFF;
	_ =	strace $0x9FFFFFFF  }
0xc2: {  	(tm) =	ssettm $0x7FFFFFFF  }
0xc3: {  	_ =	shalt  }
tec
execute0_lowered:
.L_overlay_start_1:
0x0: {  	(tag) =	ssettag $0x1  }
0x1: {  	s0 =	srdreg.scid;
	s6 =	rddreg [dreg:$0x0]  }
0x2: {  	s2 =	rddreg [dreg:$0x1];
	s3 =	simm.s32 $0x0;
	s14 =	simm.s32 $0x80  }
0x3: {  	s15 =	simm.s32 $0x5000;
	s5 =	sand.u32 $0x1, s0;
	s0 =	stileid.u32  }
0x4: {  	s16 =	simm.s32 $0x1;
	s17 =	simm.s32 $0x0;
	s8 =	smul.u32 $0x1400, s0  }
0x5: {  	[smem:$0x7FF] =	sst s3;
	s1 =	sshll.u32 s5, $0x4;
	s9 =	smul.u32 $0x14000, s5  }
0x6: {  	s5 =	ssub.s32 $0x2, s5;
	s10 =	smul.u32 $0xA000, s0;
	s31 =	sshll.u32 s0, $0x6  }
0x7: {  	s4 =	sor.u32 s0, s1;
	s1 =	rddreg [dreg:$0x2];
	_ =	strace $0x80000053  }
0x8: {  	s29 =	sshrl.u32 s5, $0x1;
	s7 =	smul.u32 $0x500, s4;
	s4 =	sadd.s32 $0x17C00, s6  }
0x9: {  	s28 =	sadd.s32 s8, s9;
	s12 =	ssub.s32 s5, s29;
	s30 =	sshrl.u32 s10, $0x3  }
0xa: {  	s13 =	sadd.s32 s10, s2;
	s9 =	sadd.s32 s28, s6;
	s5 =	sadd.s32 s4, s30  }
0xb: {  	s10 =	smax.u32 s12, $0x1;
	s12 =	simm.s32 $0x2;
	s11 =	sadd.s32 s7, s6  }
0xc: {  	s6 =	sor.u32 $0x1C02, s31;
	s9 =	sadd.s32 $0x2BC00, s9;
	s7 =	sadd.s32 $0xDC00, s11  }
0xd: {  	s8 =	sadd.s32 $0x3C00, s11;
	s11 =	sshrl.u32 s13, $0x3;
	s13 =	simm.s32 $0x2800  }
.LBB2_1:
0xe: {  	[spmem:s11], [sflag:s6] =	dma.local [hbm:s5], $0x1400  }
0xf: {  	_ =	swait.ge [sflag:s12], $0x1400  }
0x10: {  	[sflag:s12] =	ssyncset.done $0x0  }
0x11: {  	[sflag:s12] =	ssyncadd.s32 $0xFFFFEC00  }
0x12: {  	[tilespmem:s3], [sflag:$0x2] =	stream.linear.gather [hbm4b:s7+s3], $0x2800, $0x38;
	[tilespmem:$0x11000] =	vst v63  }
0x13: {  	_ =	swait.ge [sflag:s12], $0x2800  }
0x14: {  	[sflag:s12] =	ssyncset.done $0x0  }
0x15: {  	[sflag:s12] =	ssyncadd.s32 $0xFFFFD800  }
0x16: {  	[tilespmem:s13], [sflag:$0x2] =	stream.linear.gather [hbm4b:s8+s3], $0x2800, $0x38;
	[tilespmem:$0x11000] =	vst v63  }
0x17: {  	_ =	swait.ge [sflag:s12], $0x2800  }
0x18: {  	[sflag:s12] =	ssyncset.done $0x0  }
0x19: {  	[sflag:s12] =	ssyncadd.s32 $0xFFFFD800  }
0x1a: {  	s18 =	simm.s32 $0x0;
	[bflag:$0x0] =	sbarrier.arrive $0xFFFF  }
0x1b: {  	[tilespmem:s15], [sflag:$0x1] =	stream.indirect.gather [hbm4b:s4+s14], $0x40, s18, s14, $0xb8;
	[tilespmem:$0x11000] =	vst v63  }
0x1c: {  	_ =	swait.ge [sflag:s16], $0x2000  }
0x1d: {  	[sflag:s16] =	ssyncset.done $0x0  }
0x1e: {  	s31 =	simm.s32 $0x2800;
	[sflag:s16] =	ssyncadd.s32 $0xFFFFE000  }
0x1f: {  	[spmem:s2] =	stream.indirect.scatter.add.f32 [tilespmem:s15], [sflag:$0x2], $0x40, s31, s14, $0xb8;
	[tilespmem:$0x11000] =	vst v63  }
0x20: {  	_ =	swait.ge [sflag:s12], $0x2000  }
0x21: {  	s19 =	simm.s32 $0x400;
	s18 =	simm.s32 $0x200;
	[sflag:s12] =	ssyncset.done $0x0  }
.LBB2_2:
0x22: {  	s20 =	sshra.s32 s18, $0x2  }
0x23: {  	[sflag:s12] =	ssyncadd.s32 $0xFFFFE000;
	s18 =	smov.u32 s19;
	s21 =	sadd.s32 $0x200, s19  }
0x24: {  	[tilespmem:s15], [sflag:$0x1] =	stream.indirect.gather [hbm4b:s4+s14], $0x40, s20, s14, $0xb8;
	[tilespmem:$0x11000] =	vst v63  }
0x25: {  	p0 =	sne.s32 s19, $0x9E00;
	_ =	swait.ge [sflag:s16], $0x2000  }
.Ltmp0:
0x26: {  	[sflag:s16] =	ssyncset.done $0x0;
	(pc) =	sbr.rel @p0 .LBB2_2-.Ltmp0, $4  }
0x27: {  	s19 =	sadd.s32 $0x2800, s20;
	[sflag:s16] =	ssyncadd.s32 $0xFFFFE000  }
0x28: {  	[spmem:s2] =	stream.indirect.scatter.add.f32 [tilespmem:s15], [sflag:$0x2], $0x40, s19, s14, $0xb8;
	[tilespmem:$0x11000] =	vst v63  }
0x29: {  	_ =	swait.ge [sflag:s12], $0x2000  }
0x2a: {  	s19 =	smov.u32 s21;
	[sflag:s12] =	ssyncset.done $0x0  }
0x2b: {  	s18 =	sshra.s32 s18, $0x2;
	[sflag:s12] =	ssyncadd.s32 $0xFFFFE000  }
0x2c: {  	[tilespmem:s15], [sflag:$0x1] =	stream.indirect.gather [hbm4b:s4+s14], $0x40, s18, s14, $0xb8;
	[tilespmem:$0x11000] =	vst v63  }
0x2d: {  	_ =	swait.ge [sflag:s16], $0x2000  }
0x2e: {  	[sflag:s16] =	ssyncset.done $0x0  }
0x2f: {  	s18 =	sadd.s32 $0x2800, s18;
	[sflag:s16] =	ssyncadd.s32 $0xFFFFE000  }
0x30: {  	[spmem:s2] =	stream.indirect.scatter.add.f32 [tilespmem:s15], [sflag:$0x2], $0x40, s18, s14, $0xb8;
	[tilespmem:$0x11000] =	vst v63  }
0x31: {  	_ =	swait.ge [sflag:s12], $0x2000  }
0x32: {  	s17 =	sadd.s32 $0x1, s17;
	[sflag:s12] =	ssyncset.done $0x0  }
0x33: {  	p0 =	sne.s32 s17, s10;
	[sflag:s12] =	ssyncadd.s32 $0xFFFFE000  }
.Ltmp1:
0x34: {  	[bflag:$0x0] =	sbarrier.arrive $0xFFFF;
	(pc) =	sbr.rel @p0 .LBB2_1-.Ltmp1, $4  }
0x35: {  	[hbm:s9], [sflag:s6] =	dma.local [spmem:s11], $0x1400  }
0x36: {  	_ =	swait.ge [sflag:s12], $0x1400  }
0x37: {  	[sflag:s12] =	ssyncset.done $0x0  }
0x38: {  	[sflag:s12] =	ssyncadd.s32 $0xFFFFEC00  }
0x39: {  	_ =	sfence.sel $0x180000  }
0x3a: {  	[bflag:$0x0] =	sbarrier.arrive $0xFFFF  }
0x3b: {  	p0 =	sne.s32 s0, $0x0;
	_ =	strace $0x90000053  }
0x3c: {  	s0 =	sadd.s32 @!p0 $0x100000, s1;
	[bflag:$0x2] =	sbarrier.arrive $0xFFFF  }
0x3d: {  	[sflag:s0] =	ssyncadd.tile.s32 @!p0 $0x1;
	_ =	shalt  }
.Lfunc_end2:
_tile_overlayer_lowered:
.L_overlay_start_2:
0x3e: {  	(tag) =	ssettag $0x2  }
0x3f: {  	s0 =	rddreg [dreg:$0x0];
	s2 =	stileid.u32  }
0x40: {  	s1 =	rddreg [dreg:$0x1];
	p0 =	sne.s32 s2, $0x0  }
0x41: {  	s3 =	rddreg [dreg:$0x2];
	[bflag:$0x3] =	sbarrier.arrive $0xFFFF;
	s2 =	simm.s32 @!p0 $0x1C02  }
0x42: {  	[timem:s3], [sflag:s2] =	dma.local @!p0 [hbm:s0], s1  }
0x43: {  	s0 =	simm.s32 @!p0 $0x2  }
0x44: {  	_ =	swait.ge @!p0 [sflag:s0], s1  }
0x45: {  	s1 =	ssub.s32 @!p0 $0x0, s1;
	[sflag:s0] =	ssyncset.done @!p0 $0x0  }
0x46: {  	[sflag:s0] =	ssyncadd.s32 @!p0 s1  }
0x47: {  	[bflag:$0x3] =	sbarrier.arrive $0xFFFF  }
0x48: {  	_ =	shalt  }

// kernel: kernel.33.cloned.1.call-start
scs
__scs_entry_jumppad:
0x0: {  	(pc) =	sbr.rel $0x88, $3  }
0x1: {  	(tag) =	ssettag $0x0;
	lr =	simm.s32 $0x1  }
0x2: {  	[smem:$0x3F8E] =	sst lr;
	_ =	strace $0xD0000000  }
0x3: {  	_ = 	snop  }
0x4: {  	_ = 	snop  }
0x5: {  	_ = 	snop  }
0x6: {  	_ = 	snop  }
0x7: {  	_ = 	snop  }
__scs_overlays_trampoline_lowered:
0x8: {  	[smem:$0x3F9D] =	sst s0  }
0x9: {  	[smem:$0x3F9E] =	sst s1  }
0xa: {  	[smem:$0x3F9F] =	sst s2  }
0xb: {  	[smem:$0x3FA0] =	sst s3  }
0xc: {  	[smem:$0x3FA1] =	sst s4  }
0xd: {  	[smem:$0x3FA2] =	sst s5  }
0xe: {  	[smem:$0x3FA3] =	sst s6  }
0xf: {  	[smem:$0x3FA4] =	sst s7  }
0x10: {  	[smem:$0x3FA5] =	sst s8  }
0x11: {  	[smem:$0x3FA6] =	sst s9;
	s0 =	simm.s32 @!p0 $0x0  }
0x12: {  	s1 =	sld [smem:$0x3F8C];
	s0 =	simm.s32 @p0 $0x1  }
0x13: {  	[smem:$0x3FA7] =	sst s0;
	s0 =	simm.s32 @!p1 $0x0  }
0x14: {  	s2 =	sld [smem:$0x3F8B];
	s0 =	simm.s32 @p1 $0x1  }
0x15: {  	[smem:$0x3FA8] =	sst s0;
	s0 =	simm.s32 @!p2 $0x0  }
0x16: {  	s3 =	sld [smem:$0x3FDB];
	s0 =	simm.s32 @p2 $0x1  }
0x17: {  	s4 =	simm.s32 $0x1BF5;
	[smem:$0x3FAA] =	sst s0  }
0x18: {  	s0 =	sld [smem:$0x3F8D];
	_ =	swait.ge [sflag:s4], $0x0  }
0x19: {  	s7 =	sld [smem:$0x3F8E]  }
0x1a: {  	s8 =	sadd.s32 $0xFFFFE003, lr  }
0x1b: {  	s9 =	sadd.s32 $0xFFFFFEF7, lr;
	s5 =	simm.s32 $0xFFFFFFFF;
	p2 =	slt.u32 s8, $0xFFFFF086  }
0x1c: {  	p1 =	slt.u32 s9, $0xF7A;
	s5 =	simm.s32 @!p2 $0x0  }
0x1d: {  	s5 =	simm.s32 @p1 $0x1;
	p0 =	seq.s32 s7, s2  }
0x1e: {  	s7 =	smul.u32 @!p0 $0xF7A, s2;
	p2 =	seq.s32 @!p0 s5, $0x0  }
0x1f: {  	s9 =	smul.u32 $0xF7A, s1;
	s8 =	simm.s32 @!p0 $0x1BF5;
	p2 =	por !p2, p0  }
0x20: {  	[sflag:s8] =	ssyncset.s32 @!p0 $0xFFFFF086;
	s6 =	sadd.s32 @!p0 s3, s7;
	s7 =	simm.s32 @!p0 $0x108  }
0x21: {  	s3 =	sadd.s32 s3, s9;
	s6 =	sadd.s32 @!p0 $0x88, s6;
	s7 =	simm.s32 @p2 $0x1082  }
0x22: {  	[simem:s7], [sflag:s8] =	dma.local @!p0 [hbm:s6], $0xF7A  }
0x23: {  	s9 =	sor.u32 $0xD0000000, s2;
	s6 =	simm.s32 $0x108;
	_ =	swait.ge @!p0 [sflag:s8], $0x0  }
0x24: {  	s3 =	sadd.s32 $0x88, s3;
	s6 =	simm.s32 @!p1 $0x1082;
	[sflag:s4] =	ssyncset.s32 $0xFFFFF086  }
0x25: {  	[simem:s6], [sflag:s4] =	dma.local [hbm:s3], $0xF7A  }
0x26: {  	[smem:$0x3F8E] =	sst s1;
	(tag) =	ssettag s2;
	_ =	strace s9  }
0x27: {  	s1 =	sld [smem:$0x3F9E]  }
0x28: {  	s2 =	sld [smem:$0x3F9F]  }
0x29: {  	s4 =	sld [smem:$0x3FA1]  }
0x2a: {  	p0 =	seq.s32 s5, $0x0;
	s5 =	sld [smem:$0x3FA2]  }
0x2b: {  	s6 =	sld [smem:$0x3FA3]  }
0x2c: {  	s7 =	sld [smem:$0x3FA4]  }
0x2d: {  	s3 =	simm.s32 $0x108;
	s8 =	sld [smem:$0x3FA5]  }
0x2e: {  	s3 =	simm.s32 @!p0 $0x1082;
	s9 =	sld [smem:$0x3FA6]  }
0x2f: {  	lr =	sadd.s32 s0, s3;
	s0 =	sld [smem:$0x3F9D]  }
0x30: {  	s3 =	sld [smem:$0x3FA0]  }
0x31: {  	[smem:$0x3FA9] =	sst s10  }
0x32: {  	s10 =	sld [smem:$0x3FA7];
	_ =	sdelay $0x3  }
0x33: {  	p0 =	seq.s32 s10, $0x1;
	s10 =	sld [smem:$0x3FA9];
	_ =	sdelay $0x3  }
0x34: {  	[smem:$0x3FA9] =	sst s10  }
0x35: {  	s10 =	sld [smem:$0x3FA8];
	_ =	sdelay $0x3  }
0x36: {  	p1 =	seq.s32 s10, $0x1;
	s10 =	sld [smem:$0x3FA9];
	_ =	sdelay $0x3  }
0x37: {  	[smem:$0x3FA9] =	sst s10  }
0x38: {  	s10 =	sld [smem:$0x3FAA]  }
0x39: {  	_ = 	snop;
	(pc) =	sbr.ind lr, $3  }
0x3a: {  	_ = 	snop  }
0x3b: {  	_ = 	snop  }
0x3c: {  	p2 =	seq.s32 s10, $0x1;
	s10 =	sld [smem:$0x3FA9]  }
0x3d: {  	_ =	shalt  }
0x3e: {  	_ =	shalt  }
0x3f: {  	_ =	shalt  }
0x40: {  	_ =	shalt  }
0x41: {  	_ =	shalt  }
0x42: {  	_ =	shalt  }
0x43: {  	_ =	shalt  }
0x44: {  	_ =	shalt  }
0x45: {  	_ =	shalt  }
0x46: {  	_ =	shalt  }
0x47: {  	_ =	shalt  }
0x48: {  	_ =	shalt  }
0x49: {  	_ =	shalt  }
0x4a: {  	_ =	shalt  }
0x4b: {  	_ =	shalt  }
0x4c: {  	_ =	shalt  }
0x4d: {  	_ =	shalt  }
0x4e: {  	_ =	shalt  }
0x4f: {  	_ =	shalt  }
0x50: {  	_ =	shalt  }
0x51: {  	_ =	shalt  }
0x52: {  	_ =	shalt  }
0x53: {  	_ =	shalt  }
0x54: {  	_ =	shalt  }
0x55: {  	_ =	shalt  }
0x56: {  	_ =	shalt  }
0x57: {  	_ =	shalt  }
0x58: {  	_ =	shalt  }
0x59: {  	_ =	shalt  }
0x5a: {  	_ =	shalt  }
0x5b: {  	_ =	shalt  }
0x5c: {  	_ =	shalt  }
0x5d: {  	_ =	shalt  }
0x5e: {  	_ =	shalt  }
0x5f: {  	_ =	shalt  }
0x60: {  	_ =	shalt  }
0x61: {  	_ =	shalt  }
0x62: {  	_ =	shalt  }
0x63: {  	_ =	shalt  }
0x64: {  	_ =	shalt  }
0x65: {  	_ =	shalt  }
0x66: {  	_ =	shalt  }
0x67: {  	_ =	shalt  }
0x68: {  	_ =	shalt  }
0x69: {  	_ =	shalt  }
0x6a: {  	_ =	shalt  }
0x6b: {  	_ =	shalt  }
0x6c: {  	_ =	shalt  }
0x6d: {  	_ =	shalt  }
0x6e: {  	_ =	shalt  }
0x6f: {  	_ =	shalt  }
0x70: {  	_ =	shalt  }
0x71: {  	_ =	shalt  }
0x72: {  	_ =	shalt  }
0x73: {  	_ =	shalt  }
0x74: {  	_ =	shalt  }
0x75: {  	_ =	shalt  }
0x76: {  	_ =	shalt  }
0x77: {  	_ =	shalt  }
0x78: {  	_ =	shalt  }
0x79: {  	_ =	shalt  }
0x7a: {  	_ =	shalt  }
0x7b: {  	_ =	shalt  }
0x7c: {  	_ =	shalt  }
0x7d: {  	_ =	shalt  }
0x7e: {  	_ =	shalt  }
0x7f: {  	_ =	shalt  }
0x80: {  	_ =	shalt  }
0x81: {  	_ =	shalt  }
0x82: {  	_ =	shalt  }
0x83: {  	_ =	shalt  }
0x84: {  	_ =	shalt  }
0x85: {  	_ =	shalt  }
0x86: {  	_ =	shalt  }
0x87: {  	_ =	shalt  }
.Lfunc_end0:
.L_simem_size_0:
called_computation.5_lowered:
.L_overlay_start_0:
0x88: {  	s2 =	sld [smem:$0x3FD9]  }
0x89: {  	s3 =	sld [smem:$0x3FFE];
	_ =	sdelay $0x1  }
0x8a: {  	s1 =	srdreg.scid  }
0x8b: {  	s0 =	sand.u32 $0x1, s1  }
0x8c: {  	s16 =	sshll.u32 s0, $0xA;
	s2 =	sadd.s32 s3, s2  }
0x8d: {  	s2 =	sadd.s32 s2, s16  }
0x8e: {  	[smem:$0x3FB5] =	sst s2  }
0x8f: {  	_ = 	snop  }
0x90: {  	(tm) =	ssettm $0x1  }
0x91: {  	s17 =	sld [smem:$0x3FFB];
	_ =	sdelay $0x3  }
0x92: {  	_ =	strace s17  }
0x93: {  	s2 =	sld [smem:$0x3FFC];
	_ =	sdelay $0x3  }
0x94: {  	_ =	strace s2  }
0x95: {  	s2 =	sld [smem:$0x3FFD];
	_ =	sdelay $0x3  }
0x96: {  	_ =	strace s2  }
0x97: {  	_ =	strace $0x8FFFFFFF  }
0x98: {  	s18 =	sld [smem:$0x3FDB];
	_ =	sdelay $0x1  }
0x99: {  	s19 =	simm.s32 $_scs_section_size  }
0x9a: {  	s4 =	simm.s32 $_size__tile_overlayer_lowered;
	s5 =	simm.s32 $_tile_overlayer_lowered  }
0x9b: {  	s22 =	simm.s32 $0x1BFF;
	s21 =	sshll.u32 s5, $0x1;
	s2 =	sadd.s32 s19, s18  }
0x9c: {  	s6 =	simm.s32 $0x0;
	s20 =	sshll.u32 s4, $0x1;
	s4 =	sadd.s32 s21, s2  }
0x9d: {  	[timem:s6], [sflag:s22] =	dma.local [hbm:s4], s20  }
0x9e: {  	_ =	swait.ge [sflag:s22], s20  }
0x9f: {  	s3 =	ssub.s32 $0x0, s20;
	[sflag:s22] =	ssyncset.done $0x0  }
0xa0: {  	[sflag:s22] =	ssyncadd.s32 s3;
	_ =	sdelay $0x1  }
0xa1: {  	s23 =	simm.s32 $0x1B8B  }
0xa2: {  	_ =	swait.ge [sflag:s23], $0x1  }
0xa3: {  	[sflag:s23] =	ssyncset.done $0x0  }
0xa4: {  	s25 =	simm.s32 $0x1B8E;
	s24 =	sld [smem:$0x3FFE];
	[sflag:s23] =	ssyncadd.s32 $0xFFFFFFFF  }
0xa5: {  	s26 =	simm.s32 $execute0_lowered;
	[smem:$0x3FD2] =	sst s25  }
0xa6: {  	s4 =	sshll.u32 s26, $0x1;
	_ =	strace $0x80000055;
	[dreg:$0x1] =	wrdreg $0xFFFFFFFF  }
0xa7: {  	s28 =	simm.s32 $_size_execute0_lowered;
	s2 =	sadd.s32 s2, s4;
	[dreg:$0x0] =	wrdreg $0x0  }
0xa8: {  	s4 =	sshll.u32 s28, $0x1;
	[dreg:$0x2] =	wrdreg s2  }
0xa9: {  	[dreg:$0x3] =	wrdreg s4  }
0xaa: {  	[dreg:$0x4] =	wrdreg $0xC0  }
0xab: {  	_ =	task [dreg:s6], $0x5FFFF  }
0xac: {  	[dreg:$0x1] =	wrdreg $0xFFFFFFFF  }
0xad: {  	[dreg:$0x0] =	wrdreg $0x60  }
0xae: {  	[dreg:$0x2] =	wrdreg s24  }
0xaf: {  	[dreg:$0x3] =	wrdreg $0x70000  }
0xb0: {  	[dreg:$0x4] =	wrdreg $0x9  }
0xb1: {  	_ =	task.clear_ibuf [dreg:s6], $0x5FFFF;
	_ =	strace $0x90000055  }
0xb2: {  	s29 =	simm.s32 $0x9;
	_ =	strace $0x80000057  }
0xb3: {  	_ =	swait.ge [sflag:s29], $0x1  }
0xb4: {  	[sflag:s29] =	ssyncadd.s32 $0xFFFFFFFF  }
0xb5: {  	_ =	strace $0x90000057  }
0xb6: {  	_ =	sfence  }
0xb7: {  	s30 =	sld [smem:$0x0];
	_ =	sdelay $0x2  }
0xb8: {  	s31 =	sshll.u32 s1, $0xD;
	s1 =	sshrl.u32 s1, $0x2  }
0xb9: {  	s3 =	sand.u32 $0x4000, s31;
	s1 =	sadd.s32 s1, s30  }
0xba: {  	s0 =	sor.u32 s3, s0;
	s1 =	sshll.u32 s1, $0x11  }
0xbb: {  	s0 =	sor.u32 s1, s0  }
0xbc: {  	s0 =	sadd.s32 $0x8F2B, s0  }
0xbd: {  	[sflag:s0] =	ssyncadd.remote.s32 $0x1  }
0xbe: {  	_ =	sfence.sel $0xFFFF  }
0xbf: {  	[dreg:$0x0] =	wrdreg $0xFFFFFFFF;
	(pc) =	sbr.abs _section_cstart, $3  }
0xc0: {  	[dreg:$0x1] =	wrdreg $0xFFFFFFFF  }
0xc1: {  	_ =	task.clear_ibuf [dreg:s6], $0x2FFFF;
	_ =	strace $0x9FFFFFFF  }
0xc2: {  	(tm) =	ssettm $0x7FFFFFFF  }
0xc3: {  	_ =	shalt  }
tec
execute0_lowered:
.L_overlay_start_1:
0x0: {  	(tag) =	ssettag $0x1  }
0x1: {  	s0 =	srdreg.scid;
	s6 =	rddreg [dreg:$0x0]  }
0x2: {  	s2 =	rddreg [dreg:$0x1];
	s3 =	simm.s32 $0x0;
	s14 =	simm.s32 $0x80  }
0x3: {  	s15 =	simm.s32 $0x5000;
	s5 =	sand.u32 $0x1, s0;
	s0 =	stileid.u32  }
0x4: {  	s16 =	simm.s32 $0x1;
	s17 =	simm.s32 $0x0;
	s8 =	smul.u32 $0x1400, s0  }
0x5: {  	[smem:$0x7FF] =	sst s3;
	s1 =	sshll.u32 s5, $0x4;
	s9 =	smul.u32 $0x14000, s5  }
0x6: {  	s5 =	ssub.s32 $0x2, s5;
	s10 =	smul.u32 $0xA000, s0;
	s31 =	sshll.u32 s0, $0x6  }
0x7: {  	s4 =	sor.u32 s0, s1;
	s1 =	rddreg [dreg:$0x2];
	_ =	strace $0x80000056  }
0x8: {  	s29 =	sshrl.u32 s5, $0x1;
	s7 =	smul.u32 $0x500, s4;
	s4 =	sadd.s32 $0x17C00, s6  }
0x9: {  	s28 =	sadd.s32 s8, s9;
	s12 =	ssub.s32 s5, s29;
	s30 =	sshrl.u32 s10, $0x3  }
0xa: {  	s13 =	sadd.s32 s10, s2;
	s9 =	sadd.s32 s28, s6;
	s5 =	sadd.s32 s4, s30  }
0xb: {  	s10 =	smax.u32 s12, $0x1;
	s12 =	simm.s32 $0x2;
	s11 =	sadd.s32 s7, s6  }
0xc: {  	s6 =	sor.u32 $0x1C02, s31;
	s9 =	sadd.s32 $0x2BC00, s9;
	s7 =	sadd.s32 $0xDC00, s11  }
0xd: {  	s8 =	sadd.s32 $0x3C00, s11;
	s11 =	sshrl.u32 s13, $0x3;
	s13 =	simm.s32 $0x2800  }
.LBB2_1:
0xe: {  	[spmem:s11], [sflag:s6] =	dma.local [hbm:s5], $0x1400  }
0xf: {  	_ =	swait.ge [sflag:s12], $0x1400  }
0x10: {  	[sflag:s12] =	ssyncset.done $0x0  }
0x11: {  	[sflag:s12] =	ssyncadd.s32 $0xFFFFEC00  }
0x12: {  	[tilespmem:s3], [sflag:$0x2] =	stream.linear.gather [hbm4b:s7+s3], $0x2800, $0x38;
	[tilespmem:$0x11000] =	vst v63  }
0x13: {  	_ =	swait.ge [sflag:s12], $0x2800  }
0x14: {  	[sflag:s12] =	ssyncset.done $0x0  }
0x15: {  	[sflag:s12] =	ssyncadd.s32 $0xFFFFD800  }
0x16: {  	[tilespmem:s13], [sflag:$0x2] =	stream.linear.gather [hbm4b:s8+s3], $0x2800, $0x38;
	[tilespmem:$0x11000] =	vst v63  }
0x17: {  	_ =	swait.ge [sflag:s12], $0x2800  }
0x18: {  	[sflag:s12] =	ssyncset.done $0x0  }
0x19: {  	[sflag:s12] =	ssyncadd.s32 $0xFFFFD800  }
0x1a: {  	s18 =	simm.s32 $0x0;
	[bflag:$0x0] =	sbarrier.arrive $0xFFFF  }
0x1b: {  	[tilespmem:s15], [sflag:$0x1] =	stream.indirect.gather [hbm4b:s4+s14], $0x40, s18, s14, $0xb8;
	[tilespmem:$0x11000] =	vst v63  }
0x1c: {  	_ =	swait.ge [sflag:s16], $0x2000  }
0x1d: {  	[sflag:s16] =	ssyncset.done $0x0  }
0x1e: {  	s31 =	simm.s32 $0x2800;
	[sflag:s16] =	ssyncadd.s32 $0xFFFFE000  }
0x1f: {  	[spmem:s2] =	stream.indirect.scatter.add.f32 [tilespmem:s15], [sflag:$0x2], $0x40, s31, s14, $0xb8;
	[tilespmem:$0x11000] =	vst v63  }
0x20: {  	_ =	swait.ge [sflag:s12], $0x2000  }
0x21: {  	s19 =	simm.s32 $0x400;
	s18 =	simm.s32 $0x200;
	[sflag:s12] =	ssyncset.done $0x0  }
.LBB2_2:
0x22: {  	s20 =	sshra.s32 s18, $0x2  }
0x23: {  	[sflag:s12] =	ssyncadd.s32 $0xFFFFE000;
	s18 =	smov.u32 s19;
	s21 =	sadd.s32 $0x200, s19  }
0x24: {  	[tilespmem:s15], [sflag:$0x1] =	stream.indirect.gather [hbm4b:s4+s14], $0x40, s20, s14, $0xb8;
	[tilespmem:$0x11000] =	vst v63  }
0x25: {  	p0 =	sne.s32 s19, $0x9E00;
	_ =	swait.ge [sflag:s16], $0x2000  }
.Ltmp0:
0x26: {  	[sflag:s16] =	ssyncset.done $0x0;
	(pc) =	sbr.rel @p0 .LBB2_2-.Ltmp0, $4  }
0x27: {  	s19 =	sadd.s32 $0x2800, s20;
	[sflag:s16] =	ssyncadd.s32 $0xFFFFE000  }
0x28: {  	[spmem:s2] =	stream.indirect.scatter.add.f32 [tilespmem:s15], [sflag:$0x2], $0x40, s19, s14, $0xb8;
	[tilespmem:$0x11000] =	vst v63  }
0x29: {  	_ =	swait.ge [sflag:s12], $0x2000  }
0x2a: {  	s19 =	smov.u32 s21;
	[sflag:s12] =	ssyncset.done $0x0  }
0x2b: {  	s18 =	sshra.s32 s18, $0x2;
	[sflag:s12] =	ssyncadd.s32 $0xFFFFE000  }
0x2c: {  	[tilespmem:s15], [sflag:$0x1] =	stream.indirect.gather [hbm4b:s4+s14], $0x40, s18, s14, $0xb8;
	[tilespmem:$0x11000] =	vst v63  }
0x2d: {  	_ =	swait.ge [sflag:s16], $0x2000  }
0x2e: {  	[sflag:s16] =	ssyncset.done $0x0  }
0x2f: {  	s18 =	sadd.s32 $0x2800, s18;
	[sflag:s16] =	ssyncadd.s32 $0xFFFFE000  }
0x30: {  	[spmem:s2] =	stream.indirect.scatter.add.f32 [tilespmem:s15], [sflag:$0x2], $0x40, s18, s14, $0xb8;
	[tilespmem:$0x11000] =	vst v63  }
0x31: {  	_ =	swait.ge [sflag:s12], $0x2000  }
0x32: {  	s17 =	sadd.s32 $0x1, s17;
	[sflag:s12] =	ssyncset.done $0x0  }
0x33: {  	p0 =	sne.s32 s17, s10;
	[sflag:s12] =	ssyncadd.s32 $0xFFFFE000  }
.Ltmp1:
0x34: {  	[bflag:$0x0] =	sbarrier.arrive $0xFFFF;
	(pc) =	sbr.rel @p0 .LBB2_1-.Ltmp1, $4  }
0x35: {  	[hbm:s9], [sflag:s6] =	dma.local [spmem:s11], $0x1400  }
0x36: {  	_ =	swait.ge [sflag:s12], $0x1400  }
0x37: {  	[sflag:s12] =	ssyncset.done $0x0  }
0x38: {  	[sflag:s12] =	ssyncadd.s32 $0xFFFFEC00  }
0x39: {  	_ =	sfence.sel $0x180000  }
0x3a: {  	[bflag:$0x0] =	sbarrier.arrive $0xFFFF  }
0x3b: {  	p0 =	sne.s32 s0, $0x0;
	_ =	strace $0x90000056  }
0x3c: {  	s0 =	sadd.s32 @!p0 $0x100000, s1;
	[bflag:$0x2] =	sbarrier.arrive $0xFFFF  }
0x3d: {  	[sflag:s0] =	ssyncadd.tile.s32 @!p0 $0x1;
	_ =	shalt  }
.Lfunc_end2:
_tile_overlayer_lowered:
.L_overlay_start_2:
0x3e: {  	(tag) =	ssettag $0x2  }
0x3f: {  	s0 =	rddreg [dreg:$0x0];
	s2 =	stileid.u32  }
0x40: {  	s1 =	rddreg [dreg:$0x1];
	p0 =	sne.s32 s2, $0x0  }
0x41: {  	s3 =	rddreg [dreg:$0x2];
	[bflag:$0x3] =	sbarrier.arrive $0xFFFF;
	s2 =	simm.s32 @!p0 $0x1C02  }
0x42: {  	[timem:s3], [sflag:s2] =	dma.local @!p0 [hbm:s0], s1  }
0x43: {  	s0 =	simm.s32 @!p0 $0x2  }
0x44: {  	_ =	swait.ge @!p0 [sflag:s0], s1  }
0x45: {  	s1 =	ssub.s32 @!p0 $0x0, s1;
	[sflag:s0] =	ssyncset.done @!p0 $0x0  }
0x46: {  	[sflag:s0] =	ssyncadd.s32 @!p0 s1  }
0x47: {  	[bflag:$0x3] =	sbarrier.arrive $0xFFFF  }
0x48: {  	_ =	shalt  }

// kernel: kernel.36.cloned.1.call-start
scs
__scs_entry_jumppad:
0x0: {  	(pc) =	sbr.rel $0x88, $3  }
0x1: {  	(tag) =	ssettag $0x0;
	lr =	simm.s32 $0x1  }
0x2: {  	[smem:$0x3F8E] =	sst lr;
	_ =	strace $0xD0000000  }
0x3: {  	_ = 	snop  }
0x4: {  	_ = 	snop  }
0x5: {  	_ = 	snop  }
0x6: {  	_ = 	snop  }
0x7: {  	_ = 	snop  }
__scs_overlays_trampoline_lowered:
0x8: {  	[smem:$0x3F9D] =	sst s0  }
0x9: {  	[smem:$0x3F9E] =	sst s1  }
0xa: {  	[smem:$0x3F9F] =	sst s2  }
0xb: {  	[smem:$0x3FA0] =	sst s3  }
0xc: {  	[smem:$0x3FA1] =	sst s4  }
0xd: {  	[smem:$0x3FA2] =	sst s5  }
0xe: {  	[smem:$0x3FA3] =	sst s6  }
0xf: {  	[smem:$0x3FA4] =	sst s7  }
0x10: {  	[smem:$0x3FA5] =	sst s8  }
0x11: {  	[smem:$0x3FA6] =	sst s9;
	s0 =	simm.s32 @!p0 $0x0  }
0x12: {  	s1 =	sld [smem:$0x3F8C];
	s0 =	simm.s32 @p0 $0x1  }
0x13: {  	[smem:$0x3FA7] =	sst s0;
	s0 =	simm.s32 @!p1 $0x0  }
0x14: {  	s2 =	sld [smem:$0x3F8B];
	s0 =	simm.s32 @p1 $0x1  }
0x15: {  	[smem:$0x3FA8] =	sst s0;
	s0 =	simm.s32 @!p2 $0x0  }
0x16: {  	s3 =	sld [smem:$0x3FDB];
	s0 =	simm.s32 @p2 $0x1  }
0x17: {  	s4 =	simm.s32 $0x1BF5;
	[smem:$0x3FAA] =	sst s0  }
0x18: {  	s0 =	sld [smem:$0x3F8D];
	_ =	swait.ge [sflag:s4], $0x0  }
0x19: {  	s7 =	sld [smem:$0x3F8E]  }
0x1a: {  	s8 =	sadd.s32 $0xFFFFE003, lr  }
0x1b: {  	s9 =	sadd.s32 $0xFFFFFEF7, lr;
	s5 =	simm.s32 $0xFFFFFFFF;
	p2 =	slt.u32 s8, $0xFFFFF086  }
0x1c: {  	p1 =	slt.u32 s9, $0xF7A;
	s5 =	simm.s32 @!p2 $0x0  }
0x1d: {  	s5 =	simm.s32 @p1 $0x1;
	p0 =	seq.s32 s7, s2  }
0x1e: {  	s7 =	smul.u32 @!p0 $0xF7A, s2;
	p2 =	seq.s32 @!p0 s5, $0x0  }
0x1f: {  	s9 =	smul.u32 $0xF7A, s1;
	s8 =	simm.s32 @!p0 $0x1BF5;
	p2 =	por !p2, p0  }
0x20: {  	[sflag:s8] =	ssyncset.s32 @!p0 $0xFFFFF086;
	s6 =	sadd.s32 @!p0 s3, s7;
	s7 =	simm.s32 @!p0 $0x108  }
0x21: {  	s3 =	sadd.s32 s3, s9;
	s6 =	sadd.s32 @!p0 $0x88, s6;
	s7 =	simm.s32 @p2 $0x1082  }
0x22: {  	[simem:s7], [sflag:s8] =	dma.local @!p0 [hbm:s6], $0xF7A  }
0x23: {  	s9 =	sor.u32 $0xD0000000, s2;
	s6 =	simm.s32 $0x108;
	_ =	swait.ge @!p0 [sflag:s8], $0x0  }
0x24: {  	s3 =	sadd.s32 $0x88, s3;
	s6 =	simm.s32 @!p1 $0x1082;
	[sflag:s4] =	ssyncset.s32 $0xFFFFF086  }
0x25: {  	[simem:s6], [sflag:s4] =	dma.local [hbm:s3], $0xF7A  }
0x26: {  	[smem:$0x3F8E] =	sst s1;
	(tag) =	ssettag s2;
	_ =	strace s9  }
0x27: {  	s1 =	sld [smem:$0x3F9E]  }
0x28: {  	s2 =	sld [smem:$0x3F9F]  }
0x29: {  	s4 =	sld [smem:$0x3FA1]  }
0x2a: {  	p0 =	seq.s32 s5, $0x0;
	s5 =	sld [smem:$0x3FA2]  }
0x2b: {  	s6 =	sld [smem:$0x3FA3]  }
0x2c: {  	s7 =	sld [smem:$0x3FA4]  }
0x2d: {  	s3 =	simm.s32 $0x108;
	s8 =	sld [smem:$0x3FA5]  }
0x2e: {  	s3 =	simm.s32 @!p0 $0x1082;
	s9 =	sld [smem:$0x3FA6]  }
0x2f: {  	lr =	sadd.s32 s0, s3;
	s0 =	sld [smem:$0x3F9D]  }
0x30: {  	s3 =	sld [smem:$0x3FA0]  }
0x31: {  	[smem:$0x3FA9] =	sst s10  }
0x32: {  	s10 =	sld [smem:$0x3FA7];
	_ =	sdelay $0x3  }
0x33: {  	p0 =	seq.s32 s10, $0x1;
	s10 =	sld [smem:$0x3FA9];
	_ =	sdelay $0x3  }
0x34: {  	[smem:$0x3FA9] =	sst s10  }
0x35: {  	s10 =	sld [smem:$0x3FA8];
	_ =	sdelay $0x3  }
0x36: {  	p1 =	seq.s32 s10, $0x1;
	s10 =	sld [smem:$0x3FA9];
	_ =	sdelay $0x3  }
0x37: {  	[smem:$0x3FA9] =	sst s10  }
0x38: {  	s10 =	sld [smem:$0x3FAA]  }
0x39: {  	_ = 	snop;
	(pc) =	sbr.ind lr, $3  }
0x3a: {  	_ = 	snop  }
0x3b: {  	_ = 	snop  }
0x3c: {  	p2 =	seq.s32 s10, $0x1;
	s10 =	sld [smem:$0x3FA9]  }
0x3d: {  	_ =	shalt  }
0x3e: {  	_ =	shalt  }
0x3f: {  	_ =	shalt  }
0x40: {  	_ =	shalt  }
0x41: {  	_ =	shalt  }
0x42: {  	_ =	shalt  }
0x43: {  	_ =	shalt  }
0x44: {  	_ =	shalt  }
0x45: {  	_ =	shalt  }
0x46: {  	_ =	shalt  }
0x47: {  	_ =	shalt  }
0x48: {  	_ =	shalt  }
0x49: {  	_ =	shalt  }
0x4a: {  	_ =	shalt  }
0x4b: {  	_ =	shalt  }
0x4c: {  	_ =	shalt  }
0x4d: {  	_ =	shalt  }
0x4e: {  	_ =	shalt  }
0x4f: {  	_ =	shalt  }
0x50: {  	_ =	shalt  }
0x51: {  	_ =	shalt  }
0x52: {  	_ =	shalt  }
0x53: {  	_ =	shalt  }
0x54: {  	_ =	shalt  }
0x55: {  	_ =	shalt  }
0x56: {  	_ =	shalt  }
0x57: {  	_ =	shalt  }
0x58: {  	_ =	shalt  }
0x59: {  	_ =	shalt  }
0x5a: {  	_ =	shalt  }
0x5b: {  	_ =	shalt  }
0x5c: {  	_ =	shalt  }
0x5d: {  	_ =	shalt  }
0x5e: {  	_ =	shalt  }
0x5f: {  	_ =	shalt  }
0x60: {  	_ =	shalt  }
0x61: {  	_ =	shalt  }
0x62: {  	_ =	shalt  }
0x63: {  	_ =	shalt  }
0x64: {  	_ =	shalt  }
0x65: {  	_ =	shalt  }
0x66: {  	_ =	shalt  }
0x67: {  	_ =	shalt  }
0x68: {  	_ =	shalt  }
0x69: {  	_ =	shalt  }
0x6a: {  	_ =	shalt  }
0x6b: {  	_ =	shalt  }
0x6c: {  	_ =	shalt  }
0x6d: {  	_ =	shalt  }
0x6e: {  	_ =	shalt  }
0x6f: {  	_ =	shalt  }
0x70: {  	_ =	shalt  }
0x71: {  	_ =	shalt  }
0x72: {  	_ =	shalt  }
0x73: {  	_ =	shalt  }
0x74: {  	_ =	shalt  }
0x75: {  	_ =	shalt  }
0x76: {  	_ =	shalt  }
0x77: {  	_ =	shalt  }
0x78: {  	_ =	shalt  }
0x79: {  	_ =	shalt  }
0x7a: {  	_ =	shalt  }
0x7b: {  	_ =	shalt  }
0x7c: {  	_ =	shalt  }
0x7d: {  	_ =	shalt  }
0x7e: {  	_ =	shalt  }
0x7f: {  	_ =	shalt  }
0x80: {  	_ =	shalt  }
0x81: {  	_ =	shalt  }
0x82: {  	_ =	shalt  }
0x83: {  	_ =	shalt  }
0x84: {  	_ =	shalt  }
0x85: {  	_ =	shalt  }
0x86: {  	_ =	shalt  }
0x87: {  	_ =	shalt  }
.Lfunc_end0:
.L_simem_size_0:
called_computation.6_lowered:
.L_overlay_start_0:
0x88: {  	s2 =	sld [smem:$0x3FD9]  }
0x89: {  	s3 =	sld [smem:$0x3FFE];
	_ =	sdelay $0x1  }
0x8a: {  	s1 =	srdreg.scid  }
0x8b: {  	s0 =	sand.u32 $0x1, s1  }
0x8c: {  	s16 =	sshll.u32 s0, $0xA;
	s2 =	sadd.s32 s3, s2  }
0x8d: {  	s2 =	sadd.s32 s2, s16  }
0x8e: {  	[smem:$0x3FB5] =	sst s2  }
0x8f: {  	_ = 	snop  }
0x90: {  	(tm) =	ssettm $0x1  }
0x91: {  	s17 =	sld [smem:$0x3FFB];
	_ =	sdelay $0x3  }
0x92: {  	_ =	strace s17  }
0x93: {  	s2 =	sld [smem:$0x3FFC];
	_ =	sdelay $0x3  }
0x94: {  	_ =	strace s2  }
0x95: {  	s2 =	sld [smem:$0x3FFD];
	_ =	sdelay $0x3  }
0x96: {  	_ =	strace s2  }
0x97: {  	_ =	strace $0x8FFFFFFF  }
0x98: {  	s18 =	sld [smem:$0x3FDB];
	_ =	sdelay $0x1  }
0x99: {  	s19 =	simm.s32 $_scs_section_size  }
0x9a: {  	s4 =	simm.s32 $_size__tile_overlayer_lowered;
	s5 =	simm.s32 $_tile_overlayer_lowered  }
0x9b: {  	s22 =	simm.s32 $0x1BFF;
	s21 =	sshll.u32 s5, $0x1;
	s2 =	sadd.s32 s19, s18  }
0x9c: {  	s6 =	simm.s32 $0x0;
	s20 =	sshll.u32 s4, $0x1;
	s4 =	sadd.s32 s21, s2  }
0x9d: {  	[timem:s6], [sflag:s22] =	dma.local [hbm:s4], s20  }
0x9e: {  	_ =	swait.ge [sflag:s22], s20  }
0x9f: {  	s3 =	ssub.s32 $0x0, s20;
	[sflag:s22] =	ssyncset.done $0x0  }
0xa0: {  	[sflag:s22] =	ssyncadd.s32 s3;
	_ =	sdelay $0x1  }
0xa1: {  	s23 =	simm.s32 $0x1B8B  }
0xa2: {  	_ =	swait.ge [sflag:s23], $0x1  }
0xa3: {  	[sflag:s23] =	ssyncset.done $0x0  }
0xa4: {  	s25 =	simm.s32 $0x1B8E;
	s24 =	sld [smem:$0x3FFE];
	[sflag:s23] =	ssyncadd.s32 $0xFFFFFFFF  }
0xa5: {  	s26 =	simm.s32 $execute0_lowered;
	[smem:$0x3FD2] =	sst s25  }
0xa6: {  	s4 =	sshll.u32 s26, $0x1;
	_ =	strace $0x80000058;
	[dreg:$0x1] =	wrdreg $0xFFFFFFFF  }
0xa7: {  	s28 =	simm.s32 $_size_execute0_lowered;
	s2 =	sadd.s32 s2, s4;
	[dreg:$0x0] =	wrdreg $0x0  }
0xa8: {  	s4 =	sshll.u32 s28, $0x1;
	[dreg:$0x2] =	wrdreg s2  }
0xa9: {  	[dreg:$0x3] =	wrdreg s4  }
0xaa: {  	[dreg:$0x4] =	wrdreg $0xC0  }
0xab: {  	_ =	task [dreg:s6], $0x5FFFF  }
0xac: {  	[dreg:$0x1] =	wrdreg $0xFFFFFFFF  }
0xad: {  	[dreg:$0x0] =	wrdreg $0x60  }
0xae: {  	[dreg:$0x2] =	wrdreg s24  }
0xaf: {  	[dreg:$0x3] =	wrdreg $0x60000  }
0xb0: {  	[dreg:$0x4] =	wrdreg $0x9  }
0xb1: {  	_ =	task.clear_ibuf [dreg:s6], $0x5FFFF;
	_ =	strace $0x90000058  }
0xb2: {  	s29 =	simm.s32 $0x9;
	_ =	strace $0x8000005A  }
0xb3: {  	_ =	swait.ge [sflag:s29], $0x1  }
0xb4: {  	[sflag:s29] =	ssyncadd.s32 $0xFFFFFFFF  }
0xb5: {  	_ =	strace $0x9000005A  }
0xb6: {  	_ =	sfence  }
0xb7: {  	s30 =	sld [smem:$0x0];
	_ =	sdelay $0x2  }
0xb8: {  	s31 =	sshll.u32 s1, $0xD;
	s1 =	sshrl.u32 s1, $0x2  }
0xb9: {  	s3 =	sand.u32 $0x4000, s31;
	s1 =	sadd.s32 s1, s30  }
0xba: {  	s0 =	sor.u32 s3, s0;
	s1 =	sshll.u32 s1, $0x11  }
0xbb: {  	s0 =	sor.u32 s1, s0  }
0xbc: {  	s0 =	sadd.s32 $0x8F2B, s0  }
0xbd: {  	[sflag:s0] =	ssyncadd.remote.s32 $0x1  }
0xbe: {  	_ =	sfence.sel $0xFFFF  }
0xbf: {  	[dreg:$0x0] =	wrdreg $0xFFFFFFFF;
	(pc) =	sbr.abs _section_cstart, $3  }
0xc0: {  	[dreg:$0x1] =	wrdreg $0xFFFFFFFF  }
0xc1: {  	_ =	task.clear_ibuf [dreg:s6], $0x2FFFF;
	_ =	strace $0x9FFFFFFF  }
0xc2: {  	(tm) =	ssettm $0x7FFFFFFF  }
0xc3: {  	_ =	shalt  }
tec
execute0_lowered:
.L_overlay_start_1:
0x0: {  	(tag) =	ssettag $0x1  }
0x1: {  	s0 =	srdreg.scid;
	s6 =	rddreg [dreg:$0x0]  }
0x2: {  	s2 =	rddreg [dreg:$0x1];
	s3 =	simm.s32 $0x0;
	s14 =	simm.s32 $0x80  }
0x3: {  	s15 =	simm.s32 $0x5000;
	s5 =	sand.u32 $0x1, s0;
	s0 =	stileid.u32  }
0x4: {  	s16 =	simm.s32 $0x1;
	s17 =	simm.s32 $0x0;
	s8 =	smul.u32 $0xA00, s0  }
0x5: {  	[smem:$0x7FF] =	sst s3;
	s1 =	sshll.u32 s5, $0x4;
	s9 =	smul.u32 $0xA000, s5  }
0x6: {  	s5 =	ssub.s32 $0x2, s5;
	s10 =	smul.u32 $0x5000, s0;
	s31 =	sshll.u32 s0, $0x6  }
0x7: {  	s4 =	sor.u32 s0, s1;
	s1 =	rddreg [dreg:$0x2];
	_ =	strace $0x80000059  }
0x8: {  	s29 =	sshrl.u32 s5, $0x1;
	s7 =	smul.u32 $0x500, s4;
	s4 =	sadd.s32 $0x17C00, s6  }
0x9: {  	s28 =	sadd.s32 s8, s9;
	s12 =	ssub.s32 s5, s29;
	s30 =	sshrl.u32 s10, $0x3  }
0xa: {  	s13 =	sadd.s32 s10, s2;
	s9 =	sadd.s32 s28, s6;
	s5 =	sadd.s32 s4, s30  }
0xb: {  	s10 =	smax.u32 s12, $0x1;
	s12 =	simm.s32 $0x2;
	s11 =	sadd.s32 s7, s6  }
0xc: {  	s6 =	sor.u32 $0x1C02, s31;
	s9 =	sadd.s32 $0x21C00, s9;
	s7 =	sadd.s32 $0xDC00, s11  }
0xd: {  	s8 =	sadd.s32 $0x3C00, s11;
	s11 =	sshrl.u32 s13, $0x3;
	s13 =	simm.s32 $0x2800  }
.LBB2_1:
0xe: {  	[spmem:s11], [sflag:s6] =	dma.local [hbm:s5], $0xA00  }
0xf: {  	_ =	swait.ge [sflag:s12], $0xA00  }
0x10: {  	[sflag:s12] =	ssyncset.done $0x0  }
0x11: {  	[sflag:s12] =	ssyncadd.s32 $0xFFFFF600  }
0x12: {  	[tilespmem:s3], [sflag:$0x2] =	stream.linear.gather [hbm4b:s7+s3], $0x2800, $0x38;
	[tilespmem:$0xB000] =	vst v63  }
0x13: {  	_ =	swait.ge [sflag:s12], $0x2800  }
0x14: {  	[sflag:s12] =	ssyncset.done $0x0  }
0x15: {  	[sflag:s12] =	ssyncadd.s32 $0xFFFFD800  }
0x16: {  	[tilespmem:s13], [sflag:$0x2] =	stream.linear.gather [hbm4b:s8+s3], $0x2800, $0x38;
	[tilespmem:$0xB000] =	vst v63  }
0x17: {  	_ =	swait.ge [sflag:s12], $0x2800  }
0x18: {  	[sflag:s12] =	ssyncset.done $0x0  }
0x19: {  	[sflag:s12] =	ssyncadd.s32 $0xFFFFD800  }
0x1a: {  	s18 =	simm.s32 $0x0;
	[bflag:$0x0] =	sbarrier.arrive $0xFFFF  }
0x1b: {  	[tilespmem:s15], [sflag:$0x1] =	stream.indirect.gather [hbm4b:s4+s14], $0x20, s18, s14, $0xb8;
	[tilespmem:$0xB000] =	vst v63  }
0x1c: {  	_ =	swait.ge [sflag:s16], $0x1000  }
0x1d: {  	[sflag:s16] =	ssyncset.done $0x0  }
0x1e: {  	s31 =	simm.s32 $0x2800;
	[sflag:s16] =	ssyncadd.s32 $0xFFFFF000  }
0x1f: {  	[spmem:s2] =	stream.indirect.scatter.add.f32 [tilespmem:s15], [sflag:$0x2], $0x20, s31, s14, $0xb8;
	[tilespmem:$0xB000] =	vst v63  }
0x20: {  	_ =	swait.ge [sflag:s12], $0x1000  }
0x21: {  	s19 =	simm.s32 $0x400;
	s18 =	simm.s32 $0x200;
	[sflag:s12] =	ssyncset.done $0x0  }
.LBB2_2:
0x22: {  	s20 =	sshra.s32 s18, $0x2  }
0x23: {  	[sflag:s12] =	ssyncadd.s32 $0xFFFFF000;
	s18 =	smov.u32 s19;
	s21 =	sadd.s32 $0x200, s19  }
0x24: {  	[tilespmem:s15], [sflag:$0x1] =	stream.indirect.gather [hbm4b:s4+s14], $0x20, s20, s14, $0xb8;
	[tilespmem:$0xB000] =	vst v63  }
0x25: {  	p0 =	sne.s32 s19, $0x9E00;
	_ =	swait.ge [sflag:s16], $0x1000  }
.Ltmp0:
0x26: {  	[sflag:s16] =	ssyncset.done $0x0;
	(pc) =	sbr.rel @p0 .LBB2_2-.Ltmp0, $4  }
0x27: {  	s19 =	sadd.s32 $0x2800, s20;
	[sflag:s16] =	ssyncadd.s32 $0xFFFFF000  }
0x28: {  	[spmem:s2] =	stream.indirect.scatter.add.f32 [tilespmem:s15], [sflag:$0x2], $0x20, s19, s14, $0xb8;
	[tilespmem:$0xB000] =	vst v63  }
0x29: {  	_ =	swait.ge [sflag:s12], $0x1000  }
0x2a: {  	s19 =	smov.u32 s21;
	[sflag:s12] =	ssyncset.done $0x0  }
0x2b: {  	s18 =	sshra.s32 s18, $0x2;
	[sflag:s12] =	ssyncadd.s32 $0xFFFFF000  }
0x2c: {  	[tilespmem:s15], [sflag:$0x1] =	stream.indirect.gather [hbm4b:s4+s14], $0x20, s18, s14, $0xb8;
	[tilespmem:$0xB000] =	vst v63  }
0x2d: {  	_ =	swait.ge [sflag:s16], $0x1000  }
0x2e: {  	[sflag:s16] =	ssyncset.done $0x0  }
0x2f: {  	s18 =	sadd.s32 $0x2800, s18;
	[sflag:s16] =	ssyncadd.s32 $0xFFFFF000  }
0x30: {  	[spmem:s2] =	stream.indirect.scatter.add.f32 [tilespmem:s15], [sflag:$0x2], $0x20, s18, s14, $0xb8;
	[tilespmem:$0xB000] =	vst v63  }
0x31: {  	_ =	swait.ge [sflag:s12], $0x1000  }
0x32: {  	s17 =	sadd.s32 $0x1, s17;
	[sflag:s12] =	ssyncset.done $0x0  }
0x33: {  	p0 =	sne.s32 s17, s10;
	[sflag:s12] =	ssyncadd.s32 $0xFFFFF000  }
.Ltmp1:
0x34: {  	[bflag:$0x0] =	sbarrier.arrive $0xFFFF;
	(pc) =	sbr.rel @p0 .LBB2_1-.Ltmp1, $4  }
0x35: {  	[hbm:s9], [sflag:s6] =	dma.local [spmem:s11], $0xA00  }
0x36: {  	_ =	swait.ge [sflag:s12], $0xA00  }
0x37: {  	[sflag:s12] =	ssyncset.done $0x0  }
0x38: {  	[sflag:s12] =	ssyncadd.s32 $0xFFFFF600  }
0x39: {  	_ =	sfence.sel $0x180000  }
0x3a: {  	[bflag:$0x0] =	sbarrier.arrive $0xFFFF  }
0x3b: {  	p0 =	sne.s32 s0, $0x0;
	_ =	strace $0x90000059  }
0x3c: {  	s0 =	sadd.s32 @!p0 $0x100000, s1;
	[bflag:$0x2] =	sbarrier.arrive $0xFFFF  }
0x3d: {  	[sflag:s0] =	ssyncadd.tile.s32 @!p0 $0x1;
	_ =	shalt  }
.Lfunc_end2:
_tile_overlayer_lowered:
.L_overlay_start_2:
0x3e: {  	(tag) =	ssettag $0x2  }
0x3f: {  	s0 =	rddreg [dreg:$0x0];
	s2 =	stileid.u32  }
0x40: {  	s1 =	rddreg [dreg:$0x1];
	p0 =	sne.s32 s2, $0x0  }
0x41: {  	s3 =	rddreg [dreg:$0x2];
	[bflag:$0x3] =	sbarrier.arrive $0xFFFF;
	s2 =	simm.s32 @!p0 $0x1C02  }
0x42: {  	[timem:s3], [sflag:s2] =	dma.local @!p0 [hbm:s0], s1  }
0x43: {  	s0 =	simm.s32 @!p0 $0x2  }
0x44: {  	_ =	swait.ge @!p0 [sflag:s0], s1  }
0x45: {  	s1 =	ssub.s32 @!p0 $0x0, s1;
	[sflag:s0] =	ssyncset.done @!p0 $0x0  }
0x46: {  	[sflag:s0] =	ssyncadd.s32 @!p0 s1  }
0x47: {  	[bflag:$0x3] =	sbarrier.arrive $0xFFFF  }
0x48: {  	_ =	shalt  }

// kernel: kernel.39.cloned.1.call-start
scs
__scs_entry_jumppad:
0x0: {  	(pc) =	sbr.rel $0x88, $3  }
0x1: {  	(tag) =	ssettag $0x0;
	lr =	simm.s32 $0x1  }
0x2: {  	[smem:$0x3F8E] =	sst lr;
	_ =	strace $0xD0000000  }
0x3: {  	_ = 	snop  }
0x4: {  	_ = 	snop  }
0x5: {  	_ = 	snop  }
0x6: {  	_ = 	snop  }
0x7: {  	_ = 	snop  }
__scs_overlays_trampoline_lowered:
0x8: {  	[smem:$0x3F9D] =	sst s0  }
0x9: {  	[smem:$0x3F9E] =	sst s1  }
0xa: {  	[smem:$0x3F9F] =	sst s2  }
0xb: {  	[smem:$0x3FA0] =	sst s3  }
0xc: {  	[smem:$0x3FA1] =	sst s4  }
0xd: {  	[smem:$0x3FA2] =	sst s5  }
0xe: {  	[smem:$0x3FA3] =	sst s6  }
0xf: {  	[smem:$0x3FA4] =	sst s7  }
0x10: {  	[smem:$0x3FA5] =	sst s8  }
0x11: {  	[smem:$0x3FA6] =	sst s9;
	s0 =	simm.s32 @!p0 $0x0  }
0x12: {  	s1 =	sld [smem:$0x3F8C];
	s0 =	simm.s32 @p0 $0x1  }
0x13: {  	[smem:$0x3FA7] =	sst s0;
	s0 =	simm.s32 @!p1 $0x0  }
0x14: {  	s2 =	sld [smem:$0x3F8B];
	s0 =	simm.s32 @p1 $0x1  }
0x15: {  	[smem:$0x3FA8] =	sst s0;
	s0 =	simm.s32 @!p2 $0x0  }
0x16: {  	s3 =	sld [smem:$0x3FDB];
	s0 =	simm.s32 @p2 $0x1  }
0x17: {  	s4 =	simm.s32 $0x1BF5;
	[smem:$0x3FAA] =	sst s0  }
0x18: {  	s0 =	sld [smem:$0x3F8D];
	_ =	swait.ge [sflag:s4], $0x0  }
0x19: {  	s7 =	sld [smem:$0x3F8E]  }
0x1a: {  	s8 =	sadd.s32 $0xFFFFE003, lr  }
0x1b: {  	s9 =	sadd.s32 $0xFFFFFEF7, lr;
	s5 =	simm.s32 $0xFFFFFFFF;
	p2 =	slt.u32 s8, $0xFFFFF086  }
0x1c: {  	p1 =	slt.u32 s9, $0xF7A;
	s5 =	simm.s32 @!p2 $0x0  }
0x1d: {  	s5 =	simm.s32 @p1 $0x1;
	p0 =	seq.s32 s7, s2  }
0x1e: {  	s7 =	smul.u32 @!p0 $0xF7A, s2;
	p2 =	seq.s32 @!p0 s5, $0x0  }
0x1f: {  	s9 =	smul.u32 $0xF7A, s1;
	s8 =	simm.s32 @!p0 $0x1BF5;
	p2 =	por !p2, p0  }
0x20: {  	[sflag:s8] =	ssyncset.s32 @!p0 $0xFFFFF086;
	s6 =	sadd.s32 @!p0 s3, s7;
	s7 =	simm.s32 @!p0 $0x108  }
0x21: {  	s3 =	sadd.s32 s3, s9;
	s6 =	sadd.s32 @!p0 $0x88, s6;
	s7 =	simm.s32 @p2 $0x1082  }
0x22: {  	[simem:s7], [sflag:s8] =	dma.local @!p0 [hbm:s6], $0xF7A  }
0x23: {  	s9 =	sor.u32 $0xD0000000, s2;
	s6 =	simm.s32 $0x108;
	_ =	swait.ge @!p0 [sflag:s8], $0x0  }
0x24: {  	s3 =	sadd.s32 $0x88, s3;
	s6 =	simm.s32 @!p1 $0x1082;
	[sflag:s4] =	ssyncset.s32 $0xFFFFF086  }
0x25: {  	[simem:s6], [sflag:s4] =	dma.local [hbm:s3], $0xF7A  }
0x26: {  	[smem:$0x3F8E] =	sst s1;
	(tag) =	ssettag s2;
	_ =	strace s9  }
0x27: {  	s1 =	sld [smem:$0x3F9E]  }
0x28: {  	s2 =	sld [smem:$0x3F9F]  }
0x29: {  	s4 =	sld [smem:$0x3FA1]  }
0x2a: {  	p0 =	seq.s32 s5, $0x0;
	s5 =	sld [smem:$0x3FA2]  }
0x2b: {  	s6 =	sld [smem:$0x3FA3]  }
0x2c: {  	s7 =	sld [smem:$0x3FA4]  }
0x2d: {  	s3 =	simm.s32 $0x108;
	s8 =	sld [smem:$0x3FA5]  }
0x2e: {  	s3 =	simm.s32 @!p0 $0x1082;
	s9 =	sld [smem:$0x3FA6]  }
0x2f: {  	lr =	sadd.s32 s0, s3;
	s0 =	sld [smem:$0x3F9D]  }
0x30: {  	s3 =	sld [smem:$0x3FA0]  }
0x31: {  	[smem:$0x3FA9] =	sst s10  }
0x32: {  	s10 =	sld [smem:$0x3FA7];
	_ =	sdelay $0x3  }
0x33: {  	p0 =	seq.s32 s10, $0x1;
	s10 =	sld [smem:$0x3FA9];
	_ =	sdelay $0x3  }
0x34: {  	[smem:$0x3FA9] =	sst s10  }
0x35: {  	s10 =	sld [smem:$0x3FA8];
	_ =	sdelay $0x3  }
0x36: {  	p1 =	seq.s32 s10, $0x1;
	s10 =	sld [smem:$0x3FA9];
	_ =	sdelay $0x3  }
0x37: {  	[smem:$0x3FA9] =	sst s10  }
0x38: {  	s10 =	sld [smem:$0x3FAA]  }
0x39: {  	_ = 	snop;
	(pc) =	sbr.ind lr, $3  }
0x3a: {  	_ = 	snop  }
0x3b: {  	_ = 	snop  }
0x3c: {  	p2 =	seq.s32 s10, $0x1;
	s10 =	sld [smem:$0x3FA9]  }
0x3d: {  	_ =	shalt  }
0x3e: {  	_ =	shalt  }
0x3f: {  	_ =	shalt  }
0x40: {  	_ =	shalt  }
0x41: {  	_ =	shalt  }
0x42: {  	_ =	shalt  }
0x43: {  	_ =	shalt  }
0x44: {  	_ =	shalt  }
0x45: {  	_ =	shalt  }
0x46: {  	_ =	shalt  }
0x47: {  	_ =	shalt  }
0x48: {  	_ =	shalt  }
0x49: {  	_ =	shalt  }
0x4a: {  	_ =	shalt  }
0x4b: {  	_ =	shalt  }
0x4c: {  	_ =	shalt  }
0x4d: {  	_ =	shalt  }
0x4e: {  	_ =	shalt  }
0x4f: {  	_ =	shalt  }
0x50: {  	_ =	shalt  }
0x51: {  	_ =	shalt  }
0x52: {  	_ =	shalt  }
0x53: {  	_ =	shalt  }
0x54: {  	_ =	shalt  }
0x55: {  	_ =	shalt  }
0x56: {  	_ =	shalt  }
0x57: {  	_ =	shalt  }
0x58: {  	_ =	shalt  }
0x59: {  	_ =	shalt  }
0x5a: {  	_ =	shalt  }
0x5b: {  	_ =	shalt  }
0x5c: {  	_ =	shalt  }
0x5d: {  	_ =	shalt  }
0x5e: {  	_ =	shalt  }
0x5f: {  	_ =	shalt  }
0x60: {  	_ =	shalt  }
0x61: {  	_ =	shalt  }
0x62: {  	_ =	shalt  }
0x63: {  	_ =	shalt  }
0x64: {  	_ =	shalt  }
0x65: {  	_ =	shalt  }
0x66: {  	_ =	shalt  }
0x67: {  	_ =	shalt  }
0x68: {  	_ =	shalt  }
0x69: {  	_ =	shalt  }
0x6a: {  	_ =	shalt  }
0x6b: {  	_ =	shalt  }
0x6c: {  	_ =	shalt  }
0x6d: {  	_ =	shalt  }
0x6e: {  	_ =	shalt  }
0x6f: {  	_ =	shalt  }
0x70: {  	_ =	shalt  }
0x71: {  	_ =	shalt  }
0x72: {  	_ =	shalt  }
0x73: {  	_ =	shalt  }
0x74: {  	_ =	shalt  }
0x75: {  	_ =	shalt  }
0x76: {  	_ =	shalt  }
0x77: {  	_ =	shalt  }
0x78: {  	_ =	shalt  }
0x79: {  	_ =	shalt  }
0x7a: {  	_ =	shalt  }
0x7b: {  	_ =	shalt  }
0x7c: {  	_ =	shalt  }
0x7d: {  	_ =	shalt  }
0x7e: {  	_ =	shalt  }
0x7f: {  	_ =	shalt  }
0x80: {  	_ =	shalt  }
0x81: {  	_ =	shalt  }
0x82: {  	_ =	shalt  }
0x83: {  	_ =	shalt  }
0x84: {  	_ =	shalt  }
0x85: {  	_ =	shalt  }
0x86: {  	_ =	shalt  }
0x87: {  	_ =	shalt  }
.Lfunc_end0:
.L_simem_size_0:
called_computation.7_lowered:
.L_overlay_start_0:
0x88: {  	s2 =	sld [smem:$0x3FD9]  }
0x89: {  	s3 =	sld [smem:$0x3FFE];
	_ =	sdelay $0x1  }
0x8a: {  	s1 =	srdreg.scid  }
0x8b: {  	s0 =	sand.u32 $0x1, s1  }
0x8c: {  	s16 =	sshll.u32 s0, $0xA;
	s2 =	sadd.s32 s3, s2  }
0x8d: {  	s2 =	sadd.s32 s2, s16  }
0x8e: {  	[smem:$0x3FB5] =	sst s2  }
0x8f: {  	_ = 	snop  }
0x90: {  	(tm) =	ssettm $0x1  }
0x91: {  	s17 =	sld [smem:$0x3FFB];
	_ =	sdelay $0x3  }
0x92: {  	_ =	strace s17  }
0x93: {  	s2 =	sld [smem:$0x3FFC];
	_ =	sdelay $0x3  }
0x94: {  	_ =	strace s2  }
0x95: {  	s2 =	sld [smem:$0x3FFD];
	_ =	sdelay $0x3  }
0x96: {  	_ =	strace s2  }
0x97: {  	_ =	strace $0x8FFFFFFF  }
0x98: {  	s18 =	sld [smem:$0x3FDB];
	_ =	sdelay $0x1  }
0x99: {  	s19 =	simm.s32 $_scs_section_size  }
0x9a: {  	s4 =	simm.s32 $_size__tile_overlayer_lowered;
	s5 =	simm.s32 $_tile_overlayer_lowered  }
0x9b: {  	s22 =	simm.s32 $0x1BFF;
	s21 =	sshll.u32 s5, $0x1;
	s2 =	sadd.s32 s19, s18  }
0x9c: {  	s6 =	simm.s32 $0x0;
	s20 =	sshll.u32 s4, $0x1;
	s4 =	sadd.s32 s21, s2  }
0x9d: {  	[timem:s6], [sflag:s22] =	dma.local [hbm:s4], s20  }
0x9e: {  	_ =	swait.ge [sflag:s22], s20  }
0x9f: {  	s3 =	ssub.s32 $0x0, s20;
	[sflag:s22] =	ssyncset.done $0x0  }
0xa0: {  	[sflag:s22] =	ssyncadd.s32 s3;
	_ =	sdelay $0x1  }
0xa1: {  	s23 =	simm.s32 $0x1B8B  }
0xa2: {  	_ =	swait.ge [sflag:s23], $0x1  }
0xa3: {  	[sflag:s23] =	ssyncset.done $0x0  }
0xa4: {  	s25 =	simm.s32 $0x1B8E;
	s24 =	sld [smem:$0x3FFE];
	[sflag:s23] =	ssyncadd.s32 $0xFFFFFFFF  }
0xa5: {  	s26 =	simm.s32 $execute0_lowered;
	[smem:$0x3FD2] =	sst s25  }
0xa6: {  	s4 =	sshll.u32 s26, $0x1;
	_ =	strace $0x8000005B;
	[dreg:$0x1] =	wrdreg $0xFFFFFFFF  }
0xa7: {  	s28 =	simm.s32 $_size_execute0_lowered;
	s2 =	sadd.s32 s2, s4;
	[dreg:$0x0] =	wrdreg $0x0  }
0xa8: {  	s4 =	sshll.u32 s28, $0x1;
	[dreg:$0x2] =	wrdreg s2  }
0xa9: {  	[dreg:$0x3] =	wrdreg s4  }
0xaa: {  	[dreg:$0x4] =	wrdreg $0xC0  }
0xab: {  	_ =	task [dreg:s6], $0x5FFFF  }
0xac: {  	[dreg:$0x1] =	wrdreg $0xFFFFFFFF  }
0xad: {  	[dreg:$0x0] =	wrdreg $0x60  }
0xae: {  	[dreg:$0x2] =	wrdreg s24  }
0xaf: {  	[dreg:$0x3] =	wrdreg $0x58000  }
0xb0: {  	[dreg:$0x4] =	wrdreg $0x9  }
0xb1: {  	_ =	task.clear_ibuf [dreg:s6], $0x5FFFF;
	_ =	strace $0x9000005B  }
0xb2: {  	s29 =	simm.s32 $0x9;
	_ =	strace $0x8000005D  }
0xb3: {  	_ =	swait.ge [sflag:s29], $0x1  }
0xb4: {  	[sflag:s29] =	ssyncadd.s32 $0xFFFFFFFF  }
0xb5: {  	_ =	strace $0x9000005D  }
0xb6: {  	_ =	sfence  }
0xb7: {  	s30 =	sld [smem:$0x0];
	_ =	sdelay $0x2  }
0xb8: {  	s31 =	sshll.u32 s1, $0xD;
	s1 =	sshrl.u32 s1, $0x2  }
0xb9: {  	s3 =	sand.u32 $0x4000, s31;
	s1 =	sadd.s32 s1, s30  }
0xba: {  	s0 =	sor.u32 s3, s0;
	s1 =	sshll.u32 s1, $0x11  }
0xbb: {  	s0 =	sor.u32 s1, s0  }
0xbc: {  	s0 =	sadd.s32 $0x8F2B, s0  }
0xbd: {  	[sflag:s0] =	ssyncadd.remote.s32 $0x1  }
0xbe: {  	_ =	sfence.sel $0xFFFF  }
0xbf: {  	[dreg:$0x0] =	wrdreg $0xFFFFFFFF;
	(pc) =	sbr.abs _section_cstart, $3  }
0xc0: {  	[dreg:$0x1] =	wrdreg $0xFFFFFFFF  }
0xc1: {  	_ =	task.clear_ibuf [dreg:s6], $0x2FFFF;
	_ =	strace $0x9FFFFFFF  }
0xc2: {  	(tm) =	ssettm $0x7FFFFFFF  }
0xc3: {  	_ =	shalt  }
tec
execute0_lowered:
.L_overlay_start_1:
0x0: {  	(tag) =	ssettag $0x1  }
0x1: {  	s0 =	srdreg.scid;
	s6 =	rddreg [dreg:$0x0]  }
0x2: {  	s2 =	rddreg [dreg:$0x1];
	s3 =	simm.s32 $0x0;
	s14 =	simm.s32 $0x80  }
0x3: {  	s15 =	simm.s32 $0x5000;
	s5 =	sand.u32 $0x1, s0;
	s0 =	stileid.u32  }
0x4: {  	s16 =	simm.s32 $0x1;
	s17 =	simm.s32 $0x0;
	s8 =	smul.u32 $0x500, s0  }
0x5: {  	[smem:$0x7FF] =	sst s3;
	s1 =	sshll.u32 s5, $0x4;
	s9 =	smul.u32 $0x5000, s5  }
0x6: {  	s5 =	ssub.s32 $0x2, s5;
	s10 =	smul.u32 $0x2800, s0;
	s31 =	sshll.u32 s0, $0x6  }
0x7: {  	s4 =	sor.u32 s0, s1;
	s1 =	rddreg [dreg:$0x2];
	_ =	strace $0x8000005C  }
0x8: {  	s29 =	sshrl.u32 s5, $0x1;
	s7 =	smul.u32 $0x500, s4;
	s4 =	sadd.s32 $0x17C00, s6  }
0x9: {  	s28 =	sadd.s32 s8, s9;
	s12 =	ssub.s32 s5, s29;
	s30 =	sshrl.u32 s10, $0x3  }
0xa: {  	s13 =	sadd.s32 s10, s2;
	s9 =	sadd.s32 s28, s6;
	s5 =	sadd.s32 s4, s30  }
0xb: {  	s10 =	smax.u32 s12, $0x1;
	s12 =	simm.s32 $0x2;
	s11 =	sadd.s32 s7, s6  }
0xc: {  	s6 =	sor.u32 $0x1C02, s31;
	s9 =	sadd.s32 $0x1CC00, s9;
	s7 =	sadd.s32 $0xDC00, s11  }
0xd: {  	s8 =	sadd.s32 $0x3C00, s11;
	s11 =	sshrl.u32 s13, $0x3;
	s13 =	simm.s32 $0x2800  }
.LBB2_1:
0xe: {  	[spmem:s11], [sflag:s6] =	dma.local [hbm:s5], $0x500  }
0xf: {  	_ =	swait.ge [sflag:s12], $0x500  }
0x10: {  	[sflag:s12] =	ssyncset.done $0x0  }
0x11: {  	[sflag:s12] =	ssyncadd.s32 $0xFFFFFB00  }
0x12: {  	[tilespmem:s3], [sflag:$0x2] =	stream.linear.gather [hbm4b:s7+s3], $0x2800, $0x38;
	[tilespmem:$0x8000] =	vst v63  }
0x13: {  	_ =	swait.ge [sflag:s12], $0x2800  }
0x14: {  	[sflag:s12] =	ssyncset.done $0x0  }
0x15: {  	[sflag:s12] =	ssyncadd.s32 $0xFFFFD800  }
0x16: {  	[tilespmem:s13], [sflag:$0x2] =	stream.linear.gather [hbm4b:s8+s3], $0x2800, $0x38;
	[tilespmem:$0x8000] =	vst v63  }
0x17: {  	_ =	swait.ge [sflag:s12], $0x2800  }
0x18: {  	[sflag:s12] =	ssyncset.done $0x0  }
0x19: {  	[sflag:s12] =	ssyncadd.s32 $0xFFFFD800  }
0x1a: {  	s18 =	simm.s32 $0x0;
	[bflag:$0x0] =	sbarrier.arrive $0xFFFF  }
0x1b: {  	[tilespmem:s15], [sflag:$0x1] =	stream.indirect.gather [hbm4b:s4+s14], $0x10, s18, s14, $0xb8;
	[tilespmem:$0x8000] =	vst v63  }
0x1c: {  	_ =	swait.ge [sflag:s16], $0x800  }
0x1d: {  	[sflag:s16] =	ssyncset.done $0x0  }
0x1e: {  	s31 =	simm.s32 $0x2800;
	[sflag:s16] =	ssyncadd.s32 $0xFFFFF800  }
0x1f: {  	[spmem:s2] =	stream.indirect.scatter.add.f32 [tilespmem:s15], [sflag:$0x2], $0x10, s31, s14, $0xb8;
	[tilespmem:$0x8000] =	vst v63  }
0x20: {  	_ =	swait.ge [sflag:s12], $0x800  }
0x21: {  	s19 =	simm.s32 $0x400;
	s18 =	simm.s32 $0x200;
	[sflag:s12] =	ssyncset.done $0x0  }
.LBB2_2:
0x22: {  	s20 =	sshra.s32 s18, $0x2  }
0x23: {  	[sflag:s12] =	ssyncadd.s32 $0xFFFFF800;
	s18 =	smov.u32 s19;
	s21 =	sadd.s32 $0x200, s19  }
0x24: {  	[tilespmem:s15], [sflag:$0x1] =	stream.indirect.gather [hbm4b:s4+s14], $0x10, s20, s14, $0xb8;
	[tilespmem:$0x8000] =	vst v63  }
0x25: {  	p0 =	sne.s32 s19, $0x9E00;
	_ =	swait.ge [sflag:s16], $0x800  }
.Ltmp0:
0x26: {  	[sflag:s16] =	ssyncset.done $0x0;
	(pc) =	sbr.rel @p0 .LBB2_2-.Ltmp0, $4  }
0x27: {  	s19 =	sadd.s32 $0x2800, s20;
	[sflag:s16] =	ssyncadd.s32 $0xFFFFF800  }
0x28: {  	[spmem:s2] =	stream.indirect.scatter.add.f32 [tilespmem:s15], [sflag:$0x2], $0x10, s19, s14, $0xb8;
	[tilespmem:$0x8000] =	vst v63  }
0x29: {  	_ =	swait.ge [sflag:s12], $0x800  }
0x2a: {  	s19 =	smov.u32 s21;
	[sflag:s12] =	ssyncset.done $0x0  }
0x2b: {  	s18 =	sshra.s32 s18, $0x2;
	[sflag:s12] =	ssyncadd.s32 $0xFFFFF800  }
0x2c: {  	[tilespmem:s15], [sflag:$0x1] =	stream.indirect.gather [hbm4b:s4+s14], $0x10, s18, s14, $0xb8;
	[tilespmem:$0x8000] =	vst v63  }
0x2d: {  	_ =	swait.ge [sflag:s16], $0x800  }
0x2e: {  	[sflag:s16] =	ssyncset.done $0x0  }
0x2f: {  	s18 =	sadd.s32 $0x2800, s18;
	[sflag:s16] =	ssyncadd.s32 $0xFFFFF800  }
0x30: {  	[spmem:s2] =	stream.indirect.scatter.add.f32 [tilespmem:s15], [sflag:$0x2], $0x10, s18, s14, $0xb8;
	[tilespmem:$0x8000] =	vst v63  }
0x31: {  	_ =	swait.ge [sflag:s12], $0x800  }
0x32: {  	s17 =	sadd.s32 $0x1, s17;
	[sflag:s12] =	ssyncset.done $0x0  }
0x33: {  	p0 =	sne.s32 s17, s10;
	[sflag:s12] =	ssyncadd.s32 $0xFFFFF800  }
.Ltmp1:
0x34: {  	[bflag:$0x0] =	sbarrier.arrive $0xFFFF;
	(pc) =	sbr.rel @p0 .LBB2_1-.Ltmp1, $4  }
0x35: {  	[hbm:s9], [sflag:s6] =	dma.local [spmem:s11], $0x500  }
0x36: {  	_ =	swait.ge [sflag:s12], $0x500  }
0x37: {  	[sflag:s12] =	ssyncset.done $0x0  }
0x38: {  	[sflag:s12] =	ssyncadd.s32 $0xFFFFFB00  }
0x39: {  	_ =	sfence.sel $0x180000  }
0x3a: {  	[bflag:$0x0] =	sbarrier.arrive $0xFFFF  }
0x3b: {  	p0 =	sne.s32 s0, $0x0;
	_ =	strace $0x9000005C  }
0x3c: {  	s0 =	sadd.s32 @!p0 $0x100000, s1;
	[bflag:$0x2] =	sbarrier.arrive $0xFFFF  }
0x3d: {  	[sflag:s0] =	ssyncadd.tile.s32 @!p0 $0x1;
	_ =	shalt  }
.Lfunc_end2:
_tile_overlayer_lowered:
.L_overlay_start_2:
0x3e: {  	(tag) =	ssettag $0x2  }
0x3f: {  	s0 =	rddreg [dreg:$0x0];
	s2 =	stileid.u32  }
0x40: {  	s1 =	rddreg [dreg:$0x1];
	p0 =	sne.s32 s2, $0x0  }
0x41: {  	s3 =	rddreg [dreg:$0x2];
	[bflag:$0x3] =	sbarrier.arrive $0xFFFF;
	s2 =	simm.s32 @!p0 $0x1C02  }
0x42: {  	[timem:s3], [sflag:s2] =	dma.local @!p0 [hbm:s0], s1  }
0x43: {  	s0 =	simm.s32 @!p0 $0x2  }
0x44: {  	_ =	swait.ge @!p0 [sflag:s0], s1  }
0x45: {  	s1 =	ssub.s32 @!p0 $0x0, s1;
	[sflag:s0] =	ssyncset.done @!p0 $0x0  }
0x46: {  	[sflag:s0] =	ssyncadd.s32 @!p0 s1  }
0x47: {  	[bflag:$0x3] =	sbarrier.arrive $0xFFFF  }
0x48: {  	_ =	shalt  }

</sc_bundles>
